<compile_context>
chip_gen: v7x
topology: tpu7x:2x2x1
jax: 0.10.2.dev20260603
libtpu: 0.0.44.dev20260713+nightly
codegen_flags: <defaults>
</compile_context>

<pallas_src>
import functools
import jax
import jax.numpy as jnp
from jax import lax
from jax.experimental import pallas as pl
from jax.experimental.pallas import tpu as pltpu
from jax.experimental.pallas import tpu_sc as plsc

NW = 32
NSC_TILES = 16

N_NODES = 10000
E_EDGES = 320000
M_EE = 640000
D = 128
NH = 8
HD = 16
DFF = 256

BE = 1000
BM = 2000
BN = 1000


def _dotT(x, w):
    return lax.dot_general(x, w, (((1,), (1,)), ((), ())),
                           preferred_element_type=jnp.float32)


def _ln_rows(x, g, b):
    m = jnp.mean(x, axis=-1, keepdims=True)
    v = jnp.mean((x - m) ** 2, axis=-1, keepdims=True)
    return (x - m) / jnp.sqrt(v + 1e-5) * g + b


def _qkv_body(e_ref, wq_ref, bq_ref, wk_ref, bk_ref, wv_ref, bv_ref,
              q_ref, k_ref, v_ref):
    e = e_ref[...]
    q_ref[...] = _dotT(e, wq_ref[...]) + bq_ref[...]
    k_ref[...] = _dotT(e, wk_ref[...]) + bk_ref[...]
    v_ref[...] = _dotT(e, wv_ref[...]) + bv_ref[...]


def _qkv(edge_attr, Wq, bq, Wk, bk, Wv, bv):
    nblk = E_EDGES // BE
    blk = pl.BlockSpec((BE, D), lambda i: (i, 0))
    wblk = pl.BlockSpec((D, D), lambda i: (0, 0))
    bblk = pl.BlockSpec((1, D), lambda i: (0, 0))
    out = jax.ShapeDtypeStruct((E_EDGES, D), jnp.float32)
    return pl.pallas_call(
        _qkv_body,
        grid=(nblk,),
        in_specs=[blk, wblk, bblk, wblk, bblk, wblk, bblk],
        out_specs=[blk, blk, blk],
        out_shape=[out, out, out],
    )(edge_attr, Wq, bq.reshape(1, D), Wk, bk.reshape(1, D),
      Wv, bv.reshape(1, D))


def _ex_body(s_ref, awbd_ref, ex_ref):
    s = jnp.maximum(s_ref[...], 0.0)
    raw = lax.dot_general(s, awbd_ref[...], (((1,), (0,)), ((), ())),
                          preferred_element_type=jnp.float32)
    ex16 = jnp.exp(raw)
    row = lax.broadcasted_iota(jnp.int32, (16, D), 0)
    col = lax.broadcasted_iota(jnp.int32, (16, D), 1)
    sel = jnp.where(col // HD == row, 1.0, 0.0)
    ex_ref[...] = lax.dot_general(ex16, sel, (((1,), (0,)), ((), ())),
                                  preferred_element_type=jnp.float32)


def _ex_from_s(s, AwBD):
    nblk = M_EE // BM
    return pl.pallas_call(
        _ex_body,
        grid=(nblk,),
        in_specs=[pl.BlockSpec((BM, D), lambda i: (i, 0)),
                  pl.BlockSpec((D, 16), lambda i: (0, 0))],
        out_specs=pl.BlockSpec((BM, D), lambda i: (i, 0)),
        out_shape=jax.ShapeDtypeStruct((M_EE, D), jnp.float32),
    )(s, AwBD)


def _edge_out_body(e_ref, acc_ref, den_ref, woe_ref, boe_ref, g_ref, b_ref,
                   out_ref):
    den_exp = 1.0 / (den_ref[...] + 1e-16)
    attn_out = _dotT(acc_ref[...] * den_exp, woe_ref[...]) + boe_ref[...]
    out_ref[...] = _ln_rows(e_ref[...] + attn_out, g_ref[...], b_ref[...])


def _edge_out(edge_attr, acc, den, Woe, boe, g_e, b_e):
    nblk = E_EDGES // BE
    blk = pl.BlockSpec((BE, D), lambda i: (i, 0))
    return pl.pallas_call(
        _edge_out_body,
        grid=(nblk,),
        in_specs=[blk,
                  blk,
                  pl.BlockSpec((BE, D), lambda i: (i, 0)),
                  pl.BlockSpec((D, D), lambda i: (0, 0)),
                  pl.BlockSpec((1, D), lambda i: (0, 0)),
                  pl.BlockSpec((1, D), lambda i: (0, 0)),
                  pl.BlockSpec((1, D), lambda i: (0, 0))],
        out_specs=blk,
        out_shape=jax.ShapeDtypeStruct((E_EDGES, D), jnp.float32),
    )(edge_attr, acc, den, Woe, boe.reshape(1, D), g_e.reshape(1, D),
      b_e.reshape(1, D))


def _ffn_body(eo_ref, w1_ref, b1_ref, w2_ref, b2_ref, g_ref, b_ref, out_ref):
    eo = eo_ref[...]
    h1 = jnp.maximum(_dotT(eo, w1_ref[...]) + b1_ref[...], 0.0)
    h2 = _dotT(h1, w2_ref[...]) + b2_ref[...]
    out_ref[...] = _ln_rows(eo + h2, g_ref[...], b_ref[...])


def _ffn(edge_out, W1, b1, W2, b2, g_e2, b_e2):
    nblk = E_EDGES // BE
    blk = pl.BlockSpec((BE, D), lambda i: (i, 0))
    return pl.pallas_call(
        _ffn_body,
        grid=(nblk,),
        in_specs=[blk,
                  pl.BlockSpec((DFF, D), lambda i: (0, 0)),
                  pl.BlockSpec((1, DFF), lambda i: (0, 0)),
                  pl.BlockSpec((D, DFF), lambda i: (0, 0)),
                  pl.BlockSpec((1, D), lambda i: (0, 0)),
                  pl.BlockSpec((1, D), lambda i: (0, 0)),
                  pl.BlockSpec((1, D), lambda i: (0, 0))],
        out_specs=blk,
        out_shape=jax.ShapeDtypeStruct((E_EDGES, D), jnp.float32),
    )(edge_out, W1, b1.reshape(1, DFF), W2, b2.reshape(1, D),
      g_e2.reshape(1, D), b_e2.reshape(1, D))


def _node_body(x_ref, a0_ref, a1_ref, wov_ref, bov_ref, g_ref, b_ref, out_ref):
    agg = a0_ref[...] + a1_ref[...]
    no = _dotT(agg, wov_ref[...]) + bov_ref[...]
    out_ref[...] = _ln_rows(x_ref[...] + no, g_ref[...], b_ref[...])


def _node_out(x, agg0, agg1, Wov, bov, g_v, b_v):
    nblk = N_NODES // BN
    blk = pl.BlockSpec((BN, D), lambda i: (i, 0))
    return pl.pallas_call(
        _node_body,
        grid=(nblk,),
        in_specs=[blk, blk, blk,
                  pl.BlockSpec((D, D), lambda i: (0, 0)),
                  pl.BlockSpec((1, D), lambda i: (0, 0)),
                  pl.BlockSpec((1, D), lambda i: (0, 0)),
                  pl.BlockSpec((1, D), lambda i: (0, 0))],
        out_specs=blk,
        out_shape=jax.ShapeDtypeStruct((N_NODES, D), jnp.float32),
    )(x, agg0, agg1, Wov, bov.reshape(1, D), g_v.reshape(1, D),
      b_v.reshape(1, D))


PB = 200


def _pair_sums_body(kh_hbm, qh_hbm, src_hbm, dst_hbm, s_hbm,
                    sidx, didx, kbuf, qbuf, sem1, sem2):
    wid = lax.axis_index("s") * 2 + lax.axis_index("c")
    per = M_EE // NW
    base0 = wid * per

    def step(j, carry):
        base = base0 + j * PB
        pltpu.sync_copy(src_hbm.at[pl.ds(base, PB)], sidx)
        pltpu.sync_copy(dst_hbm.at[pl.ds(base, PB)], didx)
        cp1 = pltpu.async_copy(kh_hbm.at[sidx], kbuf, sem1)
        cp2 = pltpu.async_copy(qh_hbm.at[didx], qbuf, sem2)
        cp1.wait()
        cp2.wait()

        def row(i, c):
            for h in range(D // 16):
                sl = pl.ds(h * 16, 16)
                kbuf[i, sl] = kbuf[i, sl] + qbuf[i, sl]
            return c

        lax.fori_loop(0, PB, row, 0)
        pltpu.sync_copy(kbuf, s_hbm.at[pl.ds(base, PB)])
        return carry

    lax.fori_loop(0, per // PB, step, 0)


def _pair_sums(Qh, Kh, src, dst):
    mesh = plsc.VectorSubcoreMesh(core_axis_name="c", subcore_axis_name="s")
    f = pl.kernel(
        _pair_sums_body,
        out_type=jax.ShapeDtypeStruct((M_EE, D), jnp.float32),
        mesh=mesh,
        scratch_types=[
            pltpu.VMEM((PB,), jnp.int32),
            pltpu.VMEM((PB,), jnp.int32),
            pltpu.VMEM((PB, D), jnp.float32),
            pltpu.VMEM((PB, D), jnp.float32),
            pltpu.SemaphoreType.DMA,
            pltpu.SemaphoreType.DMA,
        ],
    )
    return f(Kh, Qh, src, dst)


CR = 3200
NCH_SC = (E_EDGES // CR) // 2
SB = 1600
CAP = 1280
GB = 64
ZR = CR // NSC_TILES


def _seg_body(vh_hbm, ex_hbm, src_hbm, dst_hbm, acc_hbm, den_hbm,
              acc_sp, den_sp, srcbuf, dstbuf, mlist, slist, dlist,
              vbuf, erbuf, sem1, sem2):
    cid = lax.axis_index("c")
    sid = lax.axis_index("s")
    scan0 = sid * (M_EE // NSC_TILES)
    iota16 = lax.iota(jnp.int32, 16)

    def _zero_vbuf():
        def zrow(i, c):
            for h in range(D // 16):
                vbuf[i, pl.ds(h * 16, 16)] = jnp.zeros((16,), jnp.float32)
            return c
        lax.fori_loop(0, GB, zrow, 0)

    def _restore_zero():
        nfull = ZR // GB
        rem = ZR - nfull * GB
        for r in range(nfull):
            pltpu.sync_copy(vbuf, acc_sp.at[pl.ds(sid * ZR + r * GB, GB)])
            pltpu.sync_copy(vbuf, den_sp.at[pl.ds(sid * ZR + r * GB, GB)])
        if rem:
            pltpu.sync_copy(vbuf.at[pl.ds(0, rem)],
                            acc_sp.at[pl.ds(sid * ZR + nfull * GB, rem)])
            pltpu.sync_copy(vbuf.at[pl.ds(0, rem)],
                            den_sp.at[pl.ds(sid * ZR + nfull * GB, rem)])

    _zero_vbuf()
    _restore_zero()
    plsc.subcore_barrier()

    def chunk_body(slot, carry0):
        chunk = slot * 2 + cid
        lo = pl.multiple_of(chunk * CR, CR)
        hi = lo + CR

        def pre(r, c):
            for cc in range(GB // 16):
                sl = pl.ds(cc * 16, 16)
                mlist[r, sl] = jnp.full((16,), M_EE, jnp.int32)
                slist[r, sl] = jnp.zeros((16,), jnp.int32)
                dlist[r, sl] = jnp.zeros((16,), jnp.int32)
            return c
        lax.fori_loop(0, CAP // GB + 1, pre, 0)

        def scan_block(b, n):
            sbase = scan0 + b * SB
            pltpu.sync_copy(src_hbm.at[pl.ds(sbase, SB)], srcbuf)
            pltpu.sync_copy(dst_hbm.at[pl.ds(sbase, SB)], dstbuf)

            def vecit(i, n):
                dstv = dstbuf[pl.ds(i * 16, 16)]
                srcv = srcbuf[pl.ds(i * 16, 16)]
                mvec = (sbase + i * 16) + iota16
                m = (dstv >= lo) & (dstv < hi)
                ones = jnp.where(m, 1.0, 0.0)
                cum = plsc.cumsum(ones).astype(jnp.int32)
                pos = jnp.minimum(n, CAP - 16)
                tgt = jnp.where(m, pos + cum - 1, CAP + iota16)
                tr = tgt // GB
                tc = tgt - tr * GB
                plsc.store_scatter(mlist, [tr, tc], mvec)
                plsc.store_scatter(slist, [tr, tc], srcv)
                plsc.store_scatter(dlist, [tr, tc], dstv - lo)
                return pos + jnp.sum(ones).astype(jnp.int32)

            return lax.fori_loop(0, SB // 16, vecit, n)

        n = lax.fori_loop(0, (M_EE // NSC_TILES) // SB, scan_block, 0)
        nb = (n + GB - 1) // GB

        def gather_block(g, c):
            cpv = pltpu.async_copy(vh_hbm.at[slist.at[g]], vbuf, sem1)
            cpe = pltpu.async_copy(ex_hbm.at[mlist.at[g]], erbuf, sem2)
            cpv.wait()
            cpe.wait()

            def scale(p, c2):
                for h in range(NH):
                    sl = pl.ds(h * 16, 16)
                    vbuf[p, sl] = vbuf[p, sl] * erbuf[p, sl]
                return c2
            lax.fori_loop(0, GB, scale, 0)

            def group(q, c2):
                dvec = dlist[g, pl.ds(q * 16, 16)]
                pltpu.sync_copy(vbuf.at[pl.ds(q * 16, 16)],
                                acc_sp.at[dvec], add=True)
                pltpu.sync_copy(erbuf.at[pl.ds(q * 16, 16)],
                                den_sp.at[dvec], add=True)
                return c2
            lax.fori_loop(0, GB // 16, group, 0)
            return c

        lax.fori_loop(0, nb, gather_block, 0)
        _zero_vbuf()
        plsc.subcore_barrier()

        wbase = pl.multiple_of(lo + sid * ZR, 8)
        pltpu.sync_copy(acc_sp.at[pl.ds(sid * ZR, ZR)],
                        acc_hbm.at[pl.ds(wbase, ZR)])
        pltpu.sync_copy(den_sp.at[pl.ds(sid * ZR, ZR)],
                        den_hbm.at[pl.ds(wbase, ZR)])
        _restore_zero()
        plsc.subcore_barrier()
        return carry0

    lax.fori_loop(0, NCH_SC, chunk_body, 0)


def _segment_acc(Vh, ex, src, dst):
    ex2 = jnp.concatenate([ex, jnp.zeros((16, D), jnp.float32)], axis=0)
    mesh = plsc.VectorSubcoreMesh(core_axis_name="c", subcore_axis_name="s")
    f = pl.kernel(
        _seg_body,
        compiler_params=pltpu.CompilerParams(needs_layout_passes=False),
        out_type=[jax.ShapeDtypeStruct((E_EDGES, D), jnp.float32),
                  jax.ShapeDtypeStruct((E_EDGES, D), jnp.float32)],
        mesh=mesh,
        scratch_types=[
            pltpu.VMEM_SHARED((CR, D), jnp.float32),
            pltpu.VMEM_SHARED((CR, D), jnp.float32),
            pltpu.VMEM((SB,), jnp.int32),
            pltpu.VMEM((SB,), jnp.int32),
            pltpu.VMEM((CAP // GB + 1, GB), jnp.int32),
            pltpu.VMEM((CAP // GB + 1, GB), jnp.int32),
            pltpu.VMEM((CAP // GB + 1, GB), jnp.int32),
            pltpu.VMEM((GB, D), jnp.float32),
            pltpu.VMEM((GB, D), jnp.float32),
            pltpu.SemaphoreType.DMA,
            pltpu.SemaphoreType.DMA,
        ],
    )
    acc, den = f(Vh, ex2, src, dst)
    return acc, den


EB = 80
NPT = N_NODES // NSC_TILES


def _node_agg_body(eo_hbm, nidx_hbm, out_hbm, agg_sp, ebuf, ibuf, zbuf, sem):
    cid = lax.axis_index("c")
    sid = lax.axis_index("s")

    def zrow(i, c):
        for h in range(D // 16):
            zbuf[i, pl.ds(h * 16, 16)] = jnp.zeros((16,), jnp.float32)
        return c
    lax.fori_loop(0, 200, zrow, 0)

    @pl.when(sid < 10)
    def _():
        for r in range(1000 // 200):
            pltpu.sync_copy(zbuf, agg_sp.at[pl.ds(sid * 1000 + r * 200, 200)])
    plsc.subcore_barrier()

    base0 = (cid * NSC_TILES + sid) * (E_EDGES // NW)

    def step(j, carry):
        base = base0 + j * EB
        pltpu.sync_copy(eo_hbm.at[pl.ds(base, EB)], ebuf)
        pltpu.sync_copy(nidx_hbm.at[pl.ds(base, EB)], ibuf)

        def group(g, c):
            dvec = ibuf[pl.ds(g * 16, 16)]
            pltpu.sync_copy(ebuf.at[pl.ds(g * 16, 16)], agg_sp.at[dvec],
                            add=True)
            return c

        lax.fori_loop(0, EB // 16, group, 0)
        return carry

    lax.fori_loop(0, (E_EDGES // NW) // EB, step, 0)
    plsc.subcore_barrier()

    @pl.when(sid < 10)
    def _():
        pltpu.sync_copy(agg_sp.at[pl.ds(sid * 1000, 1000)],
                        out_hbm.at[cid, pl.ds(sid * 1000, 1000)])


def _node_agg(edge_out, nidx):
    mesh = plsc.VectorSubcoreMesh(core_axis_name="c", subcore_axis_name="s")
    f = pl.kernel(
        _node_agg_body,
        out_type=jax.ShapeDtypeStruct((2, N_NODES, D), jnp.float32),
        mesh=mesh,
        scratch_types=[
            pltpu.VMEM_SHARED((N_NODES, D), jnp.float32),
            pltpu.VMEM((EB, D), jnp.float32),
            pltpu.VMEM((EB,), jnp.int32),
            pltpu.VMEM((200, D), jnp.float32),
            pltpu.SemaphoreType.DMA,
        ],
    )
    agg = f(edge_out, nidx)
    return agg[0], agg[1]


def kernel(x, edge_attr, edge_index, edge_edge_index, Wq, bq, Wk, bk, Wv, bv, Aw,
           Woe, boe, Wov, bov, g_e, b_e, g_v, b_v, W1, b1, W2, b2, g_e2, b_e2):
    src = edge_edge_index[0]
    dst = edge_edge_index[1]

    Qh, Kh, Vh = _qkv(edge_attr, Wq, bq, Wk, bk, Wv, bv)

    AwBD = jnp.zeros((NH, HD, NH), jnp.float32)
    AwBD = AwBD.at[jnp.arange(NH), :, jnp.arange(NH)].set(Aw[:, :, 0].T)
    AwBD = AwBD.reshape(D, NH)
    AwBD = jnp.concatenate([AwBD, jnp.zeros((D, 8), jnp.float32)], axis=1)

    s = _pair_sums(Qh, Kh, src, dst)
    ex = _ex_from_s(s, AwBD)
    acc, den = _segment_acc(Vh, ex, src, dst)
    edge_out = _edge_out(edge_attr, acc, den, Woe, boe, g_e, b_e)
    agg0, agg1 = _node_agg(edge_out, edge_index[1])
    node_out = _node_out(x, agg0, agg1, Wov, bov, g_v, b_v)
    edge_ffn = _ffn(edge_out, W1, b1, W2, b2, g_e2, b_e2)
    return edge_ffn, node_out

# --- scband reference (transcript-rebuilt; emitter-appended) ---
"""Pipeline reference for scband-graphormer-edge-layer-78692390797924 (READ-ONLY COPY).

The authoritative reference and input builder live on the scoring server;
editing this copy changes nothing except your own understanding.
"""

import jax, jax.numpy as jnp
import numpy as np

N_NODES = 10000
E_EDGES = 320000
M_EE = 640000
D = 128
NH = 8
HD = 16
DFF = 256


def _ln(x, g, b):
    m = jnp.mean(x, axis=-1, keepdims=True)
    v = jnp.mean((x - m) ** 2, axis=-1, keepdims=True)
    return (x - m) / jnp.sqrt(v + 1e-5) * g + b


def setup_inputs(seed: int = 0):
    key = jax.random.key(seed)
    ks = jax.random.split(key, 20)
    s = 0.05
    d = {}
    d["x"] = jax.random.normal(ks[0], (N_NODES, D), jnp.float32)
    d["edge_attr"] = jax.random.normal(ks[1], (E_EDGES, D), jnp.float32)
    d["edge_index"] = jax.random.randint(ks[2], (2, E_EDGES), 0, N_NODES)
    d["edge_edge_index"] = jax.random.randint(ks[3], (2, M_EE), 0, E_EDGES)
    d["Wq"] = jax.random.normal(ks[4], (NH * HD, D), jnp.float32) * s
    d["bq"] = jnp.zeros((NH * HD,), jnp.float32)
    d["Wk"] = jax.random.normal(ks[5], (NH * HD, D), jnp.float32) * s
    d["bk"] = jnp.zeros((NH * HD,), jnp.float32)
    d["Wv"] = jax.random.normal(ks[6], (NH * HD, D), jnp.float32) * s
    d["bv"] = jnp.zeros((NH * HD,), jnp.float32)
    d["Aw"] = jax.random.normal(ks[7], (HD, NH, 1), jnp.float32) * s
    d["Woe"] = jax.random.normal(ks[8], (D, D), jnp.float32) * s
    d["boe"] = jnp.zeros((D,), jnp.float32)
    d["Wov"] = jax.random.normal(ks[9], (D, D), jnp.float32) * s
    d["bov"] = jnp.zeros((D,), jnp.float32)
    d["g_e"] = jnp.ones((D,), jnp.float32)
    d["b_e"] = jnp.zeros((D,), jnp.float32)
    d["g_v"] = jnp.ones((D,), jnp.float32)
    d["b_v"] = jnp.zeros((D,), jnp.float32)
    d["W1"] = jax.random.normal(ks[10], (DFF, D), jnp.float32) * s
    d["b1"] = jnp.zeros((DFF,), jnp.float32)
    d["W2"] = jax.random.normal(ks[11], (D, DFF), jnp.float32) * s
    d["b2"] = jnp.zeros((D,), jnp.float32)
    d["g_e2"] = jnp.ones((D,), jnp.float32)
    d["b_e2"] = jnp.zeros((D,), jnp.float32)
    return d


def reference(x, edge_attr, edge_index, edge_edge_index, Wq, bq, Wk, bk, Wv, bv, Aw,
              Woe, boe, Wov, bov, g_e, b_e, g_v, b_v, W1, b1, W2, b2, g_e2, b_e2):
    E = edge_attr
    nE = E.shape[0]
    Qh = (E @ Wq.T + bq).reshape(nE, NH, HD)
    Kh = (E @ Wk.T + bk).reshape(nE, NH, HD)
    Vh = (E @ Wv.T + bv).reshape(nE, NH, HD)
    src = edge_edge_index[0]
    dst = edge_edge_index[1]
    score_vec = jax.nn.relu(Kh[src] + Qh[dst])
    raw = jnp.einsum('ehd,dhc->ehc', score_vec, Aw)[..., 0]
    mx = jax.ops.segment_max(raw, dst, num_segments=nE)
    mx = jnp.where(jnp.isfinite(mx), mx, 0.0)
    ex = jnp.exp(raw - mx[dst])
    den = jax.ops.segment_sum(ex, dst, num_segments=nE)[dst] + 1e-16
    attn = ex / den
    msg = Vh[src] * attn[..., None]
    edge_attn_out = jax.ops.segment_sum(msg, dst, num_segments=nE).reshape(nE, NH * HD)
    edge_attn_out = edge_attn_out @ Woe.T + boe
    edge_out = _ln(E + edge_attn_out, g_e, b_e)
    node_agg = jax.ops.segment_sum(edge_out, edge_index[1], num_segments=x.shape[0])
    node_out = node_agg @ Wov.T + bov
    node_out = _ln(x + node_out, g_v, b_v)
    h = jax.nn.relu(edge_out @ W1.T + b1) @ W2.T + b2
    edge_ffn = _ln(edge_out + h, g_e2, b_e2)
    return edge_ffn, node_out

if __name__ == "__main__":
    import jax
    _d = setup_inputs()
    print(jax.jit(kernel)(*tuple(_d.values())))

</pallas_src>

<mosaic_0001>
#map = affine_map<(d0, d1) -> (0, 0)>
#map1 = affine_map<(d0, d1) -> (0)>
#map2 = affine_map<(d0, d1) -> (0, 0, 0)>
module attributes {stable_mosaic.version = 14 : i64} {
  func.func @_node_agg_body(%arg0: i32, %arg1: i32, %arg2: memref<320000x128xf32, #tpu.memory_space<hbm>>, %arg3: memref<320000xi32, #tpu.memory_space<hbm>>, %arg4: memref<2x10000x128xf32, #tpu.memory_space<hbm>>, %arg5: memref<10000x128xf32, #tpu.memory_space<vmem_shared>>, %arg6: memref<80x128xf32, #tpu.memory_space<vmem>>, %arg7: memref<80xi32, #tpu.memory_space<vmem>>, %arg8: memref<200x128xf32, #tpu.memory_space<vmem>>, %arg9: memref<!tpu.dma_semaphore, #tpu.memory_space<semaphore_mem>>) attributes {dimension_semantics = [#tpu.dimension_semantics<core_parallel>, #tpu.dimension_semantics<subcore_parallel>], iteration_bounds = array<i64: 2, 16>, scalar_prefetch = 0 : i64, scratch_operands = 5 : i64, tpu.core_type = #tpu.core_type<sc_vector_subcore>, window_params = [{transform_indices = #map}, {transform_indices = #map1}, {transform_indices = #map2}]} {
    %scan3A = arith.constant 0 : i32
    %scan3A_0 = arith.constant 0 : i32
    %scan3A_1 = arith.constant 200 : i32
    %scan3A_2 = arith.addi %scan3A_0, %scan3A_1 : i32
    %scan3A_3 = arith.constant 1 : i32
    scf.for %scan3A_22 = %scan3A_0 to %scan3A_2 step %scan3A_3  : i32 {
      %broadcast_in_dim3A = arith.constant 0.000000e+00 : f32
      %broadcast_in_dim3A_23 = vector.broadcast %broadcast_in_dim3A : f32 to vector<16xf32>
      %swap3A = arith.index_cast %scan3A_22 : i32 to index
      %swap3A_24 = arith.constant 0 : index
      %swap3A_25 = tpu.vector_load %arg8[%swap3A, %swap3A_24] {strides = array<i32>} : memref<200x128xf32, #tpu.memory_space<vmem>>, vector<1x16xf32>,
      %swap3A_26 = vector.shape_cast %swap3A_25 : vector<1x16xf32> to vector<16xf32>
      %swap3A_27 = vector.shape_cast %broadcast_in_dim3A_23 : vector<16xf32> to vector<1x16xf32>
      tpu.vector_store %arg8[%swap3A, %swap3A_24], %swap3A_27 {strides = array<i32>} : memref<200x128xf32, #tpu.memory_space<vmem>>, vector<1x16xf32>,
      %broadcast_in_dim3A_28 = arith.constant 0.000000e+00 : f32
      %broadcast_in_dim3A_29 = vector.broadcast %broadcast_in_dim3A_28 : f32 to vector<16xf32>
      %swap3A_30 = arith.index_cast %scan3A_22 : i32 to index
      %swap3A_31 = arith.constant 16 : index
      %swap3A_32 = tpu.vector_load %arg8[%swap3A_30, %swap3A_31] {strides = array<i32>} : memref<200x128xf32, #tpu.memory_space<vmem>>, vector<1x16xf32>,
      %swap3A_33 = vector.shape_cast %swap3A_32 : vector<1x16xf32> to vector<16xf32>
      %swap3A_34 = vector.shape_cast %broadcast_in_dim3A_29 : vector<16xf32> to vector<1x16xf32>
      tpu.vector_store %arg8[%swap3A_30, %swap3A_31], %swap3A_34 {strides = array<i32>} : memref<200x128xf32, #tpu.memory_space<vmem>>, vector<1x16xf32>,
      %broadcast_in_dim3A_35 = arith.constant 0.000000e+00 : f32
      %broadcast_in_dim3A_36 = vector.broadcast %broadcast_in_dim3A_35 : f32 to vector<16xf32>
      %swap3A_37 = arith.index_cast %scan3A_22 : i32 to index
      %swap3A_38 = arith.constant 32 : index
      %swap3A_39 = tpu.vector_load %arg8[%swap3A_37, %swap3A_38] {strides = array<i32>} : memref<200x128xf32, #tpu.memory_space<vmem>>, vector<1x16xf32>,
      %swap3A_40 = vector.shape_cast %swap3A_39 : vector<1x16xf32> to vector<16xf32>
      %swap3A_41 = vector.shape_cast %broadcast_in_dim3A_36 : vector<16xf32> to vector<1x16xf32>
      tpu.vector_store %arg8[%swap3A_37, %swap3A_38], %swap3A_41 {strides = array<i32>} : memref<200x128xf32, #tpu.memory_space<vmem>>, vector<1x16xf32>,
      %broadcast_in_dim3A_42 = arith.constant 0.000000e+00 : f32
      %broadcast_in_dim3A_43 = vector.broadcast %broadcast_in_dim3A_42 : f32 to vector<16xf32>
      %swap3A_44 = arith.index_cast %scan3A_22 : i32 to index
      %swap3A_45 = arith.constant 48 : index
      %swap3A_46 = tpu.vector_load %arg8[%swap3A_44, %swap3A_45] {strides = array<i32>} : memref<200x128xf32, #tpu.memory_space<vmem>>, vector<1x16xf32>,
      %swap3A_47 = vector.shape_cast %swap3A_46 : vector<1x16xf32> to vector<16xf32>
      %swap3A_48 = vector.shape_cast %broadcast_in_dim3A_43 : vector<16xf32> to vector<1x16xf32>
      tpu.vector_store %arg8[%swap3A_44, %swap3A_45], %swap3A_48 {strides = array<i32>} : memref<200x128xf32, #tpu.memory_space<vmem>>, vector<1x16xf32>,
      %broadcast_in_dim3A_49 = arith.constant 0.000000e+00 : f32
      %broadcast_in_dim3A_50 = vector.broadcast %broadcast_in_dim3A_49 : f32 to vector<16xf32>
      %swap3A_51 = arith.index_cast %scan3A_22 : i32 to index
      %swap3A_52 = arith.constant 64 : index
      %swap3A_53 = tpu.vector_load %arg8[%swap3A_51, %swap3A_52] {strides = array<i32>} : memref<200x128xf32, #tpu.memory_space<vmem>>, vector<1x16xf32>,
      %swap3A_54 = vector.shape_cast %swap3A_53 : vector<1x16xf32> to vector<16xf32>
      %swap3A_55 = vector.shape_cast %broadcast_in_dim3A_50 : vector<16xf32> to vector<1x16xf32>
      tpu.vector_store %arg8[%swap3A_51, %swap3A_52], %swap3A_55 {strides = array<i32>} : memref<200x128xf32, #tpu.memory_space<vmem>>, vector<1x16xf32>,
      %broadcast_in_dim3A_56 = arith.constant 0.000000e+00 : f32
      %broadcast_in_dim3A_57 = vector.broadcast %broadcast_in_dim3A_56 : f32 to vector<16xf32>
      %swap3A_58 = arith.index_cast %scan3A_22 : i32 to index
      %swap3A_59 = arith.constant 80 : index
      %swap3A_60 = tpu.vector_load %arg8[%swap3A_58, %swap3A_59] {strides = array<i32>} : memref<200x128xf32, #tpu.memory_space<vmem>>, vector<1x16xf32>,
      %swap3A_61 = vector.shape_cast %swap3A_60 : vector<1x16xf32> to vector<16xf32>
      %swap3A_62 = vector.shape_cast %broadcast_in_dim3A_57 : vector<16xf32> to vector<1x16xf32>
      tpu.vector_store %arg8[%swap3A_58, %swap3A_59], %swap3A_62 {strides = array<i32>} : memref<200x128xf32, #tpu.memory_space<vmem>>, vector<1x16xf32>,
      %broadcast_in_dim3A_63 = arith.constant 0.000000e+00 : f32
      %broadcast_in_dim3A_64 = vector.broadcast %broadcast_in_dim3A_63 : f32 to vector<16xf32>
      %swap3A_65 = arith.index_cast %scan3A_22 : i32 to index
      %swap3A_66 = arith.constant 96 : index
      %swap3A_67 = tpu.vector_load %arg8[%swap3A_65, %swap3A_66] {strides = array<i32>} : memref<200x128xf32, #tpu.memory_space<vmem>>, vector<1x16xf32>,
      %swap3A_68 = vector.shape_cast %swap3A_67 : vector<1x16xf32> to vector<16xf32>
      %swap3A_69 = vector.shape_cast %broadcast_in_dim3A_64 : vector<16xf32> to vector<1x16xf32>
      tpu.vector_store %arg8[%swap3A_65, %swap3A_66], %swap3A_69 {strides = array<i32>} : memref<200x128xf32, #tpu.memory_space<vmem>>, vector<1x16xf32>,
      %broadcast_in_dim3A_70 = arith.constant 0.000000e+00 : f32
      %broadcast_in_dim3A_71 = vector.broadcast %broadcast_in_dim3A_70 : f32 to vector<16xf32>
      %swap3A_72 = arith.index_cast %scan3A_22 : i32 to index
      %swap3A_73 = arith.constant 112 : index
      %swap3A_74 = tpu.vector_load %arg8[%swap3A_72, %swap3A_73] {strides = array<i32>} : memref<200x128xf32, #tpu.memory_space<vmem>>, vector<1x16xf32>,
      %swap3A_75 = vector.shape_cast %swap3A_74 : vector<1x16xf32> to vector<16xf32>
      %swap3A_76 = vector.shape_cast %broadcast_in_dim3A_71 : vector<16xf32> to vector<1x16xf32>
      tpu.vector_store %arg8[%swap3A_72, %swap3A_73], %swap3A_76 {strides = array<i32>} : memref<200x128xf32, #tpu.memory_space<vmem>>, vector<1x16xf32>,
    }
    %scan3A_4 = arith.constant 200 : i32
    %lt3A = arith.constant 10 : i32
    %lt3A_5 = arith.cmpi slt, %arg1, %lt3A : i32
    %convert_element_type3A = arith.extui %lt3A_5 : i1 to i32
    %cond3A = arith.constant 0 : i32
    %cond3A_6 = arith.cmpi ne, %convert_element_type3A, %cond3A : i32
    scf.if %cond3A_6 {
      %mul3A_22 = arith.constant 1000 : i32
      %mul3A_23 = arith.muli %arg1, %mul3A_22 : i32
      %add3A_24 = arith.constant 0 : i32
      %add3A_25 = arith.addi %mul3A_23, %add3A_24 : i32
      "tpu.region"() ({
        %run_scoped3A = tpu.sem_alloc : memref<!tpu.dma_semaphore, #tpu.memory_space<semaphore_mem>>
        %dma_start3A = arith.constant 0 : i32
        %dma_start3A_42 = tpu.memref_slice %arg5[%add3A_25, %dma_start3A] : memref<10000x128xf32, #tpu.memory_space<vmem_shared>> -> memref<200x128xf32, #tpu.memory_space<vmem_shared>>
        %dma_start3A_43 = arith.constant 0 : i32
        %dma_start3A_44 = tpu.memref_slice %arg5[%add3A_25, %dma_start3A_43] : memref<10000x128xf32, #tpu.memory_space<vmem_shared>> -> memref<200x128xf32, #tpu.memory_space<vmem_shared>>
        tpu.enqueue_dma source(%arg8 : memref<200x128xf32, #tpu.memory_space<vmem>>) target(%dma_start3A_44 : memref<200x128xf32, #tpu.memory_space<vmem_shared>>) target_semaphore(%run_scoped3A : memref<!tpu.dma_semaphore, #tpu.memory_space<semaphore_mem>>)
        %dma_wait3A = arith.constant 0 : i32
        %dma_wait3A_45 = tpu.memref_slice %arg5[%add3A_25, %dma_wait3A] : memref<10000x128xf32, #tpu.memory_space<vmem_shared>> -> memref<200x128xf32, #tpu.memory_space<vmem_shared>>
        %dma_wait3A_46 = arith.constant 0 : i32
        %dma_wait3A_47 = tpu.memref_slice %arg5[%add3A_25, %dma_wait3A_46] : memref<10000x128xf32, #tpu.memory_space<vmem_shared>> -> memref<200x128xf32, #tpu.memory_space<vmem_shared>>
        tpu.wait_dma2 semaphore(%run_scoped3A : memref<!tpu.dma_semaphore, #tpu.memory_space<semaphore_mem>>) src(%arg8 : memref<200x128xf32, #tpu.memory_space<vmem>>) dst(%dma_wait3A_47 : memref<200x128xf32, #tpu.memory_space<vmem_shared>>)
        tpu.yield
      }) : () -> ()
      %mul3A_26 = arith.constant 1000 : i32
      %mul3A_27 = arith.muli %arg1, %mul3A_26 : i32
      %add3A_28 = arith.constant 200 : i32
      %add3A_29 = arith.addi %mul3A_27, %add3A_28 : i32
      "tpu.region"() ({
        %run_scoped3A = tpu.sem_alloc : memref<!tpu.dma_semaphore, #tpu.memory_space<semaphore_mem>>
        %dma_start3A = arith.constant 0 : i32
        %dma_start3A_42 = tpu.memref_slice %arg5[%add3A_29, %dma_start3A] : memref<10000x128xf32, #tpu.memory_space<vmem_shared>> -> memref<200x128xf32, #tpu.memory_space<vmem_shared>>
        %dma_start3A_43 = arith.constant 0 : i32
        %dma_start3A_44 = tpu.memref_slice %arg5[%add3A_29, %dma_start3A_43] : memref<10000x128xf32, #tpu.memory_space<vmem_shared>> -> memref<200x128xf32, #tpu.memory_space<vmem_shared>>
        tpu.enqueue_dma source(%arg8 : memref<200x128xf32, #tpu.memory_space<vmem>>) target(%dma_start3A_44 : memref<200x128xf32, #tpu.memory_space<vmem_shared>>) target_semaphore(%run_scoped3A : memref<!tpu.dma_semaphore, #tpu.memory_space<semaphore_mem>>)
        %dma_wait3A = arith.constant 0 : i32
        %dma_wait3A_45 = tpu.memref_slice %arg5[%add3A_29, %dma_wait3A] : memref<10000x128xf32, #tpu.memory_space<vmem_shared>> -> memref<200x128xf32, #tpu.memory_space<vmem_shared>>
        %dma_wait3A_46 = arith.constant 0 : i32
        %dma_wait3A_47 = tpu.memref_slice %arg5[%add3A_29, %dma_wait3A_46] : memref<10000x128xf32, #tpu.memory_space<vmem_shared>> -> memref<200x128xf32, #tpu.memory_space<vmem_shared>>
        tpu.wait_dma2 semaphore(%run_scoped3A : memref<!tpu.dma_semaphore, #tpu.memory_space<semaphore_mem>>) src(%arg8 : memref<200x128xf32, #tpu.memory_space<vmem>>) dst(%dma_wait3A_47 : memref<200x128xf32, #tpu.memory_space<vmem_shared>>)
        tpu.yield
      }) : () -> ()
      %mul3A_30 = arith.constant 1000 : i32
      %mul3A_31 = arith.muli %arg1, %mul3A_30 : i32
      %add3A_32 = arith.constant 400 : i32
      %add3A_33 = arith.addi %mul3A_31, %add3A_32 : i32
      "tpu.region"() ({
        %run_scoped3A = tpu.sem_alloc : memref<!tpu.dma_semaphore, #tpu.memory_space<semaphore_mem>>
        %dma_start3A = arith.constant 0 : i32
        %dma_start3A_42 = tpu.memref_slice %arg5[%add3A_33, %dma_start3A] : memref<10000x128xf32, #tpu.memory_space<vmem_shared>> -> memref<200x128xf32, #tpu.memory_space<vmem_shared>>
        %dma_start3A_43 = arith.constant 0 : i32
        %dma_start3A_44 = tpu.memref_slice %arg5[%add3A_33, %dma_start3A_43] : memref<10000x128xf32, #tpu.memory_space<vmem_shared>> -> memref<200x128xf32, #tpu.memory_space<vmem_shared>>
        tpu.enqueue_dma source(%arg8 : memref<200x128xf32, #tpu.memory_space<vmem>>) target(%dma_start3A_44 : memref<200x128xf32, #tpu.memory_space<vmem_shared>>) target_semaphore(%run_scoped3A : memref<!tpu.dma_semaphore, #tpu.memory_space<semaphore_mem>>)
        %dma_wait3A = arith.constant 0 : i32
        %dma_wait3A_45 = tpu.memref_slice %arg5[%add3A_33, %dma_wait3A] : memref<10000x128xf32, #tpu.memory_space<vmem_shared>> -> memref<200x128xf32, #tpu.memory_space<vmem_shared>>
        %dma_wait3A_46 = arith.constant 0 : i32
        %dma_wait3A_47 = tpu.memref_slice %arg5[%add3A_33, %dma_wait3A_46] : memref<10000x128xf32, #tpu.memory_space<vmem_shared>> -> memref<200x128xf32, #tpu.memory_space<vmem_shared>>
        tpu.wait_dma2 semaphore(%run_scoped3A : memref<!tpu.dma_semaphore, #tpu.memory_space<semaphore_mem>>) src(%arg8 : memref<200x128xf32, #tpu.memory_space<vmem>>) dst(%dma_wait3A_47 : memref<200x128xf32, #tpu.memory_space<vmem_shared>>)
        tpu.yield
      }) : () -> ()
      %mul3A_34 = arith.constant 1000 : i32
      %mul3A_35 = arith.muli %arg1, %mul3A_34 : i32
      %add3A_36 = arith.constant 600 : i32
      %add3A_37 = arith.addi %mul3A_35, %add3A_36 : i32
      "tpu.region"() ({
        %run_scoped3A = tpu.sem_alloc : memref<!tpu.dma_semaphore, #tpu.memory_space<semaphore_mem>>
        %dma_start3A = arith.constant 0 : i32
        %dma_start3A_42 = tpu.memref_slice %arg5[%add3A_37, %dma_start3A] : memref<10000x128xf32, #tpu.memory_space<vmem_shared>> -> memref<200x128xf32, #tpu.memory_space<vmem_shared>>
        %dma_start3A_43 = arith.constant 0 : i32
        %dma_start3A_44 = tpu.memref_slice %arg5[%add3A_37, %dma_start3A_43] : memref<10000x128xf32, #tpu.memory_space<vmem_shared>> -> memref<200x128xf32, #tpu.memory_space<vmem_shared>>
        tpu.enqueue_dma source(%arg8 : memref<200x128xf32, #tpu.memory_space<vmem>>) target(%dma_start3A_44 : memref<200x128xf32, #tpu.memory_space<vmem_shared>>) target_semaphore(%run_scoped3A : memref<!tpu.dma_semaphore, #tpu.memory_space<semaphore_mem>>)
        %dma_wait3A = arith.constant 0 : i32
        %dma_wait3A_45 = tpu.memref_slice %arg5[%add3A_37, %dma_wait3A] : memref<10000x128xf32, #tpu.memory_space<vmem_shared>> -> memref<200x128xf32, #tpu.memory_space<vmem_shared>>
        %dma_wait3A_46 = arith.constant 0 : i32
        %dma_wait3A_47 = tpu.memref_slice %arg5[%add3A_37, %dma_wait3A_46] : memref<10000x128xf32, #tpu.memory_space<vmem_shared>> -> memref<200x128xf32, #tpu.memory_space<vmem_shared>>
        tpu.wait_dma2 semaphore(%run_scoped3A : memref<!tpu.dma_semaphore, #tpu.memory_space<semaphore_mem>>) src(%arg8 : memref<200x128xf32, #tpu.memory_space<vmem>>) dst(%dma_wait3A_47 : memref<200x128xf32, #tpu.memory_space<vmem_shared>>)
        tpu.yield
      }) : () -> ()
      %mul3A_38 = arith.constant 1000 : i32
      %mul3A_39 = arith.muli %arg1, %mul3A_38 : i32
      %add3A_40 = arith.constant 800 : i32
      %add3A_41 = arith.addi %mul3A_39, %add3A_40 : i32
      "tpu.region"() ({
        %run_scoped3A = tpu.sem_alloc : memref<!tpu.dma_semaphore, #tpu.memory_space<semaphore_mem>>
        %dma_start3A = arith.constant 0 : i32
        %dma_start3A_42 = tpu.memref_slice %arg5[%add3A_41, %dma_start3A] : memref<10000x128xf32, #tpu.memory_space<vmem_shared>> -> memref<200x128xf32, #tpu.memory_space<vmem_shared>>
        %dma_start3A_43 = arith.constant 0 : i32
        %dma_start3A_44 = tpu.memref_slice %arg5[%add3A_41, %dma_start3A_43] : memref<10000x128xf32, #tpu.memory_space<vmem_shared>> -> memref<200x128xf32, #tpu.memory_space<vmem_shared>>
        tpu.enqueue_dma source(%arg8 : memref<200x128xf32, #tpu.memory_space<vmem>>) target(%dma_start3A_44 : memref<200x128xf32, #tpu.memory_space<vmem_shared>>) target_semaphore(%run_scoped3A : memref<!tpu.dma_semaphore, #tpu.memory_space<semaphore_mem>>)
        %dma_wait3A = arith.constant 0 : i32
        %dma_wait3A_45 = tpu.memref_slice %arg5[%add3A_41, %dma_wait3A] : memref<10000x128xf32, #tpu.memory_space<vmem_shared>> -> memref<200x128xf32, #tpu.memory_space<vmem_shared>>
        %dma_wait3A_46 = arith.constant 0 : i32
        %dma_wait3A_47 = tpu.memref_slice %arg5[%add3A_41, %dma_wait3A_46] : memref<10000x128xf32, #tpu.memory_space<vmem_shared>> -> memref<200x128xf32, #tpu.memory_space<vmem_shared>>
        tpu.wait_dma2 semaphore(%run_scoped3A : memref<!tpu.dma_semaphore, #tpu.memory_space<semaphore_mem>>) src(%arg8 : memref<200x128xf32, #tpu.memory_space<vmem>>) dst(%dma_wait3A_47 : memref<200x128xf32, #tpu.memory_space<vmem_shared>>)
        tpu.yield
      }) : () -> ()
    } else {
    }
    %barrier3A = arith.constant 0 : index
    tpu.barrier barrier_id(%barrier3A)
    %mul3A = arith.constant 16 : i32
    %mul3A_7 = arith.muli %arg0, %mul3A : i32
    %add3A = arith.addi %mul3A_7, %arg1 : i32
    %mul3A_8 = arith.constant 10000 : i32
    %mul3A_9 = arith.muli %add3A, %mul3A_8 : i32
    %scan3A_10 = arith.constant 0 : i32
    %scan3A_11 = arith.constant 0 : i32
    %scan3A_12 = arith.constant 125 : i32
    %scan3A_13 = arith.addi %scan3A_11, %scan3A_12 : i32
    %scan3A_14 = arith.constant 1 : i32
    scf.for %scan3A_22 = %scan3A_11 to %scan3A_13 step %scan3A_14  : i32 {
      %mul3A_23 = arith.constant 80 : i32
      %mul3A_24 = arith.muli %scan3A_22, %mul3A_23 : i32
      %add3A_25 = arith.addi %mul3A_9, %mul3A_24 : i32
      "tpu.region"() ({
        %run_scoped3A = tpu.sem_alloc : memref<!tpu.dma_semaphore, #tpu.memory_space<semaphore_mem>>
        %dma_start3A = arith.constant 0 : i32
        %dma_start3A_32 = tpu.memref_slice %arg2[%add3A_25, %dma_start3A] : memref<320000x128xf32, #tpu.memory_space<hbm>> -> memref<80x128xf32, #tpu.memory_space<hbm>>
        %dma_start3A_33 = arith.constant 0 : i32
        %dma_start3A_34 = tpu.memref_slice %arg2[%add3A_25, %dma_start3A_33] : memref<320000x128xf32, #tpu.memory_space<hbm>> -> memref<80x128xf32, #tpu.memory_space<hbm>>
        tpu.enqueue_dma source(%dma_start3A_34 : memref<80x128xf32, #tpu.memory_space<hbm>>) target(%arg6 : memref<80x128xf32, #tpu.memory_space<vmem>>) target_semaphore(%run_scoped3A : memref<!tpu.dma_semaphore, #tpu.memory_space<semaphore_mem>>)
        %dma_wait3A = arith.constant 0 : i32
        %dma_wait3A_35 = tpu.memref_slice %arg2[%add3A_25, %dma_wait3A] : memref<320000x128xf32, #tpu.memory_space<hbm>> -> memref<80x128xf32, #tpu.memory_space<hbm>>
        %dma_wait3A_36 = arith.constant 0 : i32
        %dma_wait3A_37 = tpu.memref_slice %arg2[%add3A_25, %dma_wait3A_36] : memref<320000x128xf32, #tpu.memory_space<hbm>> -> memref<80x128xf32, #tpu.memory_space<hbm>>
        tpu.wait_dma2 semaphore(%run_scoped3A : memref<!tpu.dma_semaphore, #tpu.memory_space<semaphore_mem>>) src(%dma_wait3A_37 : memref<80x128xf32, #tpu.memory_space<hbm>>) dst(%arg6 : memref<80x128xf32, #tpu.memory_space<vmem>>)
        tpu.yield
      }) : () -> ()
      "tpu.region"() ({
        %run_scoped3A = tpu.sem_alloc : memref<!tpu.dma_semaphore, #tpu.memory_space<semaphore_mem>>
        %dma_start3A = tpu.memref_slice %arg3[%add3A_25] : memref<320000xi32, #tpu.memory_space<hbm>> -> memref<80xi32, #tpu.memory_space<hbm>>
        %dma_start3A_32 = tpu.memref_slice %arg3[%add3A_25] : memref<320000xi32, #tpu.memory_space<hbm>> -> memref<80xi32, #tpu.memory_space<hbm>>
        tpu.enqueue_dma source(%dma_start3A_32 : memref<80xi32, #tpu.memory_space<hbm>>) target(%arg7 : memref<80xi32, #tpu.memory_space<vmem>>) target_semaphore(%run_scoped3A : memref<!tpu.dma_semaphore, #tpu.memory_space<semaphore_mem>>)
        %dma_wait3A = tpu.memref_slice %arg3[%add3A_25] : memref<320000xi32, #tpu.memory_space<hbm>> -> memref<80xi32, #tpu.memory_space<hbm>>
        %dma_wait3A_33 = tpu.memref_slice %arg3[%add3A_25] : memref<320000xi32, #tpu.memory_space<hbm>> -> memref<80xi32, #tpu.memory_space<hbm>>
        tpu.wait_dma2 semaphore(%run_scoped3A : memref<!tpu.dma_semaphore, #tpu.memory_space<semaphore_mem>>) src(%dma_wait3A_33 : memref<80xi32, #tpu.memory_space<hbm>>) dst(%arg7 : memref<80xi32, #tpu.memory_space<vmem>>)
        tpu.yield
      }) : () -> ()
      %scan3A_26 = arith.constant 0 : i32
      %scan3A_27 = arith.constant 0 : i32
      %scan3A_28 = arith.constant 5 : i32
      %scan3A_29 = arith.addi %scan3A_27, %scan3A_28 : i32
      %scan3A_30 = arith.constant 1 : i32
      scf.for %scan3A_32 = %scan3A_27 to %scan3A_29 step %scan3A_30  : i32 {
        %mul3A_33 = arith.constant 16 : i32
        %mul3A_34 = arith.muli %scan3A_32, %mul3A_33 : i32
        %get3A = arith.index_cast %mul3A_34 : i32 to index
        %get3A_35 = tpu.vector_load %arg7[%get3A] {strides = array<i32>} : memref<80xi32, #tpu.memory_space<vmem>>, vector<16xi32>,
        %get3A_36 = vector.shape_cast %get3A_35 : vector<16xi32> to vector<16xi32>
        %mul3A_37 = arith.constant 16 : i32
        %mul3A_38 = arith.muli %scan3A_32, %mul3A_37 : i32
        "tpu.region"() ({
          %run_scoped3A = tpu.sem_alloc : memref<!tpu.dma_semaphore, #tpu.memory_space<semaphore_mem>>
          %dma_start3A = arith.constant 0 : i32
          %dma_start3A_39 = tpu.memref_slice %arg6[%mul3A_38, %dma_start3A] : memref<80x128xf32, #tpu.memory_space<vmem>> -> memref<16x128xf32, #tpu.memory_space<vmem>>
          %dma_start3A_40 = arith.constant 0 : i32
          %dma_start3A_41 = arith.constant 0 : i32
          %dma_start3A_42 = tpu.memref_slice %arg5[%dma_start3A_40, %dma_start3A_41] : memref<10000x128xf32, #tpu.memory_space<vmem_shared>> -> memref<10000x128xf32, #tpu.memory_space<vmem_shared>>
          tpu.enqueue_indirect_dma source(%dma_start3A_39 : memref<16x128xf32, #tpu.memory_space<vmem>>) target(%dma_start3A_42 : memref<10000x128xf32, #tpu.memory_space<vmem_shared>>) offsets(%get3A_36 : vector<16xi32>) semaphore(%run_scoped3A : memref<!tpu.dma_semaphore, #tpu.memory_space<semaphore_mem>>) {add = true}
          %dma_wait3A = arith.constant 0 : i32
          %dma_wait3A_43 = tpu.memref_slice %arg6[%mul3A_38, %dma_wait3A] : memref<80x128xf32, #tpu.memory_space<vmem>> -> memref<16x128xf32, #tpu.memory_space<vmem>>
          %dma_wait3A_44 = arith.constant 0 : i32
          %dma_wait3A_45 = arith.constant 0 : i32
          %dma_wait3A_46 = tpu.memref_slice %arg5[%dma_wait3A_44, %dma_wait3A_45] : memref<10000x128xf32, #tpu.memory_space<vmem_shared>> -> memref<10000x128xf32, #tpu.memory_space<vmem_shared>>
          tpu.wait_indirect_dma semaphore(%run_scoped3A : memref<!tpu.dma_semaphore, #tpu.memory_space<semaphore_mem>>) src(%dma_wait3A_43 : memref<16x128xf32, #tpu.memory_space<vmem>>) dst(%dma_wait3A_46 : memref<10000x128xf32, #tpu.memory_space<vmem_shared>>)
          tpu.yield
        }) : () -> ()
      }
      %scan3A_31 = arith.constant 5 : i32
    }
    %scan3A_15 = arith.constant 125 : i32
    %barrier3A_16 = arith.constant 0 : index
    tpu.barrier barrier_id(%barrier3A_16)
    %lt3A_17 = arith.constant 10 : i32
    %lt3A_18 = arith.cmpi slt, %arg1, %lt3A_17 : i32
    %convert_element_type3A_19 = arith.extui %lt3A_18 : i1 to i32
    %cond3A_20 = arith.constant 0 : i32
    %cond3A_21 = arith.cmpi ne, %convert_element_type3A_19, %cond3A_20 : i32
    scf.if %cond3A_21 {
      %mul3A_22 = arith.constant 1000 : i32
      %mul3A_23 = arith.muli %arg1, %mul3A_22 : i32
      %mul3A_24 = arith.constant 1000 : i32
      %mul3A_25 = arith.muli %arg1, %mul3A_24 : i32
      "tpu.region"() ({
        %run_scoped3A = tpu.sem_alloc : memref<!tpu.dma_semaphore, #tpu.memory_space<semaphore_mem>>
        %dma_start3A = arith.constant 0 : i32
        %dma_start3A_26 = tpu.memref_slice %arg4[%arg0, %mul3A_25, %dma_start3A] : memref<2x10000x128xf32, #tpu.memory_space<hbm>> -> memref<1x1000x128xf32, #tpu.memory_space<hbm>>
        %dma_start3A_27 = tpu.memref_squeeze %dma_start3A_26 : memref<1x1000x128xf32, #tpu.memory_space<hbm>> -> memref<1000x128xf32, #tpu.memory_space<hbm>>
        %dma_start3A_28 = arith.constant 0 : i32
        %dma_start3A_29 = tpu.memref_slice %arg5[%mul3A_23, %dma_start3A_28] : memref<10000x128xf32, #tpu.memory_space<vmem_shared>> -> memref<1000x128xf32, #tpu.memory_space<vmem_shared>>
        tpu.enqueue_dma source(%dma_start3A_29 : memref<1000x128xf32, #tpu.memory_space<vmem_shared>>) target(%dma_start3A_27 : memref<1000x128xf32, #tpu.memory_space<hbm>>) target_semaphore(%run_scoped3A : memref<!tpu.dma_semaphore, #tpu.memory_space<semaphore_mem>>)
        %dma_wait3A = arith.constant 0 : i32
        %dma_wait3A_30 = tpu.memref_slice %arg4[%arg0, %mul3A_25, %dma_wait3A] : memref<2x10000x128xf32, #tpu.memory_space<hbm>> -> memref<1x1000x128xf32, #tpu.memory_space<hbm>>
        %dma_wait3A_31 = tpu.memref_squeeze %dma_wait3A_30 : memref<1x1000x128xf32, #tpu.memory_space<hbm>> -> memref<1000x128xf32, #tpu.memory_space<hbm>>
        %dma_wait3A_32 = arith.constant 0 : i32
        %dma_wait3A_33 = tpu.memref_slice %arg5[%mul3A_23, %dma_wait3A_32] : memref<10000x128xf32, #tpu.memory_space<vmem_shared>> -> memref<1000x128xf32, #tpu.memory_space<vmem_shared>>
        tpu.wait_dma2 semaphore(%run_scoped3A : memref<!tpu.dma_semaphore, #tpu.memory_space<semaphore_mem>>) src(%dma_wait3A_33 : memref<1000x128xf32, #tpu.memory_space<vmem_shared>>) dst(%dma_wait3A_31 : memref<1000x128xf32, #tpu.memory_space<hbm>>)
        tpu.yield
      }) : () -> ()
    } else {
    }
    return
  }
}

#map = affine_map<(d0, d1) -> (0, 0)>
#map1 = affine_map<(d0, d1) -> (0)>
module attributes {stable_mosaic.version = 14 : i64} {
  func.func @_seg_body(%arg0: i32, %arg1: i32, %arg2: memref<320000x128xf32, #tpu.memory_space<hbm>>, %arg3: memref<640016x128xf32, #tpu.memory_space<hbm>>, %arg4: memref<640000xi32, #tpu.memory_space<hbm>>, %arg5: memref<640000xi32, #tpu.memory_space<hbm>>, %arg6: memref<320000x128xf32, #tpu.memory_space<hbm>>, %arg7: memref<320000x128xf32, #tpu.memory_space<hbm>>, %arg8: memref<3200x128xf32, #tpu.memory_space<vmem_shared>>, %arg9: memref<3200x128xf32, #tpu.memory_space<vmem_shared>>, %arg10: memref<1600xi32, #tpu.memory_space<vmem>>, %arg11: memref<1600xi32, #tpu.memory_space<vmem>>, %arg12: memref<21x64xi32, #tpu.memory_space<vmem>>, %arg13: memref<21x64xi32, #tpu.memory_space<vmem>>, %arg14: memref<21x64xi32, #tpu.memory_space<vmem>>, %arg15: memref<64x128xf32, #tpu.memory_space<vmem>>, %arg16: memref<64x128xf32, #tpu.memory_space<vmem>>, %arg17: memref<!tpu.dma_semaphore, #tpu.memory_space<semaphore_mem>>, %arg18: memref<!tpu.dma_semaphore, #tpu.memory_space<semaphore_mem>>) attributes {dimension_semantics = [#tpu.dimension_semantics<core_parallel>, #tpu.dimension_semantics<subcore_parallel>], iteration_bounds = array<i64: 2, 16>, scalar_prefetch = 0 : i64, scratch_operands = 11 : i64, tpu.core_type = #tpu.core_type<sc_vector_subcore>, window_params = [{transform_indices = #map}, {transform_indices = #map}, {transform_indices = #map1}, {transform_indices = #map1}, {transform_indices = #map}, {transform_indices = #map}]} {
    %mul3A = arith.constant 40000 : i32
    %mul3A_0 = arith.muli %arg1, %mul3A : i32
    %iota3A = tpu.iota {dimensions = array<i32: 0>} : vector<16xi32>
    %scan3A = arith.constant 0 : i32
    %scan3A_1 = arith.constant 0 : i32
    %scan3A_2 = arith.constant 64 : i32
    %scan3A_3 = arith.addi %scan3A_1, %scan3A_2 : i32
    %scan3A_4 = arith.constant 1 : i32
    scf.for %scan3A_43 = %scan3A_1 to %scan3A_3 step %scan3A_4  : i32 {
      %broadcast_in_dim3A = arith.constant 0.000000e+00 : f32
      %broadcast_in_dim3A_44 = vector.broadcast %broadcast_in_dim3A : f32 to vector<16xf32>
      %swap3A = arith.index_cast %scan3A_43 : i32 to index
      %swap3A_45 = arith.constant 0 : index
      %swap3A_46 = tpu.vector_load %arg15[%swap3A, %swap3A_45] {strides = array<i32>} : memref<64x128xf32, #tpu.memory_space<vmem>>, vector<16xf32>,
      tpu.vector_store %arg15[%swap3A, %swap3A_45], %broadcast_in_dim3A_44 {strides = array<i32>} : memref<64x128xf32, #tpu.memory_space<vmem>>, vector<16xf32>,
      %broadcast_in_dim3A_47 = arith.constant 0.000000e+00 : f32
      %broadcast_in_dim3A_48 = vector.broadcast %broadcast_in_dim3A_47 : f32 to vector<16xf32>
      %swap3A_49 = arith.index_cast %scan3A_43 : i32 to index
      %swap3A_50 = arith.constant 16 : index
      %swap3A_51 = tpu.vector_load %arg15[%swap3A_49, %swap3A_50] {strides = array<i32>} : memref<64x128xf32, #tpu.memory_space<vmem>>, vector<16xf32>,
      tpu.vector_store %arg15[%swap3A_49, %swap3A_50], %broadcast_in_dim3A_48 {strides = array<i32>} : memref<64x128xf32, #tpu.memory_space<vmem>>, vector<16xf32>,
      %broadcast_in_dim3A_52 = arith.constant 0.000000e+00 : f32
      %broadcast_in_dim3A_53 = vector.broadcast %broadcast_in_dim3A_52 : f32 to vector<16xf32>
      %swap3A_54 = arith.index_cast %scan3A_43 : i32 to index
      %swap3A_55 = arith.constant 32 : index
      %swap3A_56 = tpu.vector_load %arg15[%swap3A_54, %swap3A_55] {strides = array<i32>} : memref<64x128xf32, #tpu.memory_space<vmem>>, vector<16xf32>,
      tpu.vector_store %arg15[%swap3A_54, %swap3A_55], %broadcast_in_dim3A_53 {strides = array<i32>} : memref<64x128xf32, #tpu.memory_space<vmem>>, vector<16xf32>,
      %broadcast_in_dim3A_57 = arith.constant 0.000000e+00 : f32
      %broadcast_in_dim3A_58 = vector.broadcast %broadcast_in_dim3A_57 : f32 to vector<16xf32>
      %swap3A_59 = arith.index_cast %scan3A_43 : i32 to index
      %swap3A_60 = arith.constant 48 : index
      %swap3A_61 = tpu.vector_load %arg15[%swap3A_59, %swap3A_60] {strides = array<i32>} : memref<64x128xf32, #tpu.memory_space<vmem>>, vector<16xf32>,
      tpu.vector_store %arg15[%swap3A_59, %swap3A_60], %broadcast_in_dim3A_58 {strides = array<i32>} : memref<64x128xf32, #tpu.memory_space<vmem>>, vector<16xf32>,
      %broadcast_in_dim3A_62 = arith.constant 0.000000e+00 : f32
      %broadcast_in_dim3A_63 = vector.broadcast %broadcast_in_dim3A_62 : f32 to vector<16xf32>
      %swap3A_64 = arith.index_cast %scan3A_43 : i32 to index
      %swap3A_65 = arith.constant 64 : index
      %swap3A_66 = tpu.vector_load %arg15[%swap3A_64, %swap3A_65] {strides = array<i32>} : memref<64x128xf32, #tpu.memory_space<vmem>>, vector<16xf32>,
      tpu.vector_store %arg15[%swap3A_64, %swap3A_65], %broadcast_in_dim3A_63 {strides = array<i32>} : memref<64x128xf32, #tpu.memory_space<vmem>>, vector<16xf32>,
      %broadcast_in_dim3A_67 = arith.constant 0.000000e+00 : f32
      %broadcast_in_dim3A_68 = vector.broadcast %broadcast_in_dim3A_67 : f32 to vector<16xf32>
      %swap3A_69 = arith.index_cast %scan3A_43 : i32 to index
      %swap3A_70 = arith.constant 80 : index
      %swap3A_71 = tpu.vector_load %arg15[%swap3A_69, %swap3A_70] {strides = array<i32>} : memref<64x128xf32, #tpu.memory_space<vmem>>, vector<16xf32>,
      tpu.vector_store %arg15[%swap3A_69, %swap3A_70], %broadcast_in_dim3A_68 {strides = array<i32>} : memref<64x128xf32, #tpu.memory_space<vmem>>, vector<16xf32>,
      %broadcast_in_dim3A_72 = arith.constant 0.000000e+00 : f32
      %broadcast_in_dim3A_73 = vector.broadcast %broadcast_in_dim3A_72 : f32 to vector<16xf32>
      %swap3A_74 = arith.index_cast %scan3A_43 : i32 to index
      %swap3A_75 = arith.constant 96 : index
      %swap3A_76 = tpu.vector_load %arg15[%swap3A_74, %swap3A_75] {strides = array<i32>} : memref<64x128xf32, #tpu.memory_space<vmem>>, vector<16xf32>,
      tpu.vector_store %arg15[%swap3A_74, %swap3A_75], %broadcast_in_dim3A_73 {strides = array<i32>} : memref<64x128xf32, #tpu.memory_space<vmem>>, vector<16xf32>,
      %broadcast_in_dim3A_77 = arith.constant 0.000000e+00 : f32
      %broadcast_in_dim3A_78 = vector.broadcast %broadcast_in_dim3A_77 : f32 to vector<16xf32>
      %swap3A_79 = arith.index_cast %scan3A_43 : i32 to index
      %swap3A_80 = arith.constant 112 : index
      %swap3A_81 = tpu.vector_load %arg15[%swap3A_79, %swap3A_80] {strides = array<i32>} : memref<64x128xf32, #tpu.memory_space<vmem>>, vector<16xf32>,
      tpu.vector_store %arg15[%swap3A_79, %swap3A_80], %broadcast_in_dim3A_78 {strides = array<i32>} : memref<64x128xf32, #tpu.memory_space<vmem>>, vector<16xf32>,
    }
    %scan3A_5 = arith.constant 64 : i32
    %mul3A_6 = arith.constant 200 : i32
    %mul3A_7 = arith.muli %arg1, %mul3A_6 : i32
    %add3A = arith.constant 0 : i32
    %add3A_8 = arith.addi %mul3A_7, %add3A : i32
    "tpu.region"() ({
      %run_scoped3A = tpu.sem_alloc : memref<!tpu.dma_semaphore, #tpu.memory_space<semaphore_mem>>
      %dma_start3A = arith.constant 0 : i32
      %dma_start3A_43 = tpu.memref_slice %arg8[%add3A_8, %dma_start3A] : memref<3200x128xf32, #tpu.memory_space<vmem_shared>> -> memref<64x128xf32, #tpu.memory_space<vmem_shared>>
      %dma_start3A_44 = arith.constant 0 : i32
      %dma_start3A_45 = tpu.memref_slice %arg8[%add3A_8, %dma_start3A_44] : memref<3200x128xf32, #tpu.memory_space<vmem_shared>> -> memref<64x128xf32, #tpu.memory_space<vmem_shared>>
      tpu.enqueue_dma source(%arg15 : memref<64x128xf32, #tpu.memory_space<vmem>>) target(%dma_start3A_45 : memref<64x128xf32, #tpu.memory_space<vmem_shared>>) target_semaphore(%run_scoped3A : memref<!tpu.dma_semaphore, #tpu.memory_space<semaphore_mem>>)
      %dma_wait3A = arith.constant 0 : i32
      %dma_wait3A_46 = tpu.memref_slice %arg8[%add3A_8, %dma_wait3A] : memref<3200x128xf32, #tpu.memory_space<vmem_shared>> -> memref<64x128xf32, #tpu.memory_space<vmem_shared>>
      %dma_wait3A_47 = arith.constant 0 : i32
      %dma_wait3A_48 = tpu.memref_slice %arg8[%add3A_8, %dma_wait3A_47] : memref<3200x128xf32, #tpu.memory_space<vmem_shared>> -> memref<64x128xf32, #tpu.memory_space<vmem_shared>>
      tpu.wait_dma2 semaphore(%run_scoped3A : memref<!tpu.dma_semaphore, #tpu.memory_space<semaphore_mem>>) src(%arg15 : memref<64x128xf32, #tpu.memory_space<vmem>>) dst(%dma_wait3A_48 : memref<64x128xf32, #tpu.memory_space<vmem_shared>>)
      tpu.yield
    }) : () -> ()
    %mul3A_9 = arith.constant 200 : i32
    %mul3A_10 = arith.muli %arg1, %mul3A_9 : i32
    %add3A_11 = arith.constant 0 : i32
    %add3A_12 = arith.addi %mul3A_10, %add3A_11 : i32
    "tpu.region"() ({
      %run_scoped3A = tpu.sem_alloc : memref<!tpu.dma_semaphore, #tpu.memory_space<semaphore_mem>>
      %dma_start3A = arith.constant 0 : i32
      %dma_start3A_43 = tpu.memref_slice %arg9[%add3A_12, %dma_start3A] : memref<3200x128xf32, #tpu.memory_space<vmem_shared>> -> memref<64x128xf32, #tpu.memory_space<vmem_shared>>
      %dma_start3A_44 = arith.constant 0 : i32
      %dma_start3A_45 = tpu.memref_slice %arg9[%add3A_12, %dma_start3A_44] : memref<3200x128xf32, #tpu.memory_space<vmem_shared>> -> memref<64x128xf32, #tpu.memory_space<vmem_shared>>
      tpu.enqueue_dma source(%arg15 : memref<64x128xf32, #tpu.memory_space<vmem>>) target(%dma_start3A_45 : memref<64x128xf32, #tpu.memory_space<vmem_shared>>) target_semaphore(%run_scoped3A : memref<!tpu.dma_semaphore, #tpu.memory_space<semaphore_mem>>)
      %dma_wait3A = arith.constant 0 : i32
      %dma_wait3A_46 = tpu.memref_slice %arg9[%add3A_12, %dma_wait3A] : memref<3200x128xf32, #tpu.memory_space<vmem_shared>> -> memref<64x128xf32, #tpu.memory_space<vmem_shared>>
      %dma_wait3A_47 = arith.constant 0 : i32
      %dma_wait3A_48 = tpu.memref_slice %arg9[%add3A_12, %dma_wait3A_47] : memref<3200x128xf32, #tpu.memory_space<vmem_shared>> -> memref<64x128xf32, #tpu.memory_space<vmem_shared>>
      tpu.wait_dma2 semaphore(%run_scoped3A : memref<!tpu.dma_semaphore, #tpu.memory_space<semaphore_mem>>) src(%arg15 : memref<64x128xf32, #tpu.memory_space<vmem>>) dst(%dma_wait3A_48 : memref<64x128xf32, #tpu.memory_space<vmem_shared>>)
      tpu.yield
    }) : () -> ()
    %mul3A_13 = arith.constant 200 : i32
    %mul3A_14 = arith.muli %arg1, %mul3A_13 : i32
    %add3A_15 = arith.constant 64 : i32
    %add3A_16 = arith.addi %mul3A_14, %add3A_15 : i32
    "tpu.region"() ({
      %run_scoped3A = tpu.sem_alloc : memref<!tpu.dma_semaphore, #tpu.memory_space<semaphore_mem>>
      %dma_start3A = arith.constant 0 : i32
      %dma_start3A_43 = tpu.memref_slice %arg8[%add3A_16, %dma_start3A] : memref<3200x128xf32, #tpu.memory_space<vmem_shared>> -> memref<64x128xf32, #tpu.memory_space<vmem_shared>>
      %dma_start3A_44 = arith.constant 0 : i32
      %dma_start3A_45 = tpu.memref_slice %arg8[%add3A_16, %dma_start3A_44] : memref<3200x128xf32, #tpu.memory_space<vmem_shared>> -> memref<64x128xf32, #tpu.memory_space<vmem_shared>>
      tpu.enqueue_dma source(%arg15 : memref<64x128xf32, #tpu.memory_space<vmem>>) target(%dma_start3A_45 : memref<64x128xf32, #tpu.memory_space<vmem_shared>>) target_semaphore(%run_scoped3A : memref<!tpu.dma_semaphore, #tpu.memory_space<semaphore_mem>>)
      %dma_wait3A = arith.constant 0 : i32
      %dma_wait3A_46 = tpu.memref_slice %arg8[%add3A_16, %dma_wait3A] : memref<3200x128xf32, #tpu.memory_space<vmem_shared>> -> memref<64x128xf32, #tpu.memory_space<vmem_shared>>
      %dma_wait3A_47 = arith.constant 0 : i32
      %dma_wait3A_48 = tpu.memref_slice %arg8[%add3A_16, %dma_wait3A_47] : memref<3200x128xf32, #tpu.memory_space<vmem_shared>> -> memref<64x128xf32, #tpu.memory_space<vmem_shared>>
      tpu.wait_dma2 semaphore(%run_scoped3A : memref<!tpu.dma_semaphore, #tpu.memory_space<semaphore_mem>>) src(%arg15 : memref<64x128xf32, #tpu.memory_space<vmem>>) dst(%dma_wait3A_48 : memref<64x128xf32, #tpu.memory_space<vmem_shared>>)
      tpu.yield
    }) : () -> ()
    %mul3A_17 = arith.constant 200 : i32
    %mul3A_18 = arith.muli %arg1, %mul3A_17 : i32
    %add3A_19 = arith.constant 64 : i32
    %add3A_20 = arith.addi %mul3A_18, %add3A_19 : i32
    "tpu.region"() ({
      %run_scoped3A = tpu.sem_alloc : memref<!tpu.dma_semaphore, #tpu.memory_space<semaphore_mem>>
      %dma_start3A = arith.constant 0 : i32
      %dma_start3A_43 = tpu.memref_slice %arg9[%add3A_20, %dma_start3A] : memref<3200x128xf32, #tpu.memory_space<vmem_shared>> -> memref<64x128xf32, #tpu.memory_space<vmem_shared>>
      %dma_start3A_44 = arith.constant 0 : i32
      %dma_start3A_45 = tpu.memref_slice %arg9[%add3A_20, %dma_start3A_44] : memref<3200x128xf32, #tpu.memory_space<vmem_shared>> -> memref<64x128xf32, #tpu.memory_space<vmem_shared>>
      tpu.enqueue_dma source(%arg15 : memref<64x128xf32, #tpu.memory_space<vmem>>) target(%dma_start3A_45 : memref<64x128xf32, #tpu.memory_space<vmem_shared>>) target_semaphore(%run_scoped3A : memref<!tpu.dma_semaphore, #tpu.memory_space<semaphore_mem>>)
      %dma_wait3A = arith.constant 0 : i32
      %dma_wait3A_46 = tpu.memref_slice %arg9[%add3A_20, %dma_wait3A] : memref<3200x128xf32, #tpu.memory_space<vmem_shared>> -> memref<64x128xf32, #tpu.memory_space<vmem_shared>>
      %dma_wait3A_47 = arith.constant 0 : i32
      %dma_wait3A_48 = tpu.memref_slice %arg9[%add3A_20, %dma_wait3A_47] : memref<3200x128xf32, #tpu.memory_space<vmem_shared>> -> memref<64x128xf32, #tpu.memory_space<vmem_shared>>
      tpu.wait_dma2 semaphore(%run_scoped3A : memref<!tpu.dma_semaphore, #tpu.memory_space<semaphore_mem>>) src(%arg15 : memref<64x128xf32, #tpu.memory_space<vmem>>) dst(%dma_wait3A_48 : memref<64x128xf32, #tpu.memory_space<vmem_shared>>)
      tpu.yield
    }) : () -> ()
    %mul3A_21 = arith.constant 200 : i32
    %mul3A_22 = arith.muli %arg1, %mul3A_21 : i32
    %add3A_23 = arith.constant 128 : i32
    %add3A_24 = arith.addi %mul3A_22, %add3A_23 : i32
    "tpu.region"() ({
      %run_scoped3A = tpu.sem_alloc : memref<!tpu.dma_semaphore, #tpu.memory_space<semaphore_mem>>
      %dma_start3A = arith.constant 0 : i32
      %dma_start3A_43 = tpu.memref_slice %arg8[%add3A_24, %dma_start3A] : memref<3200x128xf32, #tpu.memory_space<vmem_shared>> -> memref<64x128xf32, #tpu.memory_space<vmem_shared>>
      %dma_start3A_44 = arith.constant 0 : i32
      %dma_start3A_45 = tpu.memref_slice %arg8[%add3A_24, %dma_start3A_44] : memref<3200x128xf32, #tpu.memory_space<vmem_shared>> -> memref<64x128xf32, #tpu.memory_space<vmem_shared>>
      tpu.enqueue_dma source(%arg15 : memref<64x128xf32, #tpu.memory_space<vmem>>) target(%dma_start3A_45 : memref<64x128xf32, #tpu.memory_space<vmem_shared>>) target_semaphore(%run_scoped3A : memref<!tpu.dma_semaphore, #tpu.memory_space<semaphore_mem>>)
      %dma_wait3A = arith.constant 0 : i32
      %dma_wait3A_46 = tpu.memref_slice %arg8[%add3A_24, %dma_wait3A] : memref<3200x128xf32, #tpu.memory_space<vmem_shared>> -> memref<64x128xf32, #tpu.memory_space<vmem_shared>>
      %dma_wait3A_47 = arith.constant 0 : i32
      %dma_wait3A_48 = tpu.memref_slice %arg8[%add3A_24, %dma_wait3A_47] : memref<3200x128xf32, #tpu.memory_space<vmem_shared>> -> memref<64x128xf32, #tpu.memory_space<vmem_shared>>
      tpu.wait_dma2 semaphore(%run_scoped3A : memref<!tpu.dma_semaphore, #tpu.memory_space<semaphore_mem>>) src(%arg15 : memref<64x128xf32, #tpu.memory_space<vmem>>) dst(%dma_wait3A_48 : memref<64x128xf32, #tpu.memory_space<vmem_shared>>)
      tpu.yield
    }) : () -> ()
    %mul3A_25 = arith.constant 200 : i32
    %mul3A_26 = arith.muli %arg1, %mul3A_25 : i32
    %add3A_27 = arith.constant 128 : i32
    %add3A_28 = arith.addi %mul3A_26, %add3A_27 : i32
    "tpu.region"() ({
      %run_scoped3A = tpu.sem_alloc : memref<!tpu.dma_semaphore, #tpu.memory_space<semaphore_mem>>
      %dma_start3A = arith.constant 0 : i32
      %dma_start3A_43 = tpu.memref_slice %arg9[%add3A_28, %dma_start3A] : memref<3200x128xf32, #tpu.memory_space<vmem_shared>> -> memref<64x128xf32, #tpu.memory_space<vmem_shared>>
      %dma_start3A_44 = arith.constant 0 : i32
      %dma_start3A_45 = tpu.memref_slice %arg9[%add3A_28, %dma_start3A_44] : memref<3200x128xf32, #tpu.memory_space<vmem_shared>> -> memref<64x128xf32, #tpu.memory_space<vmem_shared>>
      tpu.enqueue_dma source(%arg15 : memref<64x128xf32, #tpu.memory_space<vmem>>) target(%dma_start3A_45 : memref<64x128xf32, #tpu.memory_space<vmem_shared>>) target_semaphore(%run_scoped3A : memref<!tpu.dma_semaphore, #tpu.memory_space<semaphore_mem>>)
      %dma_wait3A = arith.constant 0 : i32
      %dma_wait3A_46 = tpu.memref_slice %arg9[%add3A_28, %dma_wait3A] : memref<3200x128xf32, #tpu.memory_space<vmem_shared>> -> memref<64x128xf32, #tpu.memory_space<vmem_shared>>
      %dma_wait3A_47 = arith.constant 0 : i32
      %dma_wait3A_48 = tpu.memref_slice %arg9[%add3A_28, %dma_wait3A_47] : memref<3200x128xf32, #tpu.memory_space<vmem_shared>> -> memref<64x128xf32, #tpu.memory_space<vmem_shared>>
      tpu.wait_dma2 semaphore(%run_scoped3A : memref<!tpu.dma_semaphore, #tpu.memory_space<semaphore_mem>>) src(%arg15 : memref<64x128xf32, #tpu.memory_space<vmem>>) dst(%dma_wait3A_48 : memref<64x128xf32, #tpu.memory_space<vmem_shared>>)
      tpu.yield
    }) : () -> ()
    %mul3A_29 = arith.constant 200 : i32
    %mul3A_30 = arith.muli %arg1, %mul3A_29 : i32
    %add3A_31 = arith.constant 192 : i32
    %add3A_32 = arith.addi %mul3A_30, %add3A_31 : i32
    "tpu.region"() ({
      %run_scoped3A = tpu.sem_alloc : memref<!tpu.dma_semaphore, #tpu.memory_space<semaphore_mem>>
      %dma_start3A = arith.constant 0 : i32
      %dma_start3A_43 = arith.constant 0 : i32
      %dma_start3A_44 = tpu.memref_slice %arg15[%dma_start3A, %dma_start3A_43] : memref<64x128xf32, #tpu.memory_space<vmem>> -> memref<8x128xf32, #tpu.memory_space<vmem>>
      %dma_start3A_45 = arith.constant 0 : i32
      %dma_start3A_46 = tpu.memref_slice %arg8[%add3A_32, %dma_start3A_45] : memref<3200x128xf32, #tpu.memory_space<vmem_shared>> -> memref<8x128xf32, #tpu.memory_space<vmem_shared>>
      %dma_start3A_47 = arith.constant 0 : i32
      %dma_start3A_48 = tpu.memref_slice %arg8[%add3A_32, %dma_start3A_47] : memref<3200x128xf32, #tpu.memory_space<vmem_shared>> -> memref<8x128xf32, #tpu.memory_space<vmem_shared>>
      %dma_start3A_49 = arith.constant 0 : i32
      %dma_start3A_50 = arith.constant 0 : i32
      %dma_start3A_51 = tpu.memref_slice %arg15[%dma_start3A_49, %dma_start3A_50] : memref<64x128xf32, #tpu.memory_space<vmem>> -> memref<8x128xf32, #tpu.memory_space<vmem>>
      tpu.enqueue_dma source(%dma_start3A_51 : memref<8x128xf32, #tpu.memory_space<vmem>>) target(%dma_start3A_48 : memref<8x128xf32, #tpu.memory_space<vmem_shared>>) target_semaphore(%run_scoped3A : memref<!tpu.dma_semaphore, #tpu.memory_space<semaphore_mem>>)
      %dma_wait3A = arith.constant 0 : i32
      %dma_wait3A_52 = arith.constant 0 : i32
      %dma_wait3A_53 = tpu.memref_slice %arg15[%dma_wait3A, %dma_wait3A_52] : memref<64x128xf32, #tpu.memory_space<vmem>> -> memref<8x128xf32, #tpu.memory_space<vmem>>
      %dma_wait3A_54 = arith.constant 0 : i32
      %dma_wait3A_55 = tpu.memref_slice %arg8[%add3A_32, %dma_wait3A_54] : memref<3200x128xf32, #tpu.memory_space<vmem_shared>> -> memref<8x128xf32, #tpu.memory_space<vmem_shared>>
      %dma_wait3A_56 = arith.constant 0 : i32
      %dma_wait3A_57 = tpu.memref_slice %arg8[%add3A_32, %dma_wait3A_56] : memref<3200x128xf32, #tpu.memory_space<vmem_shared>> -> memref<8x128xf32, #tpu.memory_space<vmem_shared>>
      %dma_wait3A_58 = arith.constant 0 : i32
      %dma_wait3A_59 = arith.constant 0 : i32
      %dma_wait3A_60 = tpu.memref_slice %arg15[%dma_wait3A_58, %dma_wait3A_59] : memref<64x128xf32, #tpu.memory_space<vmem>> -> memref<8x128xf32, #tpu.memory_space<vmem>>
      tpu.wait_dma2 semaphore(%run_scoped3A : memref<!tpu.dma_semaphore, #tpu.memory_space<semaphore_mem>>) src(%dma_wait3A_60 : memref<8x128xf32, #tpu.memory_space<vmem>>) dst(%dma_wait3A_57 : memref<8x128xf32, #tpu.memory_space<vmem_shared>>)
      tpu.yield
    }) : () -> ()
    %mul3A_33 = arith.constant 200 : i32
    %mul3A_34 = arith.muli %arg1, %mul3A_33 : i32
    %add3A_35 = arith.constant 192 : i32
    %add3A_36 = arith.addi %mul3A_34, %add3A_35 : i32
    "tpu.region"() ({
      %run_scoped3A = tpu.sem_alloc : memref<!tpu.dma_semaphore, #tpu.memory_space<semaphore_mem>>
      %dma_start3A = arith.constant 0 : i32
      %dma_start3A_43 = arith.constant 0 : i32
      %dma_start3A_44 = tpu.memref_slice %arg15[%dma_start3A, %dma_start3A_43] : memref<64x128xf32, #tpu.memory_space<vmem>> -> memref<8x128xf32, #tpu.memory_space<vmem>>
      %dma_start3A_45 = arith.constant 0 : i32
      %dma_start3A_46 = tpu.memref_slice %arg9[%add3A_36, %dma_start3A_45] : memref<3200x128xf32, #tpu.memory_space<vmem_shared>> -> memref<8x128xf32, #tpu.memory_space<vmem_shared>>
      %dma_start3A_47 = arith.constant 0 : i32
      %dma_start3A_48 = tpu.memref_slice %arg9[%add3A_36, %dma_start3A_47] : memref<3200x128xf32, #tpu.memory_space<vmem_shared>> -> memref<8x128xf32, #tpu.memory_space<vmem_shared>>
      %dma_start3A_49 = arith.constant 0 : i32
      %dma_start3A_50 = arith.constant 0 : i32
      %dma_start3A_51 = tpu.memref_slice %arg15[%dma_start3A_49, %dma_start3A_50] : memref<64x128xf32, #tpu.memory_space<vmem>> -> memref<8x128xf32, #tpu.memory_space<vmem>>
      tpu.enqueue_dma source(%dma_start3A_51 : memref<8x128xf32, #tpu.memory_space<vmem>>) target(%dma_start3A_48 : memref<8x128xf32, #tpu.memory_space<vmem_shared>>) target_semaphore(%run_scoped3A : memref<!tpu.dma_semaphore, #tpu.memory_space<semaphore_mem>>)
      %dma_wait3A = arith.constant 0 : i32
      %dma_wait3A_52 = arith.constant 0 : i32
      %dma_wait3A_53 = tpu.memref_slice %arg15[%dma_wait3A, %dma_wait3A_52] : memref<64x128xf32, #tpu.memory_space<vmem>> -> memref<8x128xf32, #tpu.memory_space<vmem>>
      %dma_wait3A_54 = arith.constant 0 : i32
      %dma_wait3A_55 = tpu.memref_slice %arg9[%add3A_36, %dma_wait3A_54] : memref<3200x128xf32, #tpu.memory_space<vmem_shared>> -> memref<8x128xf32, #tpu.memory_space<vmem_shared>>
      %dma_wait3A_56 = arith.constant 0 : i32
      %dma_wait3A_57 = tpu.memref_slice %arg9[%add3A_36, %dma_wait3A_56] : memref<3200x128xf32, #tpu.memory_space<vmem_shared>> -> memref<8x128xf32, #tpu.memory_space<vmem_shared>>
      %dma_wait3A_58 = arith.constant 0 : i32
      %dma_wait3A_59 = arith.constant 0 : i32
      %dma_wait3A_60 = tpu.memref_slice %arg15[%dma_wait3A_58, %dma_wait3A_59] : memref<64x128xf32, #tpu.memory_space<vmem>> -> memref<8x128xf32, #tpu.memory_space<vmem>>
      tpu.wait_dma2 semaphore(%run_scoped3A : memref<!tpu.dma_semaphore, #tpu.memory_space<semaphore_mem>>) src(%dma_wait3A_60 : memref<8x128xf32, #tpu.memory_space<vmem>>) dst(%dma_wait3A_57 : memref<8x128xf32, #tpu.memory_space<vmem_shared>>)
      tpu.yield
    }) : () -> ()
    %barrier3A = arith.constant 0 : index
    tpu.barrier barrier_id(%barrier3A)
    %scan3A_37 = arith.constant 0 : i32
    %scan3A_38 = arith.constant 0 : i32
    %scan3A_39 = arith.constant 50 : i32
    %scan3A_40 = arith.addi %scan3A_38, %scan3A_39 : i32
    %scan3A_41 = arith.constant 1 : i32
    scf.for %scan3A_43 = %scan3A_38 to %scan3A_40 step %scan3A_41  : i32 {
      %mul3A_44 = arith.constant 2 : i32
      %mul3A_45 = arith.muli %scan3A_43, %mul3A_44 : i32
      %add3A_46 = arith.addi %mul3A_45, %arg0 : i32
      %mul3A_47 = arith.constant 3200 : i32
      %mul3A_48 = arith.muli %add3A_46, %mul3A_47 : i32
      %multiple_of3A = tpu.assume_multiple %mul3A_48, 3200 : i32
      %add3A_49 = arith.constant 3200 : i32
      %add3A_50 = arith.addi %multiple_of3A, %add3A_49 : i32
      %scan3A_51 = arith.constant 0 : i32
      %scan3A_52 = arith.constant 0 : i32
      %scan3A_53 = arith.constant 21 : i32
      %scan3A_54 = arith.addi %scan3A_52, %scan3A_53 : i32
      %scan3A_55 = arith.constant 1 : i32
      scf.for %scan3A_141 = %scan3A_52 to %scan3A_54 step %scan3A_55  : i32 {
        %broadcast_in_dim3A = arith.constant 640000 : i32
        %broadcast_in_dim3A_142 = vector.broadcast %broadcast_in_dim3A : i32 to vector<16xi32>
        %swap3A = arith.index_cast %scan3A_141 : i32 to index
        %swap3A_143 = arith.constant 0 : index
        %swap3A_144 = tpu.vector_load %arg12[%swap3A, %swap3A_143] {strides = array<i32>} : memref<21x64xi32, #tpu.memory_space<vmem>>, vector<16xi32>,
        tpu.vector_store %arg12[%swap3A, %swap3A_143], %broadcast_in_dim3A_142 {strides = array<i32>} : memref<21x64xi32, #tpu.memory_space<vmem>>, vector<16xi32>,
        %broadcast_in_dim3A_145 = arith.constant 0 : i32
        %broadcast_in_dim3A_146 = vector.broadcast %broadcast_in_dim3A_145 : i32 to vector<16xi32>
        %swap3A_147 = arith.index_cast %scan3A_141 : i32 to index
        %swap3A_148 = arith.constant 0 : index
        %swap3A_149 = tpu.vector_load %arg13[%swap3A_147, %swap3A_148] {strides = array<i32>} : memref<21x64xi32, #tpu.memory_space<vmem>>, vector<16xi32>,
        tpu.vector_store %arg13[%swap3A_147, %swap3A_148], %broadcast_in_dim3A_146 {strides = array<i32>} : memref<21x64xi32, #tpu.memory_space<vmem>>, vector<16xi32>,
        %broadcast_in_dim3A_150 = arith.constant 0 : i32
        %broadcast_in_dim3A_151 = vector.broadcast %broadcast_in_dim3A_150 : i32 to vector<16xi32>
        %swap3A_152 = arith.index_cast %scan3A_141 : i32 to index
        %swap3A_153 = arith.constant 0 : index
        %swap3A_154 = tpu.vector_load %arg14[%swap3A_152, %swap3A_153] {strides = array<i32>} : memref<21x64xi32, #tpu.memory_space<vmem>>, vector<16xi32>,
        tpu.vector_store %arg14[%swap3A_152, %swap3A_153], %broadcast_in_dim3A_151 {strides = array<i32>} : memref<21x64xi32, #tpu.memory_space<vmem>>, vector<16xi32>,
        %broadcast_in_dim3A_155 = arith.constant 640000 : i32
        %broadcast_in_dim3A_156 = vector.broadcast %broadcast_in_dim3A_155 : i32 to vector<16xi32>
        %swap3A_157 = arith.index_cast %scan3A_141 : i32 to index
        %swap3A_158 = arith.constant 16 : index
        %swap3A_159 = tpu.vector_load %arg12[%swap3A_157, %swap3A_158] {strides = array<i32>} : memref<21x64xi32, #tpu.memory_space<vmem>>, vector<16xi32>,
        tpu.vector_store %arg12[%swap3A_157, %swap3A_158], %broadcast_in_dim3A_156 {strides = array<i32>} : memref<21x64xi32, #tpu.memory_space<vmem>>, vector<16xi32>,
        %broadcast_in_dim3A_160 = arith.constant 0 : i32
        %broadcast_in_dim3A_161 = vector.broadcast %broadcast_in_dim3A_160 : i32 to vector<16xi32>
        %swap3A_162 = arith.index_cast %scan3A_141 : i32 to index
        %swap3A_163 = arith.constant 16 : index
        %swap3A_164 = tpu.vector_load %arg13[%swap3A_162, %swap3A_163] {strides = array<i32>} : memref<21x64xi32, #tpu.memory_space<vmem>>, vector<16xi32>,
        tpu.vector_store %arg13[%swap3A_162, %swap3A_163], %broadcast_in_dim3A_161 {strides = array<i32>} : memref<21x64xi32, #tpu.memory_space<vmem>>, vector<16xi32>,
        %broadcast_in_dim3A_165 = arith.constant 0 : i32
        %broadcast_in_dim3A_166 = vector.broadcast %broadcast_in_dim3A_165 : i32 to vector<16xi32>
        %swap3A_167 = arith.index_cast %scan3A_141 : i32 to index
        %swap3A_168 = arith.constant 16 : index
        %swap3A_169 = tpu.vector_load %arg14[%swap3A_167, %swap3A_168] {strides = array<i32>} : memref<21x64xi32, #tpu.memory_space<vmem>>, vector<16xi32>,
        tpu.vector_store %arg14[%swap3A_167, %swap3A_168], %broadcast_in_dim3A_166 {strides = array<i32>} : memref<21x64xi32, #tpu.memory_space<vmem>>, vector<16xi32>,
        %broadcast_in_dim3A_170 = arith.constant 640000 : i32
        %broadcast_in_dim3A_171 = vector.broadcast %broadcast_in_dim3A_170 : i32 to vector<16xi32>
        %swap3A_172 = arith.index_cast %scan3A_141 : i32 to index
        %swap3A_173 = arith.constant 32 : index
        %swap3A_174 = tpu.vector_load %arg12[%swap3A_172, %swap3A_173] {strides = array<i32>} : memref<21x64xi32, #tpu.memory_space<vmem>>, vector<16xi32>,
        tpu.vector_store %arg12[%swap3A_172, %swap3A_173], %broadcast_in_dim3A_171 {strides = array<i32>} : memref<21x64xi32, #tpu.memory_space<vmem>>, vector<16xi32>,
        %broadcast_in_dim3A_175 = arith.constant 0 : i32
        %broadcast_in_dim3A_176 = vector.broadcast %broadcast_in_dim3A_175 : i32 to vector<16xi32>
        %swap3A_177 = arith.index_cast %scan3A_141 : i32 to index
        %swap3A_178 = arith.constant 32 : index
        %swap3A_179 = tpu.vector_load %arg13[%swap3A_177, %swap3A_178] {strides = array<i32>} : memref<21x64xi32, #tpu.memory_space<vmem>>, vector<16xi32>,
        tpu.vector_store %arg13[%swap3A_177, %swap3A_178], %broadcast_in_dim3A_176 {strides = array<i32>} : memref<21x64xi32, #tpu.memory_space<vmem>>, vector<16xi32>,
        %broadcast_in_dim3A_180 = arith.constant 0 : i32
        %broadcast_in_dim3A_181 = vector.broadcast %broadcast_in_dim3A_180 : i32 to vector<16xi32>
        %swap3A_182 = arith.index_cast %scan3A_141 : i32 to index
        %swap3A_183 = arith.constant 32 : index
        %swap3A_184 = tpu.vector_load %arg14[%swap3A_182, %swap3A_183] {strides = array<i32>} : memref<21x64xi32, #tpu.memory_space<vmem>>, vector<16xi32>,
        tpu.vector_store %arg14[%swap3A_182, %swap3A_183], %broadcast_in_dim3A_181 {strides = array<i32>} : memref<21x64xi32, #tpu.memory_space<vmem>>, vector<16xi32>,
        %broadcast_in_dim3A_185 = arith.constant 640000 : i32
        %broadcast_in_dim3A_186 = vector.broadcast %broadcast_in_dim3A_185 : i32 to vector<16xi32>
        %swap3A_187 = arith.index_cast %scan3A_141 : i32 to index
        %swap3A_188 = arith.constant 48 : index
        %swap3A_189 = tpu.vector_load %arg12[%swap3A_187, %swap3A_188] {strides = array<i32>} : memref<21x64xi32, #tpu.memory_space<vmem>>, vector<16xi32>,
        tpu.vector_store %arg12[%swap3A_187, %swap3A_188], %broadcast_in_dim3A_186 {strides = array<i32>} : memref<21x64xi32, #tpu.memory_space<vmem>>, vector<16xi32>,
        %broadcast_in_dim3A_190 = arith.constant 0 : i32
        %broadcast_in_dim3A_191 = vector.broadcast %broadcast_in_dim3A_190 : i32 to vector<16xi32>
        %swap3A_192 = arith.index_cast %scan3A_141 : i32 to index
        %swap3A_193 = arith.constant 48 : index
        %swap3A_194 = tpu.vector_load %arg13[%swap3A_192, %swap3A_193] {strides = array<i32>} : memref<21x64xi32, #tpu.memory_space<vmem>>, vector<16xi32>,
        tpu.vector_store %arg13[%swap3A_192, %swap3A_193], %broadcast_in_dim3A_191 {strides = array<i32>} : memref<21x64xi32, #tpu.memory_space<vmem>>, vector<16xi32>,
        %broadcast_in_dim3A_195 = arith.constant 0 : i32
        %broadcast_in_dim3A_196 = vector.broadcast %broadcast_in_dim3A_195 : i32 to vector<16xi32>
        %swap3A_197 = arith.index_cast %scan3A_141 : i32 to index
        %swap3A_198 = arith.constant 48 : index
        %swap3A_199 = tpu.vector_load %arg14[%swap3A_197, %swap3A_198] {strides = array<i32>} : memref<21x64xi32, #tpu.memory_space<vmem>>, vector<16xi32>,
        tpu.vector_store %arg14[%swap3A_197, %swap3A_198], %broadcast_in_dim3A_196 {strides = array<i32>} : memref<21x64xi32, #tpu.memory_space<vmem>>, vector<16xi32>,
      }
      %scan3A_56 = arith.constant 21 : i32
      %scan3A_57 = arith.constant 0 : i32
      %scan3A_58 = arith.constant 0 : i32
      %scan3A_59 = arith.constant 25 : i32
      %scan3A_60 = arith.addi %scan3A_58, %scan3A_59 : i32
      %scan3A_61 = arith.constant 1 : i32
      %scan3A_62 = scf.for %scan3A_141 = %scan3A_58 to %scan3A_60 step %scan3A_61 iter_args(%scan3A_142 = %scan3A_57) -> (i32)  : i32 {
        %mul3A_143 = arith.constant 1600 : i32
        %mul3A_144 = arith.muli %scan3A_141, %mul3A_143 : i32
        %add3A_145 = arith.addi %mul3A_0, %mul3A_144 : i32
        "tpu.region"() ({
          %run_scoped3A = tpu.sem_alloc : memref<!tpu.dma_semaphore, #tpu.memory_space<semaphore_mem>>
          %dma_start3A = tpu.memref_slice %arg4[%add3A_145] : memref<640000xi32, #tpu.memory_space<hbm>> -> memref<1600xi32, #tpu.memory_space<hbm>>
          %dma_start3A_152 = tpu.memref_slice %arg4[%add3A_145] : memref<640000xi32, #tpu.memory_space<hbm>> -> memref<1600xi32, #tpu.memory_space<hbm>>
          tpu.enqueue_dma source(%dma_start3A_152 : memref<1600xi32, #tpu.memory_space<hbm>>) target(%arg10 : memref<1600xi32, #tpu.memory_space<vmem>>) target_semaphore(%run_scoped3A : memref<!tpu.dma_semaphore, #tpu.memory_space<semaphore_mem>>)
          %dma_wait3A = tpu.memref_slice %arg4[%add3A_145] : memref<640000xi32, #tpu.memory_space<hbm>> -> memref<1600xi32, #tpu.memory_space<hbm>>
          %dma_wait3A_153 = tpu.memref_slice %arg4[%add3A_145] : memref<640000xi32, #tpu.memory_space<hbm>> -> memref<1600xi32, #tpu.memory_space<hbm>>
          tpu.wait_dma2 semaphore(%run_scoped3A : memref<!tpu.dma_semaphore, #tpu.memory_space<semaphore_mem>>) src(%dma_wait3A_153 : memref<1600xi32, #tpu.memory_space<hbm>>) dst(%arg10 : memref<1600xi32, #tpu.memory_space<vmem>>)
          tpu.yield
        }) : () -> ()
        "tpu.region"() ({
          %run_scoped3A = tpu.sem_alloc : memref<!tpu.dma_semaphore, #tpu.memory_space<semaphore_mem>>
          %dma_start3A = tpu.memref_slice %arg5[%add3A_145] : memref<640000xi32, #tpu.memory_space<hbm>> -> memref<1600xi32, #tpu.memory_space<hbm>>
          %dma_start3A_152 = tpu.memref_slice %arg5[%add3A_145] : memref<640000xi32, #tpu.memory_space<hbm>> -> memref<1600xi32, #tpu.memory_space<hbm>>
          tpu.enqueue_dma source(%dma_start3A_152 : memref<1600xi32, #tpu.memory_space<hbm>>) target(%arg11 : memref<1600xi32, #tpu.memory_space<vmem>>) target_semaphore(%run_scoped3A : memref<!tpu.dma_semaphore, #tpu.memory_space<semaphore_mem>>)
          %dma_wait3A = tpu.memref_slice %arg5[%add3A_145] : memref<640000xi32, #tpu.memory_space<hbm>> -> memref<1600xi32, #tpu.memory_space<hbm>>
          %dma_wait3A_153 = tpu.memref_slice %arg5[%add3A_145] : memref<640000xi32, #tpu.memory_space<hbm>> -> memref<1600xi32, #tpu.memory_space<hbm>>
          tpu.wait_dma2 semaphore(%run_scoped3A : memref<!tpu.dma_semaphore, #tpu.memory_space<semaphore_mem>>) src(%dma_wait3A_153 : memref<1600xi32, #tpu.memory_space<hbm>>) dst(%arg11 : memref<1600xi32, #tpu.memory_space<vmem>>)
          tpu.yield
        }) : () -> ()
        %scan3A_146 = arith.constant 0 : i32
        %scan3A_147 = arith.constant 100 : i32
        %scan3A_148 = arith.addi %scan3A_146, %scan3A_147 : i32
        %scan3A_149 = arith.constant 1 : i32
        %scan3A_150 = scf.for %scan3A_152 = %scan3A_146 to %scan3A_148 step %scan3A_149 iter_args(%scan3A_153 = %scan3A_142) -> (i32)  : i32 {
          %mul3A_154 = arith.constant 16 : i32
          %mul3A_155 = arith.muli %scan3A_152, %mul3A_154 : i32
          %get3A = arith.index_cast %mul3A_155 : i32 to index
          %get3A_156 = tpu.vector_load %arg11[%get3A] {strides = array<i32>} : memref<1600xi32, #tpu.memory_space<vmem>>, vector<16xi32>,
          %mul3A_157 = arith.constant 16 : i32
          %mul3A_158 = arith.muli %scan3A_152, %mul3A_157 : i32
          %get3A_159 = arith.index_cast %mul3A_158 : i32 to index
          %get3A_160 = tpu.vector_load %arg10[%get3A_159] {strides = array<i32>} : memref<1600xi32, #tpu.memory_space<vmem>>, vector<16xi32>,
          %mul3A_161 = arith.constant 16 : i32
          %mul3A_162 = arith.muli %scan3A_152, %mul3A_161 : i32
          %add3A_163 = arith.addi %add3A_145, %mul3A_162 : i32
          %add3A_164 = vector.broadcast %add3A_163 : i32 to vector<16xi32>
          %add3A_165 = arith.addi %add3A_164, %iota3A : vector<16xi32>
          %ge3A = vector.broadcast %multiple_of3A : i32 to vector<16xi32>
          %ge3A_166 = arith.cmpi sge, %get3A_156, %ge3A : vector<16xi32>
          %lt3A = vector.broadcast %add3A_50 : i32 to vector<16xi32>
          %lt3A_167 = arith.cmpi slt, %get3A_156, %lt3A : vector<16xi32>
          %and3A_168 = arith.andi %ge3A_166, %lt3A_167 : vector<16xi1>
          %jit3A_169 = arith.constant 1.000000e+00 : f32
          %jit3A_170 = arith.constant 0.000000e+00 : f32
          %broadcast_in_dim3A = vector.broadcast %jit3A_169 : f32 to vector<16xf32>
          %broadcast_in_dim3A_171 = vector.broadcast %jit3A_170 : f32 to vector<16xf32>
          %select_n3A_172 = arith.select %and3A_168, %broadcast_in_dim3A, %broadcast_in_dim3A_171 : vector<16xi1>, vector<16xf32>
          %broadcast_in_dim3A_173 = arith.constant true
          %broadcast_in_dim3A_174 = vector.broadcast %broadcast_in_dim3A_173 : i1 to vector<16xi1>
          %masked_cumsum3A = tpu.scan <sum>, %select_n3A_172 masked %broadcast_in_dim3A_174 : vector<16xf32>, vector<16xi1> -> vector<16xf32>
          %convert_element_type3A = arith.fptosi %masked_cumsum3A : vector<16xf32> to vector<16xi32>
          %min3A = arith.constant 1264 : i32
          %min3A_175 = arith.minsi %scan3A_153, %min3A : i32
          %add3A_176 = vector.broadcast %min3A_175 : i32 to vector<16xi32>
          %add3A_177 = arith.addi %add3A_176, %convert_element_type3A : vector<16xi32>
          %sub3A_178 = arith.constant 1 : i32
          %sub3A_179 = vector.broadcast %sub3A_178 : i32 to vector<16xi32>
          %sub3A_180 = arith.subi %add3A_177, %sub3A_179 : vector<16xi32>
          %add3A_181 = arith.constant 1280 : i32
          %add3A_182 = vector.broadcast %add3A_181 : i32 to vector<16xi32>
          %add3A_183 = arith.addi %add3A_182, %iota3A : vector<16xi32>
          %select_n3A_184 = arith.select %and3A_168, %sub3A_180, %add3A_183 : vector<16xi1>, vector<16xi32>
          %jit3A_185 = arith.constant 64 : i32
          %div3A_186 = vector.broadcast %jit3A_185 : i32 to vector<16xi32>
          %div3A_187 = arith.divsi %select_n3A_184, %div3A_186 : vector<16xi32>
          %sign3A_188 = arith.constant 0 : i32
          %sign3A_189 = vector.broadcast %sign3A_188 : i32 to vector<16xi32>
          %sign3A_190 = arith.cmpi sgt, %select_n3A_184, %sign3A_189 : vector<16xi32>
          %sign3A_191 = arith.extui %sign3A_190 : vector<16xi1> to vector<16xi32>
          %sign3A_192 = arith.constant 0 : i32
          %sign3A_193 = vector.broadcast %sign3A_192 : i32 to vector<16xi32>
          %sign3A_194 = arith.cmpi slt, %select_n3A_184, %sign3A_193 : vector<16xi32>
          %sign3A_195 = arith.extui %sign3A_194 : vector<16xi1> to vector<16xi32>
          %sign3A_196 = arith.subi %sign3A_191, %sign3A_195 : vector<16xi32>
          %sign3A_197 = arith.constant 0 : i32
          %sign3A_198 = arith.cmpi sgt, %jit3A_185, %sign3A_197 : i32
          %sign3A_199 = arith.extui %sign3A_198 : i1 to i32
          %sign3A_200 = arith.constant 0 : i32
          %sign3A_201 = arith.cmpi slt, %jit3A_185, %sign3A_200 : i32
          %sign3A_202 = arith.extui %sign3A_201 : i1 to i32
          %sign3A_203 = arith.subi %sign3A_199, %sign3A_202 : i32
          %ne3A_204 = vector.broadcast %sign3A_203 : i32 to vector<16xi32>
          %ne3A_205 = arith.cmpi ne, %sign3A_196, %ne3A_204 : vector<16xi32>
          %rem3A_206 = vector.broadcast %jit3A_185 : i32 to vector<16xi32>
          %rem3A_207 = arith.remsi %select_n3A_184, %rem3A_206 : vector<16xi32>
          %ne3A_208 = arith.constant 0 : i32
          %ne3A_209 = vector.broadcast %ne3A_208 : i32 to vector<16xi32>
          %ne3A_210 = arith.cmpi ne, %rem3A_207, %ne3A_209 : vector<16xi32>
          %and3A_211 = arith.andi %ne3A_205, %ne3A_210 : vector<16xi1>
          %sub3A_212 = arith.constant 1 : i32
          %sub3A_213 = vector.broadcast %sub3A_212 : i32 to vector<16xi32>
          %sub3A_214 = arith.subi %div3A_187, %sub3A_213 : vector<16xi32>
          %select_n3A_215 = arith.select %and3A_211, %sub3A_214, %div3A_187 : vector<16xi1>, vector<16xi32>
          %mul3A_216 = arith.constant 64 : i32
          %mul3A_217 = vector.broadcast %mul3A_216 : i32 to vector<16xi32>
          %mul3A_218 = arith.muli %select_n3A_215, %mul3A_217 : vector<16xi32>
          %sub3A_219 = arith.subi %select_n3A_184, %mul3A_218 : vector<16xi32>
          tpu.vector_store_idx %arg12[%select_n3A_215, %sub3A_219], %add3A_165 : memref<21x64xi32, #tpu.memory_space<vmem>>[vector<16xi32>, vector<16xi32>], vector<16xi32>,
          tpu.vector_store_idx %arg13[%select_n3A_215, %sub3A_219], %get3A_160 : memref<21x64xi32, #tpu.memory_space<vmem>>[vector<16xi32>, vector<16xi32>], vector<16xi32>,
          %sub3A_220 = vector.broadcast %multiple_of3A : i32 to vector<16xi32>
          %sub3A_221 = arith.subi %get3A_156, %sub3A_220 : vector<16xi32>
          tpu.vector_store_idx %arg14[%select_n3A_215, %sub3A_219], %sub3A_221 : memref<21x64xi32, #tpu.memory_space<vmem>>[vector<16xi32>, vector<16xi32>], vector<16xi32>,
          %reduce_sum3A = arith.constant true
          %reduce_sum3A_222 = vector.broadcast %reduce_sum3A : i1 to vector<16xi1>
          %reduce_sum3A_223 = tpu.scan <sum>, %select_n3A_172 masked %reduce_sum3A_222 : vector<16xf32>, vector<16xi1> -> vector<16xf32>
          %reduce_sum3A_224 = vector.extract %reduce_sum3A_223[15] : f32 from vector<16xf32>
          %convert_element_type3A_225 = arith.fptosi %reduce_sum3A_224 : f32 to i32
          %add3A_226 = arith.addi %min3A_175, %convert_element_type3A_225 : i32
          scf.yield %add3A_226 : i32
        }
        %scan3A_151 = arith.constant 100 : i32
        scf.yield %scan3A_150 : i32
      }
      %scan3A_63 = arith.constant 25 : i32
      %add3A_64 = arith.constant 64 : i32
      %add3A_65 = arith.addi %scan3A_62, %add3A_64 : i32
      %sub3A = arith.constant 1 : i32
      %sub3A_66 = arith.subi %add3A_65, %sub3A : i32
      %jit3A = arith.constant 64 : i32
      %div3A = arith.divsi %sub3A_66, %jit3A : i32
      %sign3A = arith.constant 0 : i32
      %sign3A_67 = arith.cmpi sgt, %sub3A_66, %sign3A : i32
      %sign3A_68 = arith.extui %sign3A_67 : i1 to i32
      %sign3A_69 = arith.constant 0 : i32
      %sign3A_70 = arith.cmpi slt, %sub3A_66, %sign3A_69 : i32
      %sign3A_71 = arith.extui %sign3A_70 : i1 to i32
      %sign3A_72 = arith.subi %sign3A_68, %sign3A_71 : i32
      %sign3A_73 = arith.constant 0 : i32
      %sign3A_74 = arith.cmpi sgt, %jit3A, %sign3A_73 : i32
      %sign3A_75 = arith.extui %sign3A_74 : i1 to i32
      %sign3A_76 = arith.constant 0 : i32
      %sign3A_77 = arith.cmpi slt, %jit3A, %sign3A_76 : i32
      %sign3A_78 = arith.extui %sign3A_77 : i1 to i32
      %sign3A_79 = arith.subi %sign3A_75, %sign3A_78 : i32
      %ne3A = arith.cmpi ne, %sign3A_72, %sign3A_79 : i32
      %rem3A = arith.remsi %sub3A_66, %jit3A : i32
      %ne3A_80 = arith.constant 0 : i32
      %ne3A_81 = arith.cmpi ne, %rem3A, %ne3A_80 : i32
      %and3A = arith.andi %ne3A, %ne3A_81 : i1
      %sub3A_82 = arith.constant 1 : i32
      %sub3A_83 = arith.subi %div3A, %sub3A_82 : i32
      %select_n3A = arith.select %and3A, %sub3A_83, %div3A : i32
      %while3A = arith.constant 0 : i32
      %while3A_84 = arith.constant 0 : i32
      %while3A_85 = arith.subi %select_n3A, %while3A_84 : i32
      %while3A_86 = arith.addi %while3A_84, %while3A_85 : i32
      %while3A_87 = arith.constant 1 : i32
      %while3A_88 = arith.divsi %while3A_85, %while3A_87 : i32
      %while3A_89 = arith.muli %while3A_88, %while3A_87 : i32
      %while3A_90 = arith.addi %while3A_84, %while3A_89 : i32
      %while3A_91 = arith.constant 1 : i32
      scf.for %while3A_141 = %while3A_84 to %while3A_90 step %while3A_91  : i32 {
        %dma_start3A = arith.constant 0 : i32
        %dma_start3A_142 = tpu.memref_slice %arg13[%while3A_141, %dma_start3A] : memref<21x64xi32, #tpu.memory_space<vmem>> -> memref<1x64xi32, #tpu.memory_space<vmem>>
        %dma_start3A_143 = tpu.memref_squeeze %dma_start3A_142 : memref<1x64xi32, #tpu.memory_space<vmem>> -> memref<64xi32, #tpu.memory_space<vmem>>
        %dma_start3A_144 = arith.constant 0 : i32
        %dma_start3A_145 = arith.constant 0 : i32
        %dma_start3A_146 = tpu.memref_slice %arg2[%dma_start3A_144, %dma_start3A_145] : memref<320000x128xf32, #tpu.memory_space<hbm>> -> memref<320000x128xf32, #tpu.memory_space<hbm>>
        tpu.enqueue_indirect_dma source(%dma_start3A_146 : memref<320000x128xf32, #tpu.memory_space<hbm>>) target(%arg15 : memref<64x128xf32, #tpu.memory_space<vmem>>) offsets(%dma_start3A_143 : memref<64xi32, #tpu.memory_space<vmem>>) semaphore(%arg17 : memref<!tpu.dma_semaphore, #tpu.memory_space<semaphore_mem>>)
        %dma_start3A_147 = arith.constant 0 : i32
        %dma_start3A_148 = tpu.memref_slice %arg12[%while3A_141, %dma_start3A_147] : memref<21x64xi32, #tpu.memory_space<vmem>> -> memref<1x64xi32, #tpu.memory_space<vmem>>
        %dma_start3A_149 = tpu.memref_squeeze %dma_start3A_148 : memref<1x64xi32, #tpu.memory_space<vmem>> -> memref<64xi32, #tpu.memory_space<vmem>>
        %dma_start3A_150 = arith.constant 0 : i32
        %dma_start3A_151 = arith.constant 0 : i32
        %dma_start3A_152 = tpu.memref_slice %arg3[%dma_start3A_150, %dma_start3A_151] : memref<640016x128xf32, #tpu.memory_space<hbm>> -> memref<640016x128xf32, #tpu.memory_space<hbm>>
        tpu.enqueue_indirect_dma source(%dma_start3A_152 : memref<640016x128xf32, #tpu.memory_space<hbm>>) target(%arg16 : memref<64x128xf32, #tpu.memory_space<vmem>>) offsets(%dma_start3A_149 : memref<64xi32, #tpu.memory_space<vmem>>) semaphore(%arg18 : memref<!tpu.dma_semaphore, #tpu.memory_space<semaphore_mem>>)
        %dma_wait3A = arith.constant 0 : i32
        %dma_wait3A_153 = tpu.memref_slice %arg13[%while3A_141, %dma_wait3A] : memref<21x64xi32, #tpu.memory_space<vmem>> -> memref<1x64xi32, #tpu.memory_space<vmem>>
        %dma_wait3A_154 = tpu.memref_squeeze %dma_wait3A_153 : memref<1x64xi32, #tpu.memory_space<vmem>> -> memref<64xi32, #tpu.memory_space<vmem>>
        %dma_wait3A_155 = arith.constant 0 : i32
        %dma_wait3A_156 = arith.constant 0 : i32
        %dma_wait3A_157 = tpu.memref_slice %arg2[%dma_wait3A_155, %dma_wait3A_156] : memref<320000x128xf32, #tpu.memory_space<hbm>> -> memref<320000x128xf32, #tpu.memory_space<hbm>>
        tpu.wait_indirect_dma semaphore(%arg17 : memref<!tpu.dma_semaphore, #tpu.memory_space<semaphore_mem>>) src(%dma_wait3A_157 : memref<320000x128xf32, #tpu.memory_space<hbm>>) dst(%arg15 : memref<64x128xf32, #tpu.memory_space<vmem>>)
        %dma_wait3A_158 = arith.constant 0 : i32
        %dma_wait3A_159 = tpu.memref_slice %arg12[%while3A_141, %dma_wait3A_158] : memref<21x64xi32, #tpu.memory_space<vmem>> -> memref<1x64xi32, #tpu.memory_space<vmem>>
        %dma_wait3A_160 = tpu.memref_squeeze %dma_wait3A_159 : memref<1x64xi32, #tpu.memory_space<vmem>> -> memref<64xi32, #tpu.memory_space<vmem>>
        %dma_wait3A_161 = arith.constant 0 : i32
        %dma_wait3A_162 = arith.constant 0 : i32
        %dma_wait3A_163 = tpu.memref_slice %arg3[%dma_wait3A_161, %dma_wait3A_162] : memref<640016x128xf32, #tpu.memory_space<hbm>> -> memref<640016x128xf32, #tpu.memory_space<hbm>>
        tpu.wait_indirect_dma semaphore(%arg18 : memref<!tpu.dma_semaphore, #tpu.memory_space<semaphore_mem>>) src(%dma_wait3A_163 : memref<640016x128xf32, #tpu.memory_space<hbm>>) dst(%arg16 : memref<64x128xf32, #tpu.memory_space<vmem>>)
        %scan3A_164 = arith.constant 0 : i32
        %scan3A_165 = arith.constant 0 : i32
        %scan3A_166 = arith.constant 64 : i32
        %scan3A_167 = arith.addi %scan3A_165, %scan3A_166 : i32
        %scan3A_168 = arith.constant 1 : i32
        scf.for %scan3A_176 = %scan3A_165 to %scan3A_167 step %scan3A_168  : i32 {
          %get3A = arith.index_cast %scan3A_176 : i32 to index
          %get3A_177 = arith.constant 0 : index
          %get3A_178 = tpu.vector_load %arg15[%get3A, %get3A_177] {strides = array<i32>} : memref<64x128xf32, #tpu.memory_space<vmem>>, vector<16xf32>,
          %get3A_179 = arith.index_cast %scan3A_176 : i32 to index
          %get3A_180 = arith.constant 0 : index
          %get3A_181 = tpu.vector_load %arg16[%get3A_179, %get3A_180] {strides = array<i32>} : memref<64x128xf32, #tpu.memory_space<vmem>>, vector<16xf32>,
          %mul3A_182 = arith.mulf %get3A_178, %get3A_181 : vector<16xf32>
          %swap3A = arith.index_cast %scan3A_176 : i32 to index
          %swap3A_183 = arith.constant 0 : index
          %swap3A_184 = tpu.vector_load %arg15[%swap3A, %swap3A_183] {strides = array<i32>} : memref<64x128xf32, #tpu.memory_space<vmem>>, vector<16xf32>,
          tpu.vector_store %arg15[%swap3A, %swap3A_183], %mul3A_182 {strides = array<i32>} : memref<64x128xf32, #tpu.memory_space<vmem>>, vector<16xf32>,
          %get3A_185 = arith.index_cast %scan3A_176 : i32 to index
          %get3A_186 = arith.constant 16 : index
          %get3A_187 = tpu.vector_load %arg15[%get3A_185, %get3A_186] {strides = array<i32>} : memref<64x128xf32, #tpu.memory_space<vmem>>, vector<16xf32>,
          %get3A_188 = arith.index_cast %scan3A_176 : i32 to index
          %get3A_189 = arith.constant 16 : index
          %get3A_190 = tpu.vector_load %arg16[%get3A_188, %get3A_189] {strides = array<i32>} : memref<64x128xf32, #tpu.memory_space<vmem>>, vector<16xf32>,
          %mul3A_191 = arith.mulf %get3A_187, %get3A_190 : vector<16xf32>
          %swap3A_192 = arith.index_cast %scan3A_176 : i32 to index
          %swap3A_193 = arith.constant 16 : index
          %swap3A_194 = tpu.vector_load %arg15[%swap3A_192, %swap3A_193] {strides = array<i32>} : memref<64x128xf32, #tpu.memory_space<vmem>>, vector<16xf32>,
          tpu.vector_store %arg15[%swap3A_192, %swap3A_193], %mul3A_191 {strides = array<i32>} : memref<64x128xf32, #tpu.memory_space<vmem>>, vector<16xf32>,
          %get3A_195 = arith.index_cast %scan3A_176 : i32 to index
          %get3A_196 = arith.constant 32 : index
          %get3A_197 = tpu.vector_load %arg15[%get3A_195, %get3A_196] {strides = array<i32>} : memref<64x128xf32, #tpu.memory_space<vmem>>, vector<16xf32>,
          %get3A_198 = arith.index_cast %scan3A_176 : i32 to index
          %get3A_199 = arith.constant 32 : index
          %get3A_200 = tpu.vector_load %arg16[%get3A_198, %get3A_199] {strides = array<i32>} : memref<64x128xf32, #tpu.memory_space<vmem>>, vector<16xf32>,
          %mul3A_201 = arith.mulf %get3A_197, %get3A_200 : vector<16xf32>
          %swap3A_202 = arith.index_cast %scan3A_176 : i32 to index
          %swap3A_203 = arith.constant 32 : index
          %swap3A_204 = tpu.vector_load %arg15[%swap3A_202, %swap3A_203] {strides = array<i32>} : memref<64x128xf32, #tpu.memory_space<vmem>>, vector<16xf32>,
          tpu.vector_store %arg15[%swap3A_202, %swap3A_203], %mul3A_201 {strides = array<i32>} : memref<64x128xf32, #tpu.memory_space<vmem>>, vector<16xf32>,
          %get3A_205 = arith.index_cast %scan3A_176 : i32 to index
          %get3A_206 = arith.constant 48 : index
          %get3A_207 = tpu.vector_load %arg15[%get3A_205, %get3A_206] {strides = array<i32>} : memref<64x128xf32, #tpu.memory_space<vmem>>, vector<16xf32>,
          %get3A_208 = arith.index_cast %scan3A_176 : i32 to index
          %get3A_209 = arith.constant 48 : index
          %get3A_210 = tpu.vector_load %arg16[%get3A_208, %get3A_209] {strides = array<i32>} : memref<64x128xf32, #tpu.memory_space<vmem>>, vector<16xf32>,
          %mul3A_211 = arith.mulf %get3A_207, %get3A_210 : vector<16xf32>
          %swap3A_212 = arith.index_cast %scan3A_176 : i32 to index
          %swap3A_213 = arith.constant 48 : index
          %swap3A_214 = tpu.vector_load %arg15[%swap3A_212, %swap3A_213] {strides = array<i32>} : memref<64x128xf32, #tpu.memory_space<vmem>>, vector<16xf32>,
          tpu.vector_store %arg15[%swap3A_212, %swap3A_213], %mul3A_211 {strides = array<i32>} : memref<64x128xf32, #tpu.memory_space<vmem>>, vector<16xf32>,
          %get3A_215 = arith.index_cast %scan3A_176 : i32 to index
          %get3A_216 = arith.constant 64 : index
          %get3A_217 = tpu.vector_load %arg15[%get3A_215, %get3A_216] {strides = array<i32>} : memref<64x128xf32, #tpu.memory_space<vmem>>, vector<16xf32>,
          %get3A_218 = arith.index_cast %scan3A_176 : i32 to index
          %get3A_219 = arith.constant 64 : index
          %get3A_220 = tpu.vector_load %arg16[%get3A_218, %get3A_219] {strides = array<i32>} : memref<64x128xf32, #tpu.memory_space<vmem>>, vector<16xf32>,
          %mul3A_221 = arith.mulf %get3A_217, %get3A_220 : vector<16xf32>
          %swap3A_222 = arith.index_cast %scan3A_176 : i32 to index
          %swap3A_223 = arith.constant 64 : index
          %swap3A_224 = tpu.vector_load %arg15[%swap3A_222, %swap3A_223] {strides = array<i32>} : memref<64x128xf32, #tpu.memory_space<vmem>>, vector<16xf32>,
          tpu.vector_store %arg15[%swap3A_222, %swap3A_223], %mul3A_221 {strides = array<i32>} : memref<64x128xf32, #tpu.memory_space<vmem>>, vector<16xf32>,
          %get3A_225 = arith.index_cast %scan3A_176 : i32 to index
          %get3A_226 = arith.constant 80 : index
          %get3A_227 = tpu.vector_load %arg15[%get3A_225, %get3A_226] {strides = array<i32>} : memref<64x128xf32, #tpu.memory_space<vmem>>, vector<16xf32>,
          %get3A_228 = arith.index_cast %scan3A_176 : i32 to index
          %get3A_229 = arith.constant 80 : index
          %get3A_230 = tpu.vector_load %arg16[%get3A_228, %get3A_229] {strides = array<i32>} : memref<64x128xf32, #tpu.memory_space<vmem>>, vector<16xf32>,
          %mul3A_231 = arith.mulf %get3A_227, %get3A_230 : vector<16xf32>
          %swap3A_232 = arith.index_cast %scan3A_176 : i32 to index
          %swap3A_233 = arith.constant 80 : index
          %swap3A_234 = tpu.vector_load %arg15[%swap3A_232, %swap3A_233] {strides = array<i32>} : memref<64x128xf32, #tpu.memory_space<vmem>>, vector<16xf32>,
          tpu.vector_store %arg15[%swap3A_232, %swap3A_233], %mul3A_231 {strides = array<i32>} : memref<64x128xf32, #tpu.memory_space<vmem>>, vector<16xf32>,
          %get3A_235 = arith.index_cast %scan3A_176 : i32 to index
          %get3A_236 = arith.constant 96 : index
          %get3A_237 = tpu.vector_load %arg15[%get3A_235, %get3A_236] {strides = array<i32>} : memref<64x128xf32, #tpu.memory_space<vmem>>, vector<16xf32>,
          %get3A_238 = arith.index_cast %scan3A_176 : i32 to index
          %get3A_239 = arith.constant 96 : index
          %get3A_240 = tpu.vector_load %arg16[%get3A_238, %get3A_239] {strides = array<i32>} : memref<64x128xf32, #tpu.memory_space<vmem>>, vector<16xf32>,
          %mul3A_241 = arith.mulf %get3A_237, %get3A_240 : vector<16xf32>
          %swap3A_242 = arith.index_cast %scan3A_176 : i32 to index
          %swap3A_243 = arith.constant 96 : index
          %swap3A_244 = tpu.vector_load %arg15[%swap3A_242, %swap3A_243] {strides = array<i32>} : memref<64x128xf32, #tpu.memory_space<vmem>>, vector<16xf32>,
          tpu.vector_store %arg15[%swap3A_242, %swap3A_243], %mul3A_241 {strides = array<i32>} : memref<64x128xf32, #tpu.memory_space<vmem>>, vector<16xf32>,
          %get3A_245 = arith.index_cast %scan3A_176 : i32 to index
          %get3A_246 = arith.constant 112 : index
          %get3A_247 = tpu.vector_load %arg15[%get3A_245, %get3A_246] {strides = array<i32>} : memref<64x128xf32, #tpu.memory_space<vmem>>, vector<16xf32>,
          %get3A_248 = arith.index_cast %scan3A_176 : i32 to index
          %get3A_249 = arith.constant 112 : index
          %get3A_250 = tpu.vector_load %arg16[%get3A_248, %get3A_249] {strides = array<i32>} : memref<64x128xf32, #tpu.memory_space<vmem>>, vector<16xf32>,
          %mul3A_251 = arith.mulf %get3A_247, %get3A_250 : vector<16xf32>
          %swap3A_252 = arith.index_cast %scan3A_176 : i32 to index
          %swap3A_253 = arith.constant 112 : index
          %swap3A_254 = tpu.vector_load %arg15[%swap3A_252, %swap3A_253] {strides = array<i32>} : memref<64x128xf32, #tpu.memory_space<vmem>>, vector<16xf32>,
          tpu.vector_store %arg15[%swap3A_252, %swap3A_253], %mul3A_251 {strides = array<i32>} : memref<64x128xf32, #tpu.memory_space<vmem>>, vector<16xf32>,
        }
        %scan3A_169 = arith.constant 64 : i32
        %scan3A_170 = arith.constant 0 : i32
        %scan3A_171 = arith.constant 0 : i32
        %scan3A_172 = arith.constant 4 : i32
        %scan3A_173 = arith.addi %scan3A_171, %scan3A_172 : i32
        %scan3A_174 = arith.constant 1 : i32
        scf.for %scan3A_176 = %scan3A_171 to %scan3A_173 step %scan3A_174  : i32 {
          %mul3A_177 = arith.constant 16 : i32
          %mul3A_178 = arith.muli %scan3A_176, %mul3A_177 : i32
          %get3A = arith.index_cast %while3A_141 : i32 to index
          %get3A_179 = arith.index_cast %mul3A_178 : i32 to index
          %get3A_180 = tpu.vector_load %arg14[%get3A, %get3A_179] {strides = array<i32>} : memref<21x64xi32, #tpu.memory_space<vmem>>, vector<16xi32>,
          %mul3A_181 = arith.constant 16 : i32
          %mul3A_182 = arith.muli %scan3A_176, %mul3A_181 : i32
          "tpu.region"() ({
            %run_scoped3A = tpu.sem_alloc : memref<!tpu.dma_semaphore, #tpu.memory_space<semaphore_mem>>
            %dma_start3A_185 = arith.constant 0 : i32
            %dma_start3A_186 = tpu.memref_slice %arg15[%mul3A_182, %dma_start3A_185] : memref<64x128xf32, #tpu.memory_space<vmem>> -> memref<16x128xf32, #tpu.memory_space<vmem>>
            %dma_start3A_187 = arith.constant 0 : i32
            %dma_start3A_188 = arith.constant 0 : i32
            %dma_start3A_189 = tpu.memref_slice %arg8[%dma_start3A_187, %dma_start3A_188] : memref<3200x128xf32, #tpu.memory_space<vmem_shared>> -> memref<3200x128xf32, #tpu.memory_space<vmem_shared>>
            tpu.enqueue_indirect_dma source(%dma_start3A_186 : memref<16x128xf32, #tpu.memory_space<vmem>>) target(%dma_start3A_189 : memref<3200x128xf32, #tpu.memory_space<vmem_shared>>) offsets(%get3A_180 : vector<16xi32>) semaphore(%run_scoped3A : memref<!tpu.dma_semaphore, #tpu.memory_space<semaphore_mem>>) {add = true}
            %dma_wait3A_190 = arith.constant 0 : i32
            %dma_wait3A_191 = tpu.memref_slice %arg15[%mul3A_182, %dma_wait3A_190] : memref<64x128xf32, #tpu.memory_space<vmem>> -> memref<16x128xf32, #tpu.memory_space<vmem>>
            %dma_wait3A_192 = arith.constant 0 : i32
            %dma_wait3A_193 = arith.constant 0 : i32
            %dma_wait3A_194 = tpu.memref_slice %arg8[%dma_wait3A_192, %dma_wait3A_193] : memref<3200x128xf32, #tpu.memory_space<vmem_shared>> -> memref<3200x128xf32, #tpu.memory_space<vmem_shared>>
            tpu.wait_indirect_dma semaphore(%run_scoped3A : memref<!tpu.dma_semaphore, #tpu.memory_space<semaphore_mem>>) src(%dma_wait3A_191 : memref<16x128xf32, #tpu.memory_space<vmem>>) dst(%dma_wait3A_194 : memref<3200x128xf32, #tpu.memory_space<vmem_shared>>)
            tpu.yield
          }) : () -> ()
          %mul3A_183 = arith.constant 16 : i32
          %mul3A_184 = arith.muli %scan3A_176, %mul3A_183 : i32
          "tpu.region"() ({
            %run_scoped3A = tpu.sem_alloc : memref<!tpu.dma_semaphore, #tpu.memory_space<semaphore_mem>>
            %dma_start3A_185 = arith.constant 0 : i32
            %dma_start3A_186 = tpu.memref_slice %arg16[%mul3A_184, %dma_start3A_185] : memref<64x128xf32, #tpu.memory_space<vmem>> -> memref<16x128xf32, #tpu.memory_space<vmem>>
            %dma_start3A_187 = arith.constant 0 : i32
            %dma_start3A_188 = arith.constant 0 : i32
            %dma_start3A_189 = tpu.memref_slice %arg9[%dma_start3A_187, %dma_start3A_188] : memref<3200x128xf32, #tpu.memory_space<vmem_shared>> -> memref<3200x128xf32, #tpu.memory_space<vmem_shared>>
            tpu.enqueue_indirect_dma source(%dma_start3A_186 : memref<16x128xf32, #tpu.memory_space<vmem>>) target(%dma_start3A_189 : memref<3200x128xf32, #tpu.memory_space<vmem_shared>>) offsets(%get3A_180 : vector<16xi32>) semaphore(%run_scoped3A : memref<!tpu.dma_semaphore, #tpu.memory_space<semaphore_mem>>) {add = true}
            %dma_wait3A_190 = arith.constant 0 : i32
            %dma_wait3A_191 = tpu.memref_slice %arg16[%mul3A_184, %dma_wait3A_190] : memref<64x128xf32, #tpu.memory_space<vmem>> -> memref<16x128xf32, #tpu.memory_space<vmem>>
            %dma_wait3A_192 = arith.constant 0 : i32
            %dma_wait3A_193 = arith.constant 0 : i32
            %dma_wait3A_194 = tpu.memref_slice %arg9[%dma_wait3A_192, %dma_wait3A_193] : memref<3200x128xf32, #tpu.memory_space<vmem_shared>> -> memref<3200x128xf32, #tpu.memory_space<vmem_shared>>
            tpu.wait_indirect_dma semaphore(%run_scoped3A : memref<!tpu.dma_semaphore, #tpu.memory_space<semaphore_mem>>) src(%dma_wait3A_191 : memref<16x128xf32, #tpu.memory_space<vmem>>) dst(%dma_wait3A_194 : memref<3200x128xf32, #tpu.memory_space<vmem_shared>>)
            tpu.yield
          }) : () -> ()
        }
        %scan3A_175 = arith.constant 4 : i32
      }
      %while3A_92 = arith.constant 1 : i32
      scf.for %while3A_141 = %while3A_90 to %while3A_86 step %while3A_92  : i32 {
        %dma_start3A = arith.constant 0 : i32
        %dma_start3A_142 = tpu.memref_slice %arg13[%while3A_141, %dma_start3A] : memref<21x64xi32, #tpu.memory_space<vmem>> -> memref<1x64xi32, #tpu.memory_space<vmem>>
        %dma_start3A_143 = tpu.memref_squeeze %dma_start3A_142 : memref<1x64xi32, #tpu.memory_space<vmem>> -> memref<64xi32, #tpu.memory_space<vmem>>
        %dma_start3A_144 = arith.constant 0 : i32
        %dma_start3A_145 = arith.constant 0 : i32
        %dma_start3A_146 = tpu.memref_slice %arg2[%dma_start3A_144, %dma_start3A_145] : memref<320000x128xf32, #tpu.memory_space<hbm>> -> memref<320000x128xf32, #tpu.memory_space<hbm>>
        tpu.enqueue_indirect_dma source(%dma_start3A_146 : memref<320000x128xf32, #tpu.memory_space<hbm>>) target(%arg15 : memref<64x128xf32, #tpu.memory_space<vmem>>) offsets(%dma_start3A_143 : memref<64xi32, #tpu.memory_space<vmem>>) semaphore(%arg17 : memref<!tpu.dma_semaphore, #tpu.memory_space<semaphore_mem>>)
        %dma_start3A_147 = arith.constant 0 : i32
        %dma_start3A_148 = tpu.memref_slice %arg12[%while3A_141, %dma_start3A_147] : memref<21x64xi32, #tpu.memory_space<vmem>> -> memref<1x64xi32, #tpu.memory_space<vmem>>
        %dma_start3A_149 = tpu.memref_squeeze %dma_start3A_148 : memref<1x64xi32, #tpu.memory_space<vmem>> -> memref<64xi32, #tpu.memory_space<vmem>>
        %dma_start3A_150 = arith.constant 0 : i32
        %dma_start3A_151 = arith.constant 0 : i32
        %dma_start3A_152 = tpu.memref_slice %arg3[%dma_start3A_150, %dma_start3A_151] : memref<640016x128xf32, #tpu.memory_space<hbm>> -> memref<640016x128xf32, #tpu.memory_space<hbm>>
        tpu.enqueue_indirect_dma source(%dma_start3A_152 : memref<640016x128xf32, #tpu.memory_space<hbm>>) target(%arg16 : memref<64x128xf32, #tpu.memory_space<vmem>>) offsets(%dma_start3A_149 : memref<64xi32, #tpu.memory_space<vmem>>) semaphore(%arg18 : memref<!tpu.dma_semaphore, #tpu.memory_space<semaphore_mem>>)
        %dma_wait3A = arith.constant 0 : i32
        %dma_wait3A_153 = tpu.memref_slice %arg13[%while3A_141, %dma_wait3A] : memref<21x64xi32, #tpu.memory_space<vmem>> -> memref<1x64xi32, #tpu.memory_space<vmem>>
        %dma_wait3A_154 = tpu.memref_squeeze %dma_wait3A_153 : memref<1x64xi32, #tpu.memory_space<vmem>> -> memref<64xi32, #tpu.memory_space<vmem>>
        %dma_wait3A_155 = arith.constant 0 : i32
        %dma_wait3A_156 = arith.constant 0 : i32
        %dma_wait3A_157 = tpu.memref_slice %arg2[%dma_wait3A_155, %dma_wait3A_156] : memref<320000x128xf32, #tpu.memory_space<hbm>> -> memref<320000x128xf32, #tpu.memory_space<hbm>>
        tpu.wait_indirect_dma semaphore(%arg17 : memref<!tpu.dma_semaphore, #tpu.memory_space<semaphore_mem>>) src(%dma_wait3A_157 : memref<320000x128xf32, #tpu.memory_space<hbm>>) dst(%arg15 : memref<64x128xf32, #tpu.memory_space<vmem>>)
        %dma_wait3A_158 = arith.constant 0 : i32
        %dma_wait3A_159 = tpu.memref_slice %arg12[%while3A_141, %dma_wait3A_158] : memref<21x64xi32, #tpu.memory_space<vmem>> -> memref<1x64xi32, #tpu.memory_space<vmem>>
        %dma_wait3A_160 = tpu.memref_squeeze %dma_wait3A_159 : memref<1x64xi32, #tpu.memory_space<vmem>> -> memref<64xi32, #tpu.memory_space<vmem>>
        %dma_wait3A_161 = arith.constant 0 : i32
        %dma_wait3A_162 = arith.constant 0 : i32
        %dma_wait3A_163 = tpu.memref_slice %arg3[%dma_wait3A_161, %dma_wait3A_162] : memref<640016x128xf32, #tpu.memory_space<hbm>> -> memref<640016x128xf32, #tpu.memory_space<hbm>>
        tpu.wait_indirect_dma semaphore(%arg18 : memref<!tpu.dma_semaphore, #tpu.memory_space<semaphore_mem>>) src(%dma_wait3A_163 : memref<640016x128xf32, #tpu.memory_space<hbm>>) dst(%arg16 : memref<64x128xf32, #tpu.memory_space<vmem>>)
        %scan3A_164 = arith.constant 0 : i32
        %scan3A_165 = arith.constant 0 : i32
        %scan3A_166 = arith.constant 64 : i32
        %scan3A_167 = arith.addi %scan3A_165, %scan3A_166 : i32
        %scan3A_168 = arith.constant 1 : i32
        scf.for %scan3A_176 = %scan3A_165 to %scan3A_167 step %scan3A_168  : i32 {
          %get3A = arith.index_cast %scan3A_176 : i32 to index
          %get3A_177 = arith.constant 0 : index
          %get3A_178 = tpu.vector_load %arg15[%get3A, %get3A_177] {strides = array<i32>} : memref<64x128xf32, #tpu.memory_space<vmem>>, vector<16xf32>,
          %get3A_179 = arith.index_cast %scan3A_176 : i32 to index
          %get3A_180 = arith.constant 0 : index
          %get3A_181 = tpu.vector_load %arg16[%get3A_179, %get3A_180] {strides = array<i32>} : memref<64x128xf32, #tpu.memory_space<vmem>>, vector<16xf32>,
          %mul3A_182 = arith.mulf %get3A_178, %get3A_181 : vector<16xf32>
          %swap3A = arith.index_cast %scan3A_176 : i32 to index
          %swap3A_183 = arith.constant 0 : index
          %swap3A_184 = tpu.vector_load %arg15[%swap3A, %swap3A_183] {strides = array<i32>} : memref<64x128xf32, #tpu.memory_space<vmem>>, vector<16xf32>,
          tpu.vector_store %arg15[%swap3A, %swap3A_183], %mul3A_182 {strides = array<i32>} : memref<64x128xf32, #tpu.memory_space<vmem>>, vector<16xf32>,
          %get3A_185 = arith.index_cast %scan3A_176 : i32 to index
          %get3A_186 = arith.constant 16 : index
          %get3A_187 = tpu.vector_load %arg15[%get3A_185, %get3A_186] {strides = array<i32>} : memref<64x128xf32, #tpu.memory_space<vmem>>, vector<16xf32>,
          %get3A_188 = arith.index_cast %scan3A_176 : i32 to index
          %get3A_189 = arith.constant 16 : index
          %get3A_190 = tpu.vector_load %arg16[%get3A_188, %get3A_189] {strides = array<i32>} : memref<64x128xf32, #tpu.memory_space<vmem>>, vector<16xf32>,
          %mul3A_191 = arith.mulf %get3A_187, %get3A_190 : vector<16xf32>
          %swap3A_192 = arith.index_cast %scan3A_176 : i32 to index
          %swap3A_193 = arith.constant 16 : index
          %swap3A_194 = tpu.vector_load %arg15[%swap3A_192, %swap3A_193] {strides = array<i32>} : memref<64x128xf32, #tpu.memory_space<vmem>>, vector<16xf32>,
          tpu.vector_store %arg15[%swap3A_192, %swap3A_193], %mul3A_191 {strides = array<i32>} : memref<64x128xf32, #tpu.memory_space<vmem>>, vector<16xf32>,
          %get3A_195 = arith.index_cast %scan3A_176 : i32 to index
          %get3A_196 = arith.constant 32 : index
          %get3A_197 = tpu.vector_load %arg15[%get3A_195, %get3A_196] {strides = array<i32>} : memref<64x128xf32, #tpu.memory_space<vmem>>, vector<16xf32>,
          %get3A_198 = arith.index_cast %scan3A_176 : i32 to index
          %get3A_199 = arith.constant 32 : index
          %get3A_200 = tpu.vector_load %arg16[%get3A_198, %get3A_199] {strides = array<i32>} : memref<64x128xf32, #tpu.memory_space<vmem>>, vector<16xf32>,
          %mul3A_201 = arith.mulf %get3A_197, %get3A_200 : vector<16xf32>
          %swap3A_202 = arith.index_cast %scan3A_176 : i32 to index
          %swap3A_203 = arith.constant 32 : index
          %swap3A_204 = tpu.vector_load %arg15[%swap3A_202, %swap3A_203] {strides = array<i32>} : memref<64x128xf32, #tpu.memory_space<vmem>>, vector<16xf32>,
          tpu.vector_store %arg15[%swap3A_202, %swap3A_203], %mul3A_201 {strides = array<i32>} : memref<64x128xf32, #tpu.memory_space<vmem>>, vector<16xf32>,
          %get3A_205 = arith.index_cast %scan3A_176 : i32 to index
          %get3A_206 = arith.constant 48 : index
          %get3A_207 = tpu.vector_load %arg15[%get3A_205, %get3A_206] {strides = array<i32>} : memref<64x128xf32, #tpu.memory_space<vmem>>, vector<16xf32>,
          %get3A_208 = arith.index_cast %scan3A_176 : i32 to index
          %get3A_209 = arith.constant 48 : index
          %get3A_210 = tpu.vector_load %arg16[%get3A_208, %get3A_209] {strides = array<i32>} : memref<64x128xf32, #tpu.memory_space<vmem>>, vector<16xf32>,
          %mul3A_211 = arith.mulf %get3A_207, %get3A_210 : vector<16xf32>
          %swap3A_212 = arith.index_cast %scan3A_176 : i32 to index
          %swap3A_213 = arith.constant 48 : index
          %swap3A_214 = tpu.vector_load %arg15[%swap3A_212, %swap3A_213] {strides = array<i32>} : memref<64x128xf32, #tpu.memory_space<vmem>>, vector<16xf32>,
          tpu.vector_store %arg15[%swap3A_212, %swap3A_213], %mul3A_211 {strides = array<i32>} : memref<64x128xf32, #tpu.memory_space<vmem>>, vector<16xf32>,
          %get3A_215 = arith.index_cast %scan3A_176 : i32 to index
          %get3A_216 = arith.constant 64 : index
          %get3A_217 = tpu.vector_load %arg15[%get3A_215, %get3A_216] {strides = array<i32>} : memref<64x128xf32, #tpu.memory_space<vmem>>, vector<16xf32>,
          %get3A_218 = arith.index_cast %scan3A_176 : i32 to index
          %get3A_219 = arith.constant 64 : index
          %get3A_220 = tpu.vector_load %arg16[%get3A_218, %get3A_219] {strides = array<i32>} : memref<64x128xf32, #tpu.memory_space<vmem>>, vector<16xf32>,
          %mul3A_221 = arith.mulf %get3A_217, %get3A_220 : vector<16xf32>
          %swap3A_222 = arith.index_cast %scan3A_176 : i32 to index
          %swap3A_223 = arith.constant 64 : index
          %swap3A_224 = tpu.vector_load %arg15[%swap3A_222, %swap3A_223] {strides = array<i32>} : memref<64x128xf32, #tpu.memory_space<vmem>>, vector<16xf32>,
          tpu.vector_store %arg15[%swap3A_222, %swap3A_223], %mul3A_221 {strides = array<i32>} : memref<64x128xf32, #tpu.memory_space<vmem>>, vector<16xf32>,
          %get3A_225 = arith.index_cast %scan3A_176 : i32 to index
          %get3A_226 = arith.constant 80 : index
          %get3A_227 = tpu.vector_load %arg15[%get3A_225, %get3A_226] {strides = array<i32>} : memref<64x128xf32, #tpu.memory_space<vmem>>, vector<16xf32>,
          %get3A_228 = arith.index_cast %scan3A_176 : i32 to index
          %get3A_229 = arith.constant 80 : index
          %get3A_230 = tpu.vector_load %arg16[%get3A_228, %get3A_229] {strides = array<i32>} : memref<64x128xf32, #tpu.memory_space<vmem>>, vector<16xf32>,
          %mul3A_231 = arith.mulf %get3A_227, %get3A_230 : vector<16xf32>
          %swap3A_232 = arith.index_cast %scan3A_176 : i32 to index
          %swap3A_233 = arith.constant 80 : index
          %swap3A_234 = tpu.vector_load %arg15[%swap3A_232, %swap3A_233] {strides = array<i32>} : memref<64x128xf32, #tpu.memory_space<vmem>>, vector<16xf32>,
          tpu.vector_store %arg15[%swap3A_232, %swap3A_233], %mul3A_231 {strides = array<i32>} : memref<64x128xf32, #tpu.memory_space<vmem>>, vector<16xf32>,
          %get3A_235 = arith.index_cast %scan3A_176 : i32 to index
          %get3A_236 = arith.constant 96 : index
          %get3A_237 = tpu.vector_load %arg15[%get3A_235, %get3A_236] {strides = array<i32>} : memref<64x128xf32, #tpu.memory_space<vmem>>, vector<16xf32>,
          %get3A_238 = arith.index_cast %scan3A_176 : i32 to index
          %get3A_239 = arith.constant 96 : index
          %get3A_240 = tpu.vector_load %arg16[%get3A_238, %get3A_239] {strides = array<i32>} : memref<64x128xf32, #tpu.memory_space<vmem>>, vector<16xf32>,
          %mul3A_241 = arith.mulf %get3A_237, %get3A_240 : vector<16xf32>
          %swap3A_242 = arith.index_cast %scan3A_176 : i32 to index
          %swap3A_243 = arith.constant 96 : index
          %swap3A_244 = tpu.vector_load %arg15[%swap3A_242, %swap3A_243] {strides = array<i32>} : memref<64x128xf32, #tpu.memory_space<vmem>>, vector<16xf32>,
          tpu.vector_store %arg15[%swap3A_242, %swap3A_243], %mul3A_241 {strides = array<i32>} : memref<64x128xf32, #tpu.memory_space<vmem>>, vector<16xf32>,
          %get3A_245 = arith.index_cast %scan3A_176 : i32 to index
          %get3A_246 = arith.constant 112 : index
          %get3A_247 = tpu.vector_load %arg15[%get3A_245, %get3A_246] {strides = array<i32>} : memref<64x128xf32, #tpu.memory_space<vmem>>, vector<16xf32>,
          %get3A_248 = arith.index_cast %scan3A_176 : i32 to index
          %get3A_249 = arith.constant 112 : index
          %get3A_250 = tpu.vector_load %arg16[%get3A_248, %get3A_249] {strides = array<i32>} : memref<64x128xf32, #tpu.memory_space<vmem>>, vector<16xf32>,
          %mul3A_251 = arith.mulf %get3A_247, %get3A_250 : vector<16xf32>
          %swap3A_252 = arith.index_cast %scan3A_176 : i32 to index
          %swap3A_253 = arith.constant 112 : index
          %swap3A_254 = tpu.vector_load %arg15[%swap3A_252, %swap3A_253] {strides = array<i32>} : memref<64x128xf32, #tpu.memory_space<vmem>>, vector<16xf32>,
          tpu.vector_store %arg15[%swap3A_252, %swap3A_253], %mul3A_251 {strides = array<i32>} : memref<64x128xf32, #tpu.memory_space<vmem>>, vector<16xf32>,
        }
        %scan3A_169 = arith.constant 64 : i32
        %scan3A_170 = arith.constant 0 : i32
        %scan3A_171 = arith.constant 0 : i32
        %scan3A_172 = arith.constant 4 : i32
        %scan3A_173 = arith.addi %scan3A_171, %scan3A_172 : i32
        %scan3A_174 = arith.constant 1 : i32
        scf.for %scan3A_176 = %scan3A_171 to %scan3A_173 step %scan3A_174  : i32 {
          %mul3A_177 = arith.constant 16 : i32
          %mul3A_178 = arith.muli %scan3A_176, %mul3A_177 : i32
          %get3A = arith.index_cast %while3A_141 : i32 to index
          %get3A_179 = arith.index_cast %mul3A_178 : i32 to index
          %get3A_180 = tpu.vector_load %arg14[%get3A, %get3A_179] {strides = array<i32>} : memref<21x64xi32, #tpu.memory_space<vmem>>, vector<16xi32>,
          %mul3A_181 = arith.constant 16 : i32
          %mul3A_182 = arith.muli %scan3A_176, %mul3A_181 : i32
          "tpu.region"() ({
            %run_scoped3A = tpu.sem_alloc : memref<!tpu.dma_semaphore, #tpu.memory_space<semaphore_mem>>
            %dma_start3A_185 = arith.constant 0 : i32
            %dma_start3A_186 = tpu.memref_slice %arg15[%mul3A_182, %dma_start3A_185] : memref<64x128xf32, #tpu.memory_space<vmem>> -> memref<16x128xf32, #tpu.memory_space<vmem>>
            %dma_start3A_187 = arith.constant 0 : i32
            %dma_start3A_188 = arith.constant 0 : i32
            %dma_start3A_189 = tpu.memref_slice %arg8[%dma_start3A_187, %dma_start3A_188] : memref<3200x128xf32, #tpu.memory_space<vmem_shared>> -> memref<3200x128xf32, #tpu.memory_space<vmem_shared>>
            tpu.enqueue_indirect_dma source(%dma_start3A_186 : memref<16x128xf32, #tpu.memory_space<vmem>>) target(%dma_start3A_189 : memref<3200x128xf32, #tpu.memory_space<vmem_shared>>) offsets(%get3A_180 : vector<16xi32>) semaphore(%run_scoped3A : memref<!tpu.dma_semaphore, #tpu.memory_space<semaphore_mem>>) {add = true}
            %dma_wait3A_190 = arith.constant 0 : i32
            %dma_wait3A_191 = tpu.memref_slice %arg15[%mul3A_182, %dma_wait3A_190] : memref<64x128xf32, #tpu.memory_space<vmem>> -> memref<16x128xf32, #tpu.memory_space<vmem>>
            %dma_wait3A_192 = arith.constant 0 : i32
            %dma_wait3A_193 = arith.constant 0 : i32
            %dma_wait3A_194 = tpu.memref_slice %arg8[%dma_wait3A_192, %dma_wait3A_193] : memref<3200x128xf32, #tpu.memory_space<vmem_shared>> -> memref<3200x128xf32, #tpu.memory_space<vmem_shared>>
            tpu.wait_indirect_dma semaphore(%run_scoped3A : memref<!tpu.dma_semaphore, #tpu.memory_space<semaphore_mem>>) src(%dma_wait3A_191 : memref<16x128xf32, #tpu.memory_space<vmem>>) dst(%dma_wait3A_194 : memref<3200x128xf32, #tpu.memory_space<vmem_shared>>)
            tpu.yield
          }) : () -> ()
          %mul3A_183 = arith.constant 16 : i32
          %mul3A_184 = arith.muli %scan3A_176, %mul3A_183 : i32
          "tpu.region"() ({
            %run_scoped3A = tpu.sem_alloc : memref<!tpu.dma_semaphore, #tpu.memory_space<semaphore_mem>>
            %dma_start3A_185 = arith.constant 0 : i32
            %dma_start3A_186 = tpu.memref_slice %arg16[%mul3A_184, %dma_start3A_185] : memref<64x128xf32, #tpu.memory_space<vmem>> -> memref<16x128xf32, #tpu.memory_space<vmem>>
            %dma_start3A_187 = arith.constant 0 : i32
            %dma_start3A_188 = arith.constant 0 : i32
            %dma_start3A_189 = tpu.memref_slice %arg9[%dma_start3A_187, %dma_start3A_188] : memref<3200x128xf32, #tpu.memory_space<vmem_shared>> -> memref<3200x128xf32, #tpu.memory_space<vmem_shared>>
            tpu.enqueue_indirect_dma source(%dma_start3A_186 : memref<16x128xf32, #tpu.memory_space<vmem>>) target(%dma_start3A_189 : memref<3200x128xf32, #tpu.memory_space<vmem_shared>>) offsets(%get3A_180 : vector<16xi32>) semaphore(%run_scoped3A : memref<!tpu.dma_semaphore, #tpu.memory_space<semaphore_mem>>) {add = true}
            %dma_wait3A_190 = arith.constant 0 : i32
            %dma_wait3A_191 = tpu.memref_slice %arg16[%mul3A_184, %dma_wait3A_190] : memref<64x128xf32, #tpu.memory_space<vmem>> -> memref<16x128xf32, #tpu.memory_space<vmem>>
            %dma_wait3A_192 = arith.constant 0 : i32
            %dma_wait3A_193 = arith.constant 0 : i32
            %dma_wait3A_194 = tpu.memref_slice %arg9[%dma_wait3A_192, %dma_wait3A_193] : memref<3200x128xf32, #tpu.memory_space<vmem_shared>> -> memref<3200x128xf32, #tpu.memory_space<vmem_shared>>
            tpu.wait_indirect_dma semaphore(%run_scoped3A : memref<!tpu.dma_semaphore, #tpu.memory_space<semaphore_mem>>) src(%dma_wait3A_191 : memref<16x128xf32, #tpu.memory_space<vmem>>) dst(%dma_wait3A_194 : memref<3200x128xf32, #tpu.memory_space<vmem_shared>>)
            tpu.yield
          }) : () -> ()
        }
        %scan3A_175 = arith.constant 4 : i32
      }
      %scan3A_93 = arith.constant 0 : i32
      %scan3A_94 = arith.constant 0 : i32
      %scan3A_95 = arith.constant 64 : i32
      %scan3A_96 = arith.addi %scan3A_94, %scan3A_95 : i32
      %scan3A_97 = arith.constant 1 : i32
      scf.for %scan3A_141 = %scan3A_94 to %scan3A_96 step %scan3A_97  : i32 {
        %broadcast_in_dim3A = arith.constant 0.000000e+00 : f32
        %broadcast_in_dim3A_142 = vector.broadcast %broadcast_in_dim3A : f32 to vector<16xf32>
        %swap3A = arith.index_cast %scan3A_141 : i32 to index
        %swap3A_143 = arith.constant 0 : index
        %swap3A_144 = tpu.vector_load %arg15[%swap3A, %swap3A_143] {strides = array<i32>} : memref<64x128xf32, #tpu.memory_space<vmem>>, vector<16xf32>,
        tpu.vector_store %arg15[%swap3A, %swap3A_143], %broadcast_in_dim3A_142 {strides = array<i32>} : memref<64x128xf32, #tpu.memory_space<vmem>>, vector<16xf32>,
        %broadcast_in_dim3A_145 = arith.constant 0.000000e+00 : f32
        %broadcast_in_dim3A_146 = vector.broadcast %broadcast_in_dim3A_145 : f32 to vector<16xf32>
        %swap3A_147 = arith.index_cast %scan3A_141 : i32 to index
        %swap3A_148 = arith.constant 16 : index
        %swap3A_149 = tpu.vector_load %arg15[%swap3A_147, %swap3A_148] {strides = array<i32>} : memref<64x128xf32, #tpu.memory_space<vmem>>, vector<16xf32>,
        tpu.vector_store %arg15[%swap3A_147, %swap3A_148], %broadcast_in_dim3A_146 {strides = array<i32>} : memref<64x128xf32, #tpu.memory_space<vmem>>, vector<16xf32>,
        %broadcast_in_dim3A_150 = arith.constant 0.000000e+00 : f32
        %broadcast_in_dim3A_151 = vector.broadcast %broadcast_in_dim3A_150 : f32 to vector<16xf32>
        %swap3A_152 = arith.index_cast %scan3A_141 : i32 to index
        %swap3A_153 = arith.constant 32 : index
        %swap3A_154 = tpu.vector_load %arg15[%swap3A_152, %swap3A_153] {strides = array<i32>} : memref<64x128xf32, #tpu.memory_space<vmem>>, vector<16xf32>,
        tpu.vector_store %arg15[%swap3A_152, %swap3A_153], %broadcast_in_dim3A_151 {strides = array<i32>} : memref<64x128xf32, #tpu.memory_space<vmem>>, vector<16xf32>,
        %broadcast_in_dim3A_155 = arith.constant 0.000000e+00 : f32
        %broadcast_in_dim3A_156 = vector.broadcast %broadcast_in_dim3A_155 : f32 to vector<16xf32>
        %swap3A_157 = arith.index_cast %scan3A_141 : i32 to index
        %swap3A_158 = arith.constant 48 : index
        %swap3A_159 = tpu.vector_load %arg15[%swap3A_157, %swap3A_158] {strides = array<i32>} : memref<64x128xf32, #tpu.memory_space<vmem>>, vector<16xf32>,
        tpu.vector_store %arg15[%swap3A_157, %swap3A_158], %broadcast_in_dim3A_156 {strides = array<i32>} : memref<64x128xf32, #tpu.memory_space<vmem>>, vector<16xf32>,
        %broadcast_in_dim3A_160 = arith.constant 0.000000e+00 : f32
        %broadcast_in_dim3A_161 = vector.broadcast %broadcast_in_dim3A_160 : f32 to vector<16xf32>
        %swap3A_162 = arith.index_cast %scan3A_141 : i32 to index
        %swap3A_163 = arith.constant 64 : index
        %swap3A_164 = tpu.vector_load %arg15[%swap3A_162, %swap3A_163] {strides = array<i32>} : memref<64x128xf32, #tpu.memory_space<vmem>>, vector<16xf32>,
        tpu.vector_store %arg15[%swap3A_162, %swap3A_163], %broadcast_in_dim3A_161 {strides = array<i32>} : memref<64x128xf32, #tpu.memory_space<vmem>>, vector<16xf32>,
        %broadcast_in_dim3A_165 = arith.constant 0.000000e+00 : f32
        %broadcast_in_dim3A_166 = vector.broadcast %broadcast_in_dim3A_165 : f32 to vector<16xf32>
        %swap3A_167 = arith.index_cast %scan3A_141 : i32 to index
        %swap3A_168 = arith.constant 80 : index
        %swap3A_169 = tpu.vector_load %arg15[%swap3A_167, %swap3A_168] {strides = array<i32>} : memref<64x128xf32, #tpu.memory_space<vmem>>, vector<16xf32>,
        tpu.vector_store %arg15[%swap3A_167, %swap3A_168], %broadcast_in_dim3A_166 {strides = array<i32>} : memref<64x128xf32, #tpu.memory_space<vmem>>, vector<16xf32>,
        %broadcast_in_dim3A_170 = arith.constant 0.000000e+00 : f32
        %broadcast_in_dim3A_171 = vector.broadcast %broadcast_in_dim3A_170 : f32 to vector<16xf32>
        %swap3A_172 = arith.index_cast %scan3A_141 : i32 to index
        %swap3A_173 = arith.constant 96 : index
        %swap3A_174 = tpu.vector_load %arg15[%swap3A_172, %swap3A_173] {strides = array<i32>} : memref<64x128xf32, #tpu.memory_space<vmem>>, vector<16xf32>,
        tpu.vector_store %arg15[%swap3A_172, %swap3A_173], %broadcast_in_dim3A_171 {strides = array<i32>} : memref<64x128xf32, #tpu.memory_space<vmem>>, vector<16xf32>,
        %broadcast_in_dim3A_175 = arith.constant 0.000000e+00 : f32
        %broadcast_in_dim3A_176 = vector.broadcast %broadcast_in_dim3A_175 : f32 to vector<16xf32>
        %swap3A_177 = arith.index_cast %scan3A_141 : i32 to index
        %swap3A_178 = arith.constant 112 : index
        %swap3A_179 = tpu.vector_load %arg15[%swap3A_177, %swap3A_178] {strides = array<i32>} : memref<64x128xf32, #tpu.memory_space<vmem>>, vector<16xf32>,
        tpu.vector_store %arg15[%swap3A_177, %swap3A_178], %broadcast_in_dim3A_176 {strides = array<i32>} : memref<64x128xf32, #tpu.memory_space<vmem>>, vector<16xf32>,
      }
      %scan3A_98 = arith.constant 64 : i32
      %barrier3A_99 = arith.constant 0 : index
      tpu.barrier barrier_id(%barrier3A_99)
      %mul3A_100 = arith.constant 200 : i32
      %mul3A_101 = arith.muli %arg1, %mul3A_100 : i32
      %add3A_102 = arith.addi %multiple_of3A, %mul3A_101 : i32
      %multiple_of3A_103 = tpu.assume_multiple %add3A_102, 8 : i32
      %mul3A_104 = arith.constant 200 : i32
      %mul3A_105 = arith.muli %arg1, %mul3A_104 : i32
      "tpu.region"() ({
        %run_scoped3A = tpu.sem_alloc : memref<!tpu.dma_semaphore, #tpu.memory_space<semaphore_mem>>
        %dma_start3A = arith.constant 0 : i32
        %dma_start3A_141 = tpu.memref_slice %arg6[%multiple_of3A_103, %dma_start3A] : memref<320000x128xf32, #tpu.memory_space<hbm>> -> memref<200x128xf32, #tpu.memory_space<hbm>>
        %dma_start3A_142 = arith.constant 0 : i32
        %dma_start3A_143 = tpu.memref_slice %arg8[%mul3A_105, %dma_start3A_142] : memref<3200x128xf32, #tpu.memory_space<vmem_shared>> -> memref<200x128xf32, #tpu.memory_space<vmem_shared>>
        tpu.enqueue_dma source(%dma_start3A_143 : memref<200x128xf32, #tpu.memory_space<vmem_shared>>) target(%dma_start3A_141 : memref<200x128xf32, #tpu.memory_space<hbm>>) target_semaphore(%run_scoped3A : memref<!tpu.dma_semaphore, #tpu.memory_space<semaphore_mem>>)
        %dma_wait3A = arith.constant 0 : i32
        %dma_wait3A_144 = tpu.memref_slice %arg6[%multiple_of3A_103, %dma_wait3A] : memref<320000x128xf32, #tpu.memory_space<hbm>> -> memref<200x128xf32, #tpu.memory_space<hbm>>
        %dma_wait3A_145 = arith.constant 0 : i32
        %dma_wait3A_146 = tpu.memref_slice %arg8[%mul3A_105, %dma_wait3A_145] : memref<3200x128xf32, #tpu.memory_space<vmem_shared>> -> memref<200x128xf32, #tpu.memory_space<vmem_shared>>
        tpu.wait_dma2 semaphore(%run_scoped3A : memref<!tpu.dma_semaphore, #tpu.memory_space<semaphore_mem>>) src(%dma_wait3A_146 : memref<200x128xf32, #tpu.memory_space<vmem_shared>>) dst(%dma_wait3A_144 : memref<200x128xf32, #tpu.memory_space<hbm>>)
        tpu.yield
      }) : () -> ()
      %mul3A_106 = arith.constant 200 : i32
      %mul3A_107 = arith.muli %arg1, %mul3A_106 : i32
      "tpu.region"() ({
        %run_scoped3A = tpu.sem_alloc : memref<!tpu.dma_semaphore, #tpu.memory_space<semaphore_mem>>
        %dma_start3A = arith.constant 0 : i32
        %dma_start3A_141 = tpu.memref_slice %arg7[%multiple_of3A_103, %dma_start3A] : memref<320000x128xf32, #tpu.memory_space<hbm>> -> memref<200x128xf32, #tpu.memory_space<hbm>>
        %dma_start3A_142 = arith.constant 0 : i32
        %dma_start3A_143 = tpu.memref_slice %arg9[%mul3A_107, %dma_start3A_142] : memref<3200x128xf32, #tpu.memory_space<vmem_shared>> -> memref<200x128xf32, #tpu.memory_space<vmem_shared>>
        tpu.enqueue_dma source(%dma_start3A_143 : memref<200x128xf32, #tpu.memory_space<vmem_shared>>) target(%dma_start3A_141 : memref<200x128xf32, #tpu.memory_space<hbm>>) target_semaphore(%run_scoped3A : memref<!tpu.dma_semaphore, #tpu.memory_space<semaphore_mem>>)
        %dma_wait3A = arith.constant 0 : i32
        %dma_wait3A_144 = tpu.memref_slice %arg7[%multiple_of3A_103, %dma_wait3A] : memref<320000x128xf32, #tpu.memory_space<hbm>> -> memref<200x128xf32, #tpu.memory_space<hbm>>
        %dma_wait3A_145 = arith.constant 0 : i32
        %dma_wait3A_146 = tpu.memref_slice %arg9[%mul3A_107, %dma_wait3A_145] : memref<3200x128xf32, #tpu.memory_space<vmem_shared>> -> memref<200x128xf32, #tpu.memory_space<vmem_shared>>
        tpu.wait_dma2 semaphore(%run_scoped3A : memref<!tpu.dma_semaphore, #tpu.memory_space<semaphore_mem>>) src(%dma_wait3A_146 : memref<200x128xf32, #tpu.memory_space<vmem_shared>>) dst(%dma_wait3A_144 : memref<200x128xf32, #tpu.memory_space<hbm>>)
        tpu.yield
      }) : () -> ()
      %mul3A_108 = arith.constant 200 : i32
      %mul3A_109 = arith.muli %arg1, %mul3A_108 : i32
      %add3A_110 = arith.constant 0 : i32
      %add3A_111 = arith.addi %mul3A_109, %add3A_110 : i32
      "tpu.region"() ({
        %run_scoped3A = tpu.sem_alloc : memref<!tpu.dma_semaphore, #tpu.memory_space<semaphore_mem>>
        %dma_start3A = arith.constant 0 : i32
        %dma_start3A_141 = tpu.memref_slice %arg8[%add3A_111, %dma_start3A] : memref<3200x128xf32, #tpu.memory_space<vmem_shared>> -> memref<64x128xf32, #tpu.memory_space<vmem_shared>>
        %dma_start3A_142 = arith.constant 0 : i32
        %dma_start3A_143 = tpu.memref_slice %arg8[%add3A_111, %dma_start3A_142] : memref<3200x128xf32, #tpu.memory_space<vmem_shared>> -> memref<64x128xf32, #tpu.memory_space<vmem_shared>>
        tpu.enqueue_dma source(%arg15 : memref<64x128xf32, #tpu.memory_space<vmem>>) target(%dma_start3A_143 : memref<64x128xf32, #tpu.memory_space<vmem_shared>>) target_semaphore(%run_scoped3A : memref<!tpu.dma_semaphore, #tpu.memory_space<semaphore_mem>>)
        %dma_wait3A = arith.constant 0 : i32
        %dma_wait3A_144 = tpu.memref_slice %arg8[%add3A_111, %dma_wait3A] : memref<3200x128xf32, #tpu.memory_space<vmem_shared>> -> memref<64x128xf32, #tpu.memory_space<vmem_shared>>
        %dma_wait3A_145 = arith.constant 0 : i32
        %dma_wait3A_146 = tpu.memref_slice %arg8[%add3A_111, %dma_wait3A_145] : memref<3200x128xf32, #tpu.memory_space<vmem_shared>> -> memref<64x128xf32, #tpu.memory_space<vmem_shared>>
        tpu.wait_dma2 semaphore(%run_scoped3A : memref<!tpu.dma_semaphore, #tpu.memory_space<semaphore_mem>>) src(%arg15 : memref<64x128xf32, #tpu.memory_space<vmem>>) dst(%dma_wait3A_146 : memref<64x128xf32, #tpu.memory_space<vmem_shared>>)
        tpu.yield
      }) : () -> ()
      %mul3A_112 = arith.constant 200 : i32
      %mul3A_113 = arith.muli %arg1, %mul3A_112 : i32
      %add3A_114 = arith.constant 0 : i32
      %add3A_115 = arith.addi %mul3A_113, %add3A_114 : i32
      "tpu.region"() ({
        %run_scoped3A = tpu.sem_alloc : memref<!tpu.dma_semaphore, #tpu.memory_space<semaphore_mem>>
        %dma_start3A = arith.constant 0 : i32
        %dma_start3A_141 = tpu.memref_slice %arg9[%add3A_115, %dma_start3A] : memref<3200x128xf32, #tpu.memory_space<vmem_shared>> -> memref<64x128xf32, #tpu.memory_space<vmem_shared>>
        %dma_start3A_142 = arith.constant 0 : i32
        %dma_start3A_143 = tpu.memref_slice %arg9[%add3A_115, %dma_start3A_142] : memref<3200x128xf32, #tpu.memory_space<vmem_shared>> -> memref<64x128xf32, #tpu.memory_space<vmem_shared>>
        tpu.enqueue_dma source(%arg15 : memref<64x128xf32, #tpu.memory_space<vmem>>) target(%dma_start3A_143 : memref<64x128xf32, #tpu.memory_space<vmem_shared>>) target_semaphore(%run_scoped3A : memref<!tpu.dma_semaphore, #tpu.memory_space<semaphore_mem>>)
        %dma_wait3A = arith.constant 0 : i32
        %dma_wait3A_144 = tpu.memref_slice %arg9[%add3A_115, %dma_wait3A] : memref<3200x128xf32, #tpu.memory_space<vmem_shared>> -> memref<64x128xf32, #tpu.memory_space<vmem_shared>>
        %dma_wait3A_145 = arith.constant 0 : i32
        %dma_wait3A_146 = tpu.memref_slice %arg9[%add3A_115, %dma_wait3A_145] : memref<3200x128xf32, #tpu.memory_space<vmem_shared>> -> memref<64x128xf32, #tpu.memory_space<vmem_shared>>
        tpu.wait_dma2 semaphore(%run_scoped3A : memref<!tpu.dma_semaphore, #tpu.memory_space<semaphore_mem>>) src(%arg15 : memref<64x128xf32, #tpu.memory_space<vmem>>) dst(%dma_wait3A_146 : memref<64x128xf32, #tpu.memory_space<vmem_shared>>)
        tpu.yield
      }) : () -> ()
      %mul3A_116 = arith.constant 200 : i32
      %mul3A_117 = arith.muli %arg1, %mul3A_116 : i32
      %add3A_118 = arith.constant 64 : i32
      %add3A_119 = arith.addi %mul3A_117, %add3A_118 : i32
      "tpu.region"() ({
        %run_scoped3A = tpu.sem_alloc : memref<!tpu.dma_semaphore, #tpu.memory_space<semaphore_mem>>
        %dma_start3A = arith.constant 0 : i32
        %dma_start3A_141 = tpu.memref_slice %arg8[%add3A_119, %dma_start3A] : memref<3200x128xf32, #tpu.memory_space<vmem_shared>> -> memref<64x128xf32, #tpu.memory_space<vmem_shared>>
        %dma_start3A_142 = arith.constant 0 : i32
        %dma_start3A_143 = tpu.memref_slice %arg8[%add3A_119, %dma_start3A_142] : memref<3200x128xf32, #tpu.memory_space<vmem_shared>> -> memref<64x128xf32, #tpu.memory_space<vmem_shared>>
        tpu.enqueue_dma source(%arg15 : memref<64x128xf32, #tpu.memory_space<vmem>>) target(%dma_start3A_143 : memref<64x128xf32, #tpu.memory_space<vmem_shared>>) target_semaphore(%run_scoped3A : memref<!tpu.dma_semaphore, #tpu.memory_space<semaphore_mem>>)
        %dma_wait3A = arith.constant 0 : i32
        %dma_wait3A_144 = tpu.memref_slice %arg8[%add3A_119, %dma_wait3A] : memref<3200x128xf32, #tpu.memory_space<vmem_shared>> -> memref<64x128xf32, #tpu.memory_space<vmem_shared>>
        %dma_wait3A_145 = arith.constant 0 : i32
        %dma_wait3A_146 = tpu.memref_slice %arg8[%add3A_119, %dma_wait3A_145] : memref<3200x128xf32, #tpu.memory_space<vmem_shared>> -> memref<64x128xf32, #tpu.memory_space<vmem_shared>>
        tpu.wait_dma2 semaphore(%run_scoped3A : memref<!tpu.dma_semaphore, #tpu.memory_space<semaphore_mem>>) src(%arg15 : memref<64x128xf32, #tpu.memory_space<vmem>>) dst(%dma_wait3A_146 : memref<64x128xf32, #tpu.memory_space<vmem_shared>>)
        tpu.yield
      }) : () -> ()
      %mul3A_120 = arith.constant 200 : i32
      %mul3A_121 = arith.muli %arg1, %mul3A_120 : i32
      %add3A_122 = arith.constant 64 : i32
      %add3A_123 = arith.addi %mul3A_121, %add3A_122 : i32
      "tpu.region"() ({
        %run_scoped3A = tpu.sem_alloc : memref<!tpu.dma_semaphore, #tpu.memory_space<semaphore_mem>>
        %dma_start3A = arith.constant 0 : i32
        %dma_start3A_141 = tpu.memref_slice %arg9[%add3A_123, %dma_start3A] : memref<3200x128xf32, #tpu.memory_space<vmem_shared>> -> memref<64x128xf32, #tpu.memory_space<vmem_shared>>
        %dma_start3A_142 = arith.constant 0 : i32
        %dma_start3A_143 = tpu.memref_slice %arg9[%add3A_123, %dma_start3A_142] : memref<3200x128xf32, #tpu.memory_space<vmem_shared>> -> memref<64x128xf32, #tpu.memory_space<vmem_shared>>
        tpu.enqueue_dma source(%arg15 : memref<64x128xf32, #tpu.memory_space<vmem>>) target(%dma_start3A_143 : memref<64x128xf32, #tpu.memory_space<vmem_shared>>) target_semaphore(%run_scoped3A : memref<!tpu.dma_semaphore, #tpu.memory_space<semaphore_mem>>)
        %dma_wait3A = arith.constant 0 : i32
        %dma_wait3A_144 = tpu.memref_slice %arg9[%add3A_123, %dma_wait3A] : memref<3200x128xf32, #tpu.memory_space<vmem_shared>> -> memref<64x128xf32, #tpu.memory_space<vmem_shared>>
        %dma_wait3A_145 = arith.constant 0 : i32
        %dma_wait3A_146 = tpu.memref_slice %arg9[%add3A_123, %dma_wait3A_145] : memref<3200x128xf32, #tpu.memory_space<vmem_shared>> -> memref<64x128xf32, #tpu.memory_space<vmem_shared>>
        tpu.wait_dma2 semaphore(%run_scoped3A : memref<!tpu.dma_semaphore, #tpu.memory_space<semaphore_mem>>) src(%arg15 : memref<64x128xf32, #tpu.memory_space<vmem>>) dst(%dma_wait3A_146 : memref<64x128xf32, #tpu.memory_space<vmem_shared>>)
        tpu.yield
      }) : () -> ()
      %mul3A_124 = arith.constant 200 : i32
      %mul3A_125 = arith.muli %arg1, %mul3A_124 : i32
      %add3A_126 = arith.constant 128 : i32
      %add3A_127 = arith.addi %mul3A_125, %add3A_126 : i32
      "tpu.region"() ({
        %run_scoped3A = tpu.sem_alloc : memref<!tpu.dma_semaphore, #tpu.memory_space<semaphore_mem>>
        %dma_start3A = arith.constant 0 : i32
        %dma_start3A_141 = tpu.memref_slice %arg8[%add3A_127, %dma_start3A] : memref<3200x128xf32, #tpu.memory_space<vmem_shared>> -> memref<64x128xf32, #tpu.memory_space<vmem_shared>>
        %dma_start3A_142 = arith.constant 0 : i32
        %dma_start3A_143 = tpu.memref_slice %arg8[%add3A_127, %dma_start3A_142] : memref<3200x128xf32, #tpu.memory_space<vmem_shared>> -> memref<64x128xf32, #tpu.memory_space<vmem_shared>>
        tpu.enqueue_dma source(%arg15 : memref<64x128xf32, #tpu.memory_space<vmem>>) target(%dma_start3A_143 : memref<64x128xf32, #tpu.memory_space<vmem_shared>>) target_semaphore(%run_scoped3A : memref<!tpu.dma_semaphore, #tpu.memory_space<semaphore_mem>>)
        %dma_wait3A = arith.constant 0 : i32
        %dma_wait3A_144 = tpu.memref_slice %arg8[%add3A_127, %dma_wait3A] : memref<3200x128xf32, #tpu.memory_space<vmem_shared>> -> memref<64x128xf32, #tpu.memory_space<vmem_shared>>
        %dma_wait3A_145 = arith.constant 0 : i32
        %dma_wait3A_146 = tpu.memref_slice %arg8[%add3A_127, %dma_wait3A_145] : memref<3200x128xf32, #tpu.memory_space<vmem_shared>> -> memref<64x128xf32, #tpu.memory_space<vmem_shared>>
        tpu.wait_dma2 semaphore(%run_scoped3A : memref<!tpu.dma_semaphore, #tpu.memory_space<semaphore_mem>>) src(%arg15 : memref<64x128xf32, #tpu.memory_space<vmem>>) dst(%dma_wait3A_146 : memref<64x128xf32, #tpu.memory_space<vmem_shared>>)
        tpu.yield
      }) : () -> ()
      %mul3A_128 = arith.constant 200 : i32
      %mul3A_129 = arith.muli %arg1, %mul3A_128 : i32
      %add3A_130 = arith.constant 128 : i32
      %add3A_131 = arith.addi %mul3A_129, %add3A_130 : i32
      "tpu.region"() ({
        %run_scoped3A = tpu.sem_alloc : memref<!tpu.dma_semaphore, #tpu.memory_space<semaphore_mem>>
        %dma_start3A = arith.constant 0 : i32
        %dma_start3A_141 = tpu.memref_slice %arg9[%add3A_131, %dma_start3A] : memref<3200x128xf32, #tpu.memory_space<vmem_shared>> -> memref<64x128xf32, #tpu.memory_space<vmem_shared>>
        %dma_start3A_142 = arith.constant 0 : i32
        %dma_start3A_143 = tpu.memref_slice %arg9[%add3A_131, %dma_start3A_142] : memref<3200x128xf32, #tpu.memory_space<vmem_shared>> -> memref<64x128xf32, #tpu.memory_space<vmem_shared>>
        tpu.enqueue_dma source(%arg15 : memref<64x128xf32, #tpu.memory_space<vmem>>) target(%dma_start3A_143 : memref<64x128xf32, #tpu.memory_space<vmem_shared>>) target_semaphore(%run_scoped3A : memref<!tpu.dma_semaphore, #tpu.memory_space<semaphore_mem>>)
        %dma_wait3A = arith.constant 0 : i32
        %dma_wait3A_144 = tpu.memref_slice %arg9[%add3A_131, %dma_wait3A] : memref<3200x128xf32, #tpu.memory_space<vmem_shared>> -> memref<64x128xf32, #tpu.memory_space<vmem_shared>>
        %dma_wait3A_145 = arith.constant 0 : i32
        %dma_wait3A_146 = tpu.memref_slice %arg9[%add3A_131, %dma_wait3A_145] : memref<3200x128xf32, #tpu.memory_space<vmem_shared>> -> memref<64x128xf32, #tpu.memory_space<vmem_shared>>
        tpu.wait_dma2 semaphore(%run_scoped3A : memref<!tpu.dma_semaphore, #tpu.memory_space<semaphore_mem>>) src(%arg15 : memref<64x128xf32, #tpu.memory_space<vmem>>) dst(%dma_wait3A_146 : memref<64x128xf32, #tpu.memory_space<vmem_shared>>)
        tpu.yield
      }) : () -> ()
      %mul3A_132 = arith.constant 200 : i32
      %mul3A_133 = arith.muli %arg1, %mul3A_132 : i32
      %add3A_134 = arith.constant 192 : i32
      %add3A_135 = arith.addi %mul3A_133, %add3A_134 : i32
      "tpu.region"() ({
        %run_scoped3A = tpu.sem_alloc : memref<!tpu.dma_semaphore, #tpu.memory_space<semaphore_mem>>
        %dma_start3A = arith.constant 0 : i32
        %dma_start3A_141 = arith.constant 0 : i32
        %dma_start3A_142 = tpu.memref_slice %arg15[%dma_start3A, %dma_start3A_141] : memref<64x128xf32, #tpu.memory_space<vmem>> -> memref<8x128xf32, #tpu.memory_space<vmem>>
        %dma_start3A_143 = arith.constant 0 : i32
        %dma_start3A_144 = tpu.memref_slice %arg8[%add3A_135, %dma_start3A_143] : memref<3200x128xf32, #tpu.memory_space<vmem_shared>> -> memref<8x128xf32, #tpu.memory_space<vmem_shared>>
        %dma_start3A_145 = arith.constant 0 : i32
        %dma_start3A_146 = tpu.memref_slice %arg8[%add3A_135, %dma_start3A_145] : memref<3200x128xf32, #tpu.memory_space<vmem_shared>> -> memref<8x128xf32, #tpu.memory_space<vmem_shared>>
        %dma_start3A_147 = arith.constant 0 : i32
        %dma_start3A_148 = arith.constant 0 : i32
        %dma_start3A_149 = tpu.memref_slice %arg15[%dma_start3A_147, %dma_start3A_148] : memref<64x128xf32, #tpu.memory_space<vmem>> -> memref<8x128xf32, #tpu.memory_space<vmem>>
        tpu.enqueue_dma source(%dma_start3A_149 : memref<8x128xf32, #tpu.memory_space<vmem>>) target(%dma_start3A_146 : memref<8x128xf32, #tpu.memory_space<vmem_shared>>) target_semaphore(%run_scoped3A : memref<!tpu.dma_semaphore, #tpu.memory_space<semaphore_mem>>)
        %dma_wait3A = arith.constant 0 : i32
        %dma_wait3A_150 = arith.constant 0 : i32
        %dma_wait3A_151 = tpu.memref_slice %arg15[%dma_wait3A, %dma_wait3A_150] : memref<64x128xf32, #tpu.memory_space<vmem>> -> memref<8x128xf32, #tpu.memory_space<vmem>>
        %dma_wait3A_152 = arith.constant 0 : i32
        %dma_wait3A_153 = tpu.memref_slice %arg8[%add3A_135, %dma_wait3A_152] : memref<3200x128xf32, #tpu.memory_space<vmem_shared>> -> memref<8x128xf32, #tpu.memory_space<vmem_shared>>
        %dma_wait3A_154 = arith.constant 0 : i32
        %dma_wait3A_155 = tpu.memref_slice %arg8[%add3A_135, %dma_wait3A_154] : memref<3200x128xf32, #tpu.memory_space<vmem_shared>> -> memref<8x128xf32, #tpu.memory_space<vmem_shared>>
        %dma_wait3A_156 = arith.constant 0 : i32
        %dma_wait3A_157 = arith.constant 0 : i32
        %dma_wait3A_158 = tpu.memref_slice %arg15[%dma_wait3A_156, %dma_wait3A_157] : memref<64x128xf32, #tpu.memory_space<vmem>> -> memref<8x128xf32, #tpu.memory_space<vmem>>
        tpu.wait_dma2 semaphore(%run_scoped3A : memref<!tpu.dma_semaphore, #tpu.memory_space<semaphore_mem>>) src(%dma_wait3A_158 : memref<8x128xf32, #tpu.memory_space<vmem>>) dst(%dma_wait3A_155 : memref<8x128xf32, #tpu.memory_space<vmem_shared>>)
        tpu.yield
      }) : () -> ()
      %mul3A_136 = arith.constant 200 : i32
      %mul3A_137 = arith.muli %arg1, %mul3A_136 : i32
      %add3A_138 = arith.constant 192 : i32
      %add3A_139 = arith.addi %mul3A_137, %add3A_138 : i32
      "tpu.region"() ({
        %run_scoped3A = tpu.sem_alloc : memref<!tpu.dma_semaphore, #tpu.memory_space<semaphore_mem>>
        %dma_start3A = arith.constant 0 : i32
        %dma_start3A_141 = arith.constant 0 : i32
        %dma_start3A_142 = tpu.memref_slice %arg15[%dma_start3A, %dma_start3A_141] : memref<64x128xf32, #tpu.memory_space<vmem>> -> memref<8x128xf32, #tpu.memory_space<vmem>>
        %dma_start3A_143 = arith.constant 0 : i32
        %dma_start3A_144 = tpu.memref_slice %arg9[%add3A_139, %dma_start3A_143] : memref<3200x128xf32, #tpu.memory_space<vmem_shared>> -> memref<8x128xf32, #tpu.memory_space<vmem_shared>>
        %dma_start3A_145 = arith.constant 0 : i32
        %dma_start3A_146 = tpu.memref_slice %arg9[%add3A_139, %dma_start3A_145] : memref<3200x128xf32, #tpu.memory_space<vmem_shared>> -> memref<8x128xf32, #tpu.memory_space<vmem_shared>>
        %dma_start3A_147 = arith.constant 0 : i32
        %dma_start3A_148 = arith.constant 0 : i32
        %dma_start3A_149 = tpu.memref_slice %arg15[%dma_start3A_147, %dma_start3A_148] : memref<64x128xf32, #tpu.memory_space<vmem>> -> memref<8x128xf32, #tpu.memory_space<vmem>>
        tpu.enqueue_dma source(%dma_start3A_149 : memref<8x128xf32, #tpu.memory_space<vmem>>) target(%dma_start3A_146 : memref<8x128xf32, #tpu.memory_space<vmem_shared>>) target_semaphore(%run_scoped3A : memref<!tpu.dma_semaphore, #tpu.memory_space<semaphore_mem>>)
        %dma_wait3A = arith.constant 0 : i32
        %dma_wait3A_150 = arith.constant 0 : i32
        %dma_wait3A_151 = tpu.memref_slice %arg15[%dma_wait3A, %dma_wait3A_150] : memref<64x128xf32, #tpu.memory_space<vmem>> -> memref<8x128xf32, #tpu.memory_space<vmem>>
        %dma_wait3A_152 = arith.constant 0 : i32
        %dma_wait3A_153 = tpu.memref_slice %arg9[%add3A_139, %dma_wait3A_152] : memref<3200x128xf32, #tpu.memory_space<vmem_shared>> -> memref<8x128xf32, #tpu.memory_space<vmem_shared>>
        %dma_wait3A_154 = arith.constant 0 : i32
        %dma_wait3A_155 = tpu.memref_slice %arg9[%add3A_139, %dma_wait3A_154] : memref<3200x128xf32, #tpu.memory_space<vmem_shared>> -> memref<8x128xf32, #tpu.memory_space<vmem_shared>>
        %dma_wait3A_156 = arith.constant 0 : i32
        %dma_wait3A_157 = arith.constant 0 : i32
        %dma_wait3A_158 = tpu.memref_slice %arg15[%dma_wait3A_156, %dma_wait3A_157] : memref<64x128xf32, #tpu.memory_space<vmem>> -> memref<8x128xf32, #tpu.memory_space<vmem>>
        tpu.wait_dma2 semaphore(%run_scoped3A : memref<!tpu.dma_semaphore, #tpu.memory_space<semaphore_mem>>) src(%dma_wait3A_158 : memref<8x128xf32, #tpu.memory_space<vmem>>) dst(%dma_wait3A_155 : memref<8x128xf32, #tpu.memory_space<vmem_shared>>)
        tpu.yield
      }) : () -> ()
      %barrier3A_140 = arith.constant 0 : index
      tpu.barrier barrier_id(%barrier3A_140)
    }
    %scan3A_42 = arith.constant 50 : i32
    return
  }
}

#map = affine_map<(d0, d1) -> (0, 0)>
#map1 = affine_map<(d0, d1) -> (0)>
module attributes {stable_mosaic.version = 14 : i64} {
  func.func @_pair_sums_body(%arg0: i32, %arg1: i32, %arg2: memref<320000x128xf32, #tpu.memory_space<hbm>>, %arg3: memref<320000x128xf32, #tpu.memory_space<hbm>>, %arg4: memref<640000xi32, #tpu.memory_space<hbm>>, %arg5: memref<640000xi32, #tpu.memory_space<hbm>>, %arg6: memref<640000x128xf32, #tpu.memory_space<hbm>>, %arg7: memref<200xi32, #tpu.memory_space<vmem>>, %arg8: memref<200xi32, #tpu.memory_space<vmem>>, %arg9: memref<200x128xf32, #tpu.memory_space<vmem>>, %arg10: memref<200x128xf32, #tpu.memory_space<vmem>>, %arg11: memref<!tpu.dma_semaphore, #tpu.memory_space<semaphore_mem>>, %arg12: memref<!tpu.dma_semaphore, #tpu.memory_space<semaphore_mem>>) attributes {dimension_semantics = [#tpu.dimension_semantics<core_parallel>, #tpu.dimension_semantics<subcore_parallel>], iteration_bounds = array<i64: 2, 16>, scalar_prefetch = 0 : i64, scratch_operands = 6 : i64, tpu.core_type = #tpu.core_type<sc_vector_subcore>, window_params = [{transform_indices = #map}, {transform_indices = #map}, {transform_indices = #map1}, {transform_indices = #map1}, {transform_indices = #map}]} {
    %mul3A = arith.constant 2 : i32
    %mul3A_0 = arith.muli %arg1, %mul3A : i32
    %add3A = arith.addi %mul3A_0, %arg0 : i32
    %mul3A_1 = arith.constant 20000 : i32
    %mul3A_2 = arith.muli %add3A, %mul3A_1 : i32
    %scan3A = arith.constant 0 : i32
    %scan3A_3 = arith.constant 0 : i32
    %scan3A_4 = arith.constant 100 : i32
    %scan3A_5 = arith.addi %scan3A_3, %scan3A_4 : i32
    %scan3A_6 = arith.constant 1 : i32
    scf.for %scan3A_8 = %scan3A_3 to %scan3A_5 step %scan3A_6  : i32 {
      %mul3A_9 = arith.constant 200 : i32
      %mul3A_10 = arith.muli %scan3A_8, %mul3A_9 : i32
      %add3A_11 = arith.addi %mul3A_2, %mul3A_10 : i32
      "tpu.region"() ({
        %run_scoped3A = tpu.sem_alloc : memref<!tpu.dma_semaphore, #tpu.memory_space<semaphore_mem>>
        %dma_start3A_28 = tpu.memref_slice %arg4[%add3A_11] : memref<640000xi32, #tpu.memory_space<hbm>> -> memref<200xi32, #tpu.memory_space<hbm>>
        %dma_start3A_29 = tpu.memref_slice %arg4[%add3A_11] : memref<640000xi32, #tpu.memory_space<hbm>> -> memref<200xi32, #tpu.memory_space<hbm>>
        tpu.enqueue_dma source(%dma_start3A_29 : memref<200xi32, #tpu.memory_space<hbm>>) target(%arg7 : memref<200xi32, #tpu.memory_space<vmem>>) target_semaphore(%run_scoped3A : memref<!tpu.dma_semaphore, #tpu.memory_space<semaphore_mem>>)
        %dma_wait3A_30 = tpu.memref_slice %arg4[%add3A_11] : memref<640000xi32, #tpu.memory_space<hbm>> -> memref<200xi32, #tpu.memory_space<hbm>>
        %dma_wait3A_31 = tpu.memref_slice %arg4[%add3A_11] : memref<640000xi32, #tpu.memory_space<hbm>> -> memref<200xi32, #tpu.memory_space<hbm>>
        tpu.wait_dma2 semaphore(%run_scoped3A : memref<!tpu.dma_semaphore, #tpu.memory_space<semaphore_mem>>) src(%dma_wait3A_31 : memref<200xi32, #tpu.memory_space<hbm>>) dst(%arg7 : memref<200xi32, #tpu.memory_space<vmem>>)
        tpu.yield
      }) : () -> ()
      "tpu.region"() ({
        %run_scoped3A = tpu.sem_alloc : memref<!tpu.dma_semaphore, #tpu.memory_space<semaphore_mem>>
        %dma_start3A_28 = tpu.memref_slice %arg5[%add3A_11] : memref<640000xi32, #tpu.memory_space<hbm>> -> memref<200xi32, #tpu.memory_space<hbm>>
        %dma_start3A_29 = tpu.memref_slice %arg5[%add3A_11] : memref<640000xi32, #tpu.memory_space<hbm>> -> memref<200xi32, #tpu.memory_space<hbm>>
        tpu.enqueue_dma source(%dma_start3A_29 : memref<200xi32, #tpu.memory_space<hbm>>) target(%arg8 : memref<200xi32, #tpu.memory_space<vmem>>) target_semaphore(%run_scoped3A : memref<!tpu.dma_semaphore, #tpu.memory_space<semaphore_mem>>)
        %dma_wait3A_30 = tpu.memref_slice %arg5[%add3A_11] : memref<640000xi32, #tpu.memory_space<hbm>> -> memref<200xi32, #tpu.memory_space<hbm>>
        %dma_wait3A_31 = tpu.memref_slice %arg5[%add3A_11] : memref<640000xi32, #tpu.memory_space<hbm>> -> memref<200xi32, #tpu.memory_space<hbm>>
        tpu.wait_dma2 semaphore(%run_scoped3A : memref<!tpu.dma_semaphore, #tpu.memory_space<semaphore_mem>>) src(%dma_wait3A_31 : memref<200xi32, #tpu.memory_space<hbm>>) dst(%arg8 : memref<200xi32, #tpu.memory_space<vmem>>)
        tpu.yield
      }) : () -> ()
      %dma_start3A = arith.constant 0 : i32
      %dma_start3A_12 = arith.constant 0 : i32
      %dma_start3A_13 = tpu.memref_slice %arg2[%dma_start3A, %dma_start3A_12] : memref<320000x128xf32, #tpu.memory_space<hbm>> -> memref<320000x128xf32, #tpu.memory_space<hbm>>
      tpu.enqueue_indirect_dma source(%dma_start3A_13 : memref<320000x128xf32, #tpu.memory_space<hbm>>) target(%arg9 : memref<200x128xf32, #tpu.memory_space<vmem>>) offsets(%arg7 : memref<200xi32, #tpu.memory_space<vmem>>) semaphore(%arg11 : memref<!tpu.dma_semaphore, #tpu.memory_space<semaphore_mem>>)
      %dma_start3A_14 = arith.constant 0 : i32
      %dma_start3A_15 = arith.constant 0 : i32
      %dma_start3A_16 = tpu.memref_slice %arg3[%dma_start3A_14, %dma_start3A_15] : memref<320000x128xf32, #tpu.memory_space<hbm>> -> memref<320000x128xf32, #tpu.memory_space<hbm>>
      tpu.enqueue_indirect_dma source(%dma_start3A_16 : memref<320000x128xf32, #tpu.memory_space<hbm>>) target(%arg10 : memref<200x128xf32, #tpu.memory_space<vmem>>) offsets(%arg8 : memref<200xi32, #tpu.memory_space<vmem>>) semaphore(%arg12 : memref<!tpu.dma_semaphore, #tpu.memory_space<semaphore_mem>>)
      %dma_wait3A = arith.constant 0 : i32
      %dma_wait3A_17 = arith.constant 0 : i32
      %dma_wait3A_18 = tpu.memref_slice %arg2[%dma_wait3A, %dma_wait3A_17] : memref<320000x128xf32, #tpu.memory_space<hbm>> -> memref<320000x128xf32, #tpu.memory_space<hbm>>
      tpu.wait_indirect_dma semaphore(%arg11 : memref<!tpu.dma_semaphore, #tpu.memory_space<semaphore_mem>>) src(%dma_wait3A_18 : memref<320000x128xf32, #tpu.memory_space<hbm>>) dst(%arg9 : memref<200x128xf32, #tpu.memory_space<vmem>>)
      %dma_wait3A_19 = arith.constant 0 : i32
      %dma_wait3A_20 = arith.constant 0 : i32
      %dma_wait3A_21 = tpu.memref_slice %arg3[%dma_wait3A_19, %dma_wait3A_20] : memref<320000x128xf32, #tpu.memory_space<hbm>> -> memref<320000x128xf32, #tpu.memory_space<hbm>>
      tpu.wait_indirect_dma semaphore(%arg12 : memref<!tpu.dma_semaphore, #tpu.memory_space<semaphore_mem>>) src(%dma_wait3A_21 : memref<320000x128xf32, #tpu.memory_space<hbm>>) dst(%arg10 : memref<200x128xf32, #tpu.memory_space<vmem>>)
      %scan3A_22 = arith.constant 0 : i32
      %scan3A_23 = arith.constant 0 : i32
      %scan3A_24 = arith.constant 200 : i32
      %scan3A_25 = arith.addi %scan3A_23, %scan3A_24 : i32
      %scan3A_26 = arith.constant 1 : i32
      scf.for %scan3A_28 = %scan3A_23 to %scan3A_25 step %scan3A_26  : i32 {
        %get3A = arith.index_cast %scan3A_28 : i32 to index
        %get3A_29 = arith.constant 0 : index
        %get3A_30 = tpu.vector_load %arg9[%get3A, %get3A_29] {strides = array<i32>} : memref<200x128xf32, #tpu.memory_space<vmem>>, vector<1x16xf32>,
        %get3A_31 = vector.shape_cast %get3A_30 : vector<1x16xf32> to vector<16xf32>
        %get3A_32 = arith.index_cast %scan3A_28 : i32 to index
        %get3A_33 = arith.constant 0 : index
        %get3A_34 = tpu.vector_load %arg10[%get3A_32, %get3A_33] {strides = array<i32>} : memref<200x128xf32, #tpu.memory_space<vmem>>, vector<1x16xf32>,
        %get3A_35 = vector.shape_cast %get3A_34 : vector<1x16xf32> to vector<16xf32>
        %add3A_36 = arith.addf %get3A_31, %get3A_35 : vector<16xf32>
        %swap3A = arith.index_cast %scan3A_28 : i32 to index
        %swap3A_37 = arith.constant 0 : index
        %swap3A_38 = tpu.vector_load %arg9[%swap3A, %swap3A_37] {strides = array<i32>} : memref<200x128xf32, #tpu.memory_space<vmem>>, vector<1x16xf32>,
        %swap3A_39 = vector.shape_cast %swap3A_38 : vector<1x16xf32> to vector<16xf32>
        %swap3A_40 = vector.shape_cast %add3A_36 : vector<16xf32> to vector<1x16xf32>
        tpu.vector_store %arg9[%swap3A, %swap3A_37], %swap3A_40 {strides = array<i32>} : memref<200x128xf32, #tpu.memory_space<vmem>>, vector<1x16xf32>,
        %get3A_41 = arith.index_cast %scan3A_28 : i32 to index
        %get3A_42 = arith.constant 16 : index
        %get3A_43 = tpu.vector_load %arg9[%get3A_41, %get3A_42] {strides = array<i32>} : memref<200x128xf32, #tpu.memory_space<vmem>>, vector<1x16xf32>,
        %get3A_44 = vector.shape_cast %get3A_43 : vector<1x16xf32> to vector<16xf32>
        %get3A_45 = arith.index_cast %scan3A_28 : i32 to index
        %get3A_46 = arith.constant 16 : index
        %get3A_47 = tpu.vector_load %arg10[%get3A_45, %get3A_46] {strides = array<i32>} : memref<200x128xf32, #tpu.memory_space<vmem>>, vector<1x16xf32>,
        %get3A_48 = vector.shape_cast %get3A_47 : vector<1x16xf32> to vector<16xf32>
        %add3A_49 = arith.addf %get3A_44, %get3A_48 : vector<16xf32>
        %swap3A_50 = arith.index_cast %scan3A_28 : i32 to index
        %swap3A_51 = arith.constant 16 : index
        %swap3A_52 = tpu.vector_load %arg9[%swap3A_50, %swap3A_51] {strides = array<i32>} : memref<200x128xf32, #tpu.memory_space<vmem>>, vector<1x16xf32>,
        %swap3A_53 = vector.shape_cast %swap3A_52 : vector<1x16xf32> to vector<16xf32>
        %swap3A_54 = vector.shape_cast %add3A_49 : vector<16xf32> to vector<1x16xf32>
        tpu.vector_store %arg9[%swap3A_50, %swap3A_51], %swap3A_54 {strides = array<i32>} : memref<200x128xf32, #tpu.memory_space<vmem>>, vector<1x16xf32>,
        %get3A_55 = arith.index_cast %scan3A_28 : i32 to index
        %get3A_56 = arith.constant 32 : index
        %get3A_57 = tpu.vector_load %arg9[%get3A_55, %get3A_56] {strides = array<i32>} : memref<200x128xf32, #tpu.memory_space<vmem>>, vector<1x16xf32>,
        %get3A_58 = vector.shape_cast %get3A_57 : vector<1x16xf32> to vector<16xf32>
        %get3A_59 = arith.index_cast %scan3A_28 : i32 to index
        %get3A_60 = arith.constant 32 : index
        %get3A_61 = tpu.vector_load %arg10[%get3A_59, %get3A_60] {strides = array<i32>} : memref<200x128xf32, #tpu.memory_space<vmem>>, vector<1x16xf32>,
        %get3A_62 = vector.shape_cast %get3A_61 : vector<1x16xf32> to vector<16xf32>
        %add3A_63 = arith.addf %get3A_58, %get3A_62 : vector<16xf32>
        %swap3A_64 = arith.index_cast %scan3A_28 : i32 to index
        %swap3A_65 = arith.constant 32 : index
        %swap3A_66 = tpu.vector_load %arg9[%swap3A_64, %swap3A_65] {strides = array<i32>} : memref<200x128xf32, #tpu.memory_space<vmem>>, vector<1x16xf32>,
        %swap3A_67 = vector.shape_cast %swap3A_66 : vector<1x16xf32> to vector<16xf32>
        %swap3A_68 = vector.shape_cast %add3A_63 : vector<16xf32> to vector<1x16xf32>
        tpu.vector_store %arg9[%swap3A_64, %swap3A_65], %swap3A_68 {strides = array<i32>} : memref<200x128xf32, #tpu.memory_space<vmem>>, vector<1x16xf32>,
        %get3A_69 = arith.index_cast %scan3A_28 : i32 to index
        %get3A_70 = arith.constant 48 : index
        %get3A_71 = tpu.vector_load %arg9[%get3A_69, %get3A_70] {strides = array<i32>} : memref<200x128xf32, #tpu.memory_space<vmem>>, vector<1x16xf32>,
        %get3A_72 = vector.shape_cast %get3A_71 : vector<1x16xf32> to vector<16xf32>
        %get3A_73 = arith.index_cast %scan3A_28 : i32 to index
        %get3A_74 = arith.constant 48 : index
        %get3A_75 = tpu.vector_load %arg10[%get3A_73, %get3A_74] {strides = array<i32>} : memref<200x128xf32, #tpu.memory_space<vmem>>, vector<1x16xf32>,
        %get3A_76 = vector.shape_cast %get3A_75 : vector<1x16xf32> to vector<16xf32>
        %add3A_77 = arith.addf %get3A_72, %get3A_76 : vector<16xf32>
        %swap3A_78 = arith.index_cast %scan3A_28 : i32 to index
        %swap3A_79 = arith.constant 48 : index
        %swap3A_80 = tpu.vector_load %arg9[%swap3A_78, %swap3A_79] {strides = array<i32>} : memref<200x128xf32, #tpu.memory_space<vmem>>, vector<1x16xf32>,
        %swap3A_81 = vector.shape_cast %swap3A_80 : vector<1x16xf32> to vector<16xf32>
        %swap3A_82 = vector.shape_cast %add3A_77 : vector<16xf32> to vector<1x16xf32>
        tpu.vector_store %arg9[%swap3A_78, %swap3A_79], %swap3A_82 {strides = array<i32>} : memref<200x128xf32, #tpu.memory_space<vmem>>, vector<1x16xf32>,
        %get3A_83 = arith.index_cast %scan3A_28 : i32 to index
        %get3A_84 = arith.constant 64 : index
        %get3A_85 = tpu.vector_load %arg9[%get3A_83, %get3A_84] {strides = array<i32>} : memref<200x128xf32, #tpu.memory_space<vmem>>, vector<1x16xf32>,
        %get3A_86 = vector.shape_cast %get3A_85 : vector<1x16xf32> to vector<16xf32>
        %get3A_87 = arith.index_cast %scan3A_28 : i32 to index
        %get3A_88 = arith.constant 64 : index
        %get3A_89 = tpu.vector_load %arg10[%get3A_87, %get3A_88] {strides = array<i32>} : memref<200x128xf32, #tpu.memory_space<vmem>>, vector<1x16xf32>,
        %get3A_90 = vector.shape_cast %get3A_89 : vector<1x16xf32> to vector<16xf32>
        %add3A_91 = arith.addf %get3A_86, %get3A_90 : vector<16xf32>
        %swap3A_92 = arith.index_cast %scan3A_28 : i32 to index
        %swap3A_93 = arith.constant 64 : index
        %swap3A_94 = tpu.vector_load %arg9[%swap3A_92, %swap3A_93] {strides = array<i32>} : memref<200x128xf32, #tpu.memory_space<vmem>>, vector<1x16xf32>,
        %swap3A_95 = vector.shape_cast %swap3A_94 : vector<1x16xf32> to vector<16xf32>
        %swap3A_96 = vector.shape_cast %add3A_91 : vector<16xf32> to vector<1x16xf32>
        tpu.vector_store %arg9[%swap3A_92, %swap3A_93], %swap3A_96 {strides = array<i32>} : memref<200x128xf32, #tpu.memory_space<vmem>>, vector<1x16xf32>,
        %get3A_97 = arith.index_cast %scan3A_28 : i32 to index
        %get3A_98 = arith.constant 80 : index
        %get3A_99 = tpu.vector_load %arg9[%get3A_97, %get3A_98] {strides = array<i32>} : memref<200x128xf32, #tpu.memory_space<vmem>>, vector<1x16xf32>,
        %get3A_100 = vector.shape_cast %get3A_99 : vector<1x16xf32> to vector<16xf32>
        %get3A_101 = arith.index_cast %scan3A_28 : i32 to index
        %get3A_102 = arith.constant 80 : index
        %get3A_103 = tpu.vector_load %arg10[%get3A_101, %get3A_102] {strides = array<i32>} : memref<200x128xf32, #tpu.memory_space<vmem>>, vector<1x16xf32>,
        %get3A_104 = vector.shape_cast %get3A_103 : vector<1x16xf32> to vector<16xf32>
        %add3A_105 = arith.addf %get3A_100, %get3A_104 : vector<16xf32>
        %swap3A_106 = arith.index_cast %scan3A_28 : i32 to index
        %swap3A_107 = arith.constant 80 : index
        %swap3A_108 = tpu.vector_load %arg9[%swap3A_106, %swap3A_107] {strides = array<i32>} : memref<200x128xf32, #tpu.memory_space<vmem>>, vector<1x16xf32>,
        %swap3A_109 = vector.shape_cast %swap3A_108 : vector<1x16xf32> to vector<16xf32>
        %swap3A_110 = vector.shape_cast %add3A_105 : vector<16xf32> to vector<1x16xf32>
        tpu.vector_store %arg9[%swap3A_106, %swap3A_107], %swap3A_110 {strides = array<i32>} : memref<200x128xf32, #tpu.memory_space<vmem>>, vector<1x16xf32>,
        %get3A_111 = arith.index_cast %scan3A_28 : i32 to index
        %get3A_112 = arith.constant 96 : index
        %get3A_113 = tpu.vector_load %arg9[%get3A_111, %get3A_112] {strides = array<i32>} : memref<200x128xf32, #tpu.memory_space<vmem>>, vector<1x16xf32>,
        %get3A_114 = vector.shape_cast %get3A_113 : vector<1x16xf32> to vector<16xf32>
        %get3A_115 = arith.index_cast %scan3A_28 : i32 to index
        %get3A_116 = arith.constant 96 : index
        %get3A_117 = tpu.vector_load %arg10[%get3A_115, %get3A_116] {strides = array<i32>} : memref<200x128xf32, #tpu.memory_space<vmem>>, vector<1x16xf32>,
        %get3A_118 = vector.shape_cast %get3A_117 : vector<1x16xf32> to vector<16xf32>
        %add3A_119 = arith.addf %get3A_114, %get3A_118 : vector<16xf32>
        %swap3A_120 = arith.index_cast %scan3A_28 : i32 to index
        %swap3A_121 = arith.constant 96 : index
        %swap3A_122 = tpu.vector_load %arg9[%swap3A_120, %swap3A_121] {strides = array<i32>} : memref<200x128xf32, #tpu.memory_space<vmem>>, vector<1x16xf32>,
        %swap3A_123 = vector.shape_cast %swap3A_122 : vector<1x16xf32> to vector<16xf32>
        %swap3A_124 = vector.shape_cast %add3A_119 : vector<16xf32> to vector<1x16xf32>
        tpu.vector_store %arg9[%swap3A_120, %swap3A_121], %swap3A_124 {strides = array<i32>} : memref<200x128xf32, #tpu.memory_space<vmem>>, vector<1x16xf32>,
        %get3A_125 = arith.index_cast %scan3A_28 : i32 to index
        %get3A_126 = arith.constant 112 : index
        %get3A_127 = tpu.vector_load %arg9[%get3A_125, %get3A_126] {strides = array<i32>} : memref<200x128xf32, #tpu.memory_space<vmem>>, vector<1x16xf32>,
        %get3A_128 = vector.shape_cast %get3A_127 : vector<1x16xf32> to vector<16xf32>
        %get3A_129 = arith.index_cast %scan3A_28 : i32 to index
        %get3A_130 = arith.constant 112 : index
        %get3A_131 = tpu.vector_load %arg10[%get3A_129, %get3A_130] {strides = array<i32>} : memref<200x128xf32, #tpu.memory_space<vmem>>, vector<1x16xf32>,
        %get3A_132 = vector.shape_cast %get3A_131 : vector<1x16xf32> to vector<16xf32>
        %add3A_133 = arith.addf %get3A_128, %get3A_132 : vector<16xf32>
        %swap3A_134 = arith.index_cast %scan3A_28 : i32 to index
        %swap3A_135 = arith.constant 112 : index
        %swap3A_136 = tpu.vector_load %arg9[%swap3A_134, %swap3A_135] {strides = array<i32>} : memref<200x128xf32, #tpu.memory_space<vmem>>, vector<1x16xf32>,
        %swap3A_137 = vector.shape_cast %swap3A_136 : vector<1x16xf32> to vector<16xf32>
        %swap3A_138 = vector.shape_cast %add3A_133 : vector<16xf32> to vector<1x16xf32>
        tpu.vector_store %arg9[%swap3A_134, %swap3A_135], %swap3A_138 {strides = array<i32>} : memref<200x128xf32, #tpu.memory_space<vmem>>, vector<1x16xf32>,
      }
      %scan3A_27 = arith.constant 200 : i32
      "tpu.region"() ({
        %run_scoped3A = tpu.sem_alloc : memref<!tpu.dma_semaphore, #tpu.memory_space<semaphore_mem>>
        %dma_start3A_28 = arith.constant 0 : i32
        %dma_start3A_29 = tpu.memref_slice %arg6[%add3A_11, %dma_start3A_28] : memref<640000x128xf32, #tpu.memory_space<hbm>> -> memref<200x128xf32, #tpu.memory_space<hbm>>
        %dma_start3A_30 = arith.constant 0 : i32
        %dma_start3A_31 = tpu.memref_slice %arg6[%add3A_11, %dma_start3A_30] : memref<640000x128xf32, #tpu.memory_space<hbm>> -> memref<200x128xf32, #tpu.memory_space<hbm>>
        tpu.enqueue_dma source(%arg9 : memref<200x128xf32, #tpu.memory_space<vmem>>) target(%dma_start3A_31 : memref<200x128xf32, #tpu.memory_space<hbm>>) target_semaphore(%run_scoped3A : memref<!tpu.dma_semaphore, #tpu.memory_space<semaphore_mem>>)
        %dma_wait3A_32 = arith.constant 0 : i32
        %dma_wait3A_33 = tpu.memref_slice %arg6[%add3A_11, %dma_wait3A_32] : memref<640000x128xf32, #tpu.memory_space<hbm>> -> memref<200x128xf32, #tpu.memory_space<hbm>>
        %dma_wait3A_34 = arith.constant 0 : i32
        %dma_wait3A_35 = tpu.memref_slice %arg6[%add3A_11, %dma_wait3A_34] : memref<640000x128xf32, #tpu.memory_space<hbm>> -> memref<200x128xf32, #tpu.memory_space<hbm>>
        tpu.wait_dma2 semaphore(%run_scoped3A : memref<!tpu.dma_semaphore, #tpu.memory_space<semaphore_mem>>) src(%arg9 : memref<200x128xf32, #tpu.memory_space<vmem>>) dst(%dma_wait3A_35 : memref<200x128xf32, #tpu.memory_space<hbm>>)
        tpu.yield
      }) : () -> ()
    }
    %scan3A_7 = arith.constant 100 : i32
    return
  }
}

module attributes {stable_mosaic.version = 14 : i64} {
  func.func @_qkv_body(%arg0: i32, %arg1: memref<1000x128xf32, #tpu.memory_space<vmem>>, %arg2: memref<128x128xf32, #tpu.memory_space<vmem>>, %arg3: memref<1x128xf32, #tpu.memory_space<vmem>>, %arg4: memref<128x128xf32, #tpu.memory_space<vmem>>, %arg5: memref<1x128xf32, #tpu.memory_space<vmem>>, %arg6: memref<128x128xf32, #tpu.memory_space<vmem>>, %arg7: memref<1x128xf32, #tpu.memory_space<vmem>>, %arg8: memref<1000x128xf32, #tpu.memory_space<vmem>>, %arg9: memref<1000x128xf32, #tpu.memory_space<vmem>>, %arg10: memref<1000x128xf32, #tpu.memory_space<vmem>>) attributes {dimension_semantics = [#tpu.dimension_semantics<arbitrary>], iteration_bounds = array<i64: 320>, scalar_prefetch = 0 : i64, scratch_operands = 0 : i64, tpu.core_type = #tpu.core_type<tc>, window_params = [{transform_indices = @transform_0, window_bounds = array<i64: 1000, 128>}, {pipeline_mode = #tpu.pipeline_mode<synchronous>, transform_indices = @transform_1, window_bounds = array<i64: 128, 128>}, {pipeline_mode = #tpu.pipeline_mode<synchronous>, transform_indices = @transform_2, window_bounds = array<i64: 1, 128>}, {pipeline_mode = #tpu.pipeline_mode<synchronous>, transform_indices = @transform_3, window_bounds = array<i64: 128, 128>}, {pipeline_mode = #tpu.pipeline_mode<synchronous>, transform_indices = @transform_4, window_bounds = array<i64: 1, 128>}, {pipeline_mode = #tpu.pipeline_mode<synchronous>, transform_indices = @transform_5, window_bounds = array<i64: 128, 128>}, {pipeline_mode = #tpu.pipeline_mode<synchronous>, transform_indices = @transform_6, window_bounds = array<i64: 1, 128>}, {transform_indices = @transform_7, window_bounds = array<i64: 1000, 128>}, {transform_indices = @transform_8, window_bounds = array<i64: 1000, 128>}, {transform_indices = @transform_9, window_bounds = array<i64: 1000, 128>}]} {
    %get3A = arith.constant 0 : index
    %get3A_0 = arith.constant 0 : index
    %get3A_1 = vector.load %arg1[%get3A, %get3A_0] : memref<1000x128xf32, #tpu.memory_space<vmem>>, vector<1000x128xf32>
    %get3A_2 = arith.constant 0 : index
    %get3A_3 = arith.constant 0 : index
    %get3A_4 = vector.load %arg2[%get3A_2, %get3A_3] : memref<128x128xf32, #tpu.memory_space<vmem>>, vector<128x128xf32>
    %dot_general3A = arith.constant dense<0.000000e+00> : vector<1000x128xf32>
    %dot_general3A_5 = tpu.matmul %get3A_1, %get3A_4, %dot_general3A {dimension_numbers = #tpu.dot_dimension_numbers<[1], [1], [0], [0], [0, 0, 1, 0], [], []>, transpose_lhs_hint = false} : vector<1000x128xf32>, vector<128x128xf32>, vector<1000x128xf32> -> vector<1000x128xf32>
    %get3A_6 = arith.constant 0 : index
    %get3A_7 = arith.constant 0 : index
    %get3A_8 = vector.load %arg3[%get3A_6, %get3A_7] : memref<1x128xf32, #tpu.memory_space<vmem>>, vector<1x128xf32>
    %add3A = vector.broadcast %get3A_8 : vector<1x128xf32> to vector<1000x128xf32>
    %add3A_9 = arith.addf %dot_general3A_5, %add3A : vector<1000x128xf32>
    %swap3A = arith.constant 0 : index
    %swap3A_10 = arith.constant 0 : index
    %swap3A_11 = vector.load %arg8[%swap3A, %swap3A_10] : memref<1000x128xf32, #tpu.memory_space<vmem>>, vector<1000x128xf32>
    tpu.vector_store %arg8[%swap3A, %swap3A_10], %add3A_9 {strides = array<i32>} : memref<1000x128xf32, #tpu.memory_space<vmem>>, vector<1000x128xf32>,
    %get3A_12 = arith.constant 0 : index
    %get3A_13 = arith.constant 0 : index
    %get3A_14 = vector.load %arg4[%get3A_12, %get3A_13] : memref<128x128xf32, #tpu.memory_space<vmem>>, vector<128x128xf32>
    %dot_general3A_15 = arith.constant dense<0.000000e+00> : vector<1000x128xf32>
    %dot_general3A_16 = tpu.matmul %get3A_1, %get3A_14, %dot_general3A_15 {dimension_numbers = #tpu.dot_dimension_numbers<[1], [1], [0], [0], [0, 0, 1, 0], [], []>, transpose_lhs_hint = false} : vector<1000x128xf32>, vector<128x128xf32>, vector<1000x128xf32> -> vector<1000x128xf32>
    %get3A_17 = arith.constant 0 : index
    %get3A_18 = arith.constant 0 : index
    %get3A_19 = vector.load %arg5[%get3A_17, %get3A_18] : memref<1x128xf32, #tpu.memory_space<vmem>>, vector<1x128xf32>
    %add3A_20 = vector.broadcast %get3A_19 : vector<1x128xf32> to vector<1000x128xf32>
    %add3A_21 = arith.addf %dot_general3A_16, %add3A_20 : vector<1000x128xf32>
    %swap3A_22 = arith.constant 0 : index
    %swap3A_23 = arith.constant 0 : index
    %swap3A_24 = vector.load %arg9[%swap3A_22, %swap3A_23] : memref<1000x128xf32, #tpu.memory_space<vmem>>, vector<1000x128xf32>
    tpu.vector_store %arg9[%swap3A_22, %swap3A_23], %add3A_21 {strides = array<i32>} : memref<1000x128xf32, #tpu.memory_space<vmem>>, vector<1000x128xf32>,
    %get3A_25 = arith.constant 0 : index
    %get3A_26 = arith.constant 0 : index
    %get3A_27 = vector.load %arg6[%get3A_25, %get3A_26] : memref<128x128xf32, #tpu.memory_space<vmem>>, vector<128x128xf32>
    %dot_general3A_28 = arith.constant dense<0.000000e+00> : vector<1000x128xf32>
    %dot_general3A_29 = tpu.matmul %get3A_1, %get3A_27, %dot_general3A_28 {dimension_numbers = #tpu.dot_dimension_numbers<[1], [1], [0], [0], [0, 0, 1, 0], [], []>, transpose_lhs_hint = false} : vector<1000x128xf32>, vector<128x128xf32>, vector<1000x128xf32> -> vector<1000x128xf32>
    %get3A_30 = arith.constant 0 : index
    %get3A_31 = arith.constant 0 : index
    %get3A_32 = vector.load %arg7[%get3A_30, %get3A_31] : memref<1x128xf32, #tpu.memory_space<vmem>>, vector<1x128xf32>
    %add3A_33 = vector.broadcast %get3A_32 : vector<1x128xf32> to vector<1000x128xf32>
    %add3A_34 = arith.addf %dot_general3A_29, %add3A_33 : vector<1000x128xf32>
    %swap3A_35 = arith.constant 0 : index
    %swap3A_36 = arith.constant 0 : index
    %swap3A_37 = vector.load %arg10[%swap3A_35, %swap3A_36] : memref<1000x128xf32, #tpu.memory_space<vmem>>, vector<1000x128xf32>
    tpu.vector_store %arg10[%swap3A_35, %swap3A_36], %add3A_34 {strides = array<i32>} : memref<1000x128xf32, #tpu.memory_space<vmem>>, vector<1000x128xf32>,
    return
  }
  func.func @transform_0(%arg0: i32) -> (i32, i32) {
    %c0_i32 = arith.constant 0 : i32
    %c0_i32_0 = arith.constant 0 : i32
    return %arg0, %c0_i32 : i32, i32
  }
  func.func @transform_1(%arg0: i32) -> (i32, i32) {
    %c0_i32 = arith.constant 0 : i32
    %c0_i32_0 = arith.constant 0 : i32
    %c0_i32_1 = arith.constant 0 : i32
    return %c0_i32, %c0_i32_0 : i32, i32
  }
  func.func @transform_2(%arg0: i32) -> (i32, i32) {
    %c0_i32 = arith.constant 0 : i32
    %c0_i32_0 = arith.constant 0 : i32
    %c0_i32_1 = arith.constant 0 : i32
    return %c0_i32, %c0_i32_0 : i32, i32
  }
  func.func @transform_3(%arg0: i32) -> (i32, i32) {
    %c0_i32 = arith.constant 0 : i32
    %c0_i32_0 = arith.constant 0 : i32
    %c0_i32_1 = arith.constant 0 : i32
    return %c0_i32, %c0_i32_0 : i32, i32
  }
  func.func @transform_4(%arg0: i32) -> (i32, i32) {
    %c0_i32 = arith.constant 0 : i32
    %c0_i32_0 = arith.constant 0 : i32
    %c0_i32_1 = arith.constant 0 : i32
    return %c0_i32, %c0_i32_0 : i32, i32
  }
  func.func @transform_5(%arg0: i32) -> (i32, i32) {
    %c0_i32 = arith.constant 0 : i32
    %c0_i32_0 = arith.constant 0 : i32
    %c0_i32_1 = arith.constant 0 : i32
    return %c0_i32, %c0_i32_0 : i32, i32
  }
  func.func @transform_6(%arg0: i32) -> (i32, i32) {
    %c0_i32 = arith.constant 0 : i32
    %c0_i32_0 = arith.constant 0 : i32
    %c0_i32_1 = arith.constant 0 : i32
    return %c0_i32, %c0_i32_0 : i32, i32
  }
  func.func @transform_7(%arg0: i32) -> (i32, i32) {
    %c0_i32 = arith.constant 0 : i32
    %c0_i32_0 = arith.constant 0 : i32
    return %arg0, %c0_i32 : i32, i32
  }
  func.func @transform_8(%arg0: i32) -> (i32, i32) {
    %c0_i32 = arith.constant 0 : i32
    %c0_i32_0 = arith.constant 0 : i32
    return %arg0, %c0_i32 : i32, i32
  }
  func.func @transform_9(%arg0: i32) -> (i32, i32) {
    %c0_i32 = arith.constant 0 : i32
    %c0_i32_0 = arith.constant 0 : i32
    return %arg0, %c0_i32 : i32, i32
  }
}

module attributes {stable_mosaic.version = 14 : i64} {
  func.func @_ex_body(%arg0: i32, %arg1: memref<2000x128xf32, #tpu.memory_space<vmem>>, %arg2: memref<128x16xf32, #tpu.memory_space<vmem>>, %arg3: memref<2000x128xf32, #tpu.memory_space<vmem>>) attributes {dimension_semantics = [#tpu.dimension_semantics<arbitrary>], iteration_bounds = array<i64: 320>, scalar_prefetch = 0 : i64, scratch_operands = 0 : i64, tpu.core_type = #tpu.core_type<tc>, window_params = [{transform_indices = @transform_0, window_bounds = array<i64: 2000, 128>}, {pipeline_mode = #tpu.pipeline_mode<synchronous>, transform_indices = @transform_1, window_bounds = array<i64: 128, 16>}, {transform_indices = @transform_2, window_bounds = array<i64: 2000, 128>}]} {
    %get3A = arith.constant 0 : index
    %get3A_0 = arith.constant 0 : index
    %get3A_1 = vector.load %arg1[%get3A, %get3A_0] : memref<2000x128xf32, #tpu.memory_space<vmem>>, vector<2000x128xf32>
    %max3A = arith.constant 0.000000e+00 : f32
    %max3A_2 = vector.broadcast %max3A : f32 to vector<2000x128xf32>
    %max3A_3 = arith.maximumf %get3A_1, %max3A_2 : vector<2000x128xf32>
    %get3A_4 = arith.constant 0 : index
    %get3A_5 = arith.constant 0 : index
    %get3A_6 = vector.load %arg2[%get3A_4, %get3A_5] : memref<128x16xf32, #tpu.memory_space<vmem>>, vector<128x16xf32>
    %dot_general3A = arith.constant dense<0.000000e+00> : vector<2000x16xf32>
    %dot_general3A_7 = tpu.matmul %max3A_3, %get3A_6, %dot_general3A {dimension_numbers = #tpu.dot_dimension_numbers<[1], [0], [0], [1], [0, 0, 1, 1], [], []>, transpose_lhs_hint = false} : vector<2000x128xf32>, vector<128x16xf32>, vector<2000x16xf32> -> vector<2000x16xf32>
    %exp3A = math.exp %dot_general3A_7 : vector<2000x16xf32>
    %iota3A = tpu.iota {dimensions = array<i32: 0>} : vector<16x128xi32>
    %iota3A_8 = tpu.iota {dimensions = array<i32: 1>} : vector<16x128xi32>
    %jit3A = arith.constant 16 : i32
    %div3A = vector.broadcast %jit3A : i32 to vector<16x128xi32>
    %div3A_9 = arith.divsi %iota3A_8, %div3A : vector<16x128xi32>
    %sign3A = arith.constant 0 : i32
    %sign3A_10 = vector.broadcast %sign3A : i32 to vector<16x128xi32>
    %sign3A_11 = arith.cmpi sgt, %iota3A_8, %sign3A_10 : vector<16x128xi32>
    %sign3A_12 = arith.extui %sign3A_11 : vector<16x128xi1> to vector<16x128xi32>
    %sign3A_13 = arith.constant 0 : i32
    %sign3A_14 = vector.broadcast %sign3A_13 : i32 to vector<16x128xi32>
    %sign3A_15 = arith.cmpi slt, %iota3A_8, %sign3A_14 : vector<16x128xi32>
    %sign3A_16 = arith.extui %sign3A_15 : vector<16x128xi1> to vector<16x128xi32>
    %sign3A_17 = arith.subi %sign3A_12, %sign3A_16 : vector<16x128xi32>
    %sign3A_18 = arith.constant 0 : i32
    %sign3A_19 = arith.cmpi sgt, %jit3A, %sign3A_18 : i32
    %sign3A_20 = arith.extui %sign3A_19 : i1 to i32
    %sign3A_21 = arith.constant 0 : i32
    %sign3A_22 = arith.cmpi slt, %jit3A, %sign3A_21 : i32
    %sign3A_23 = arith.extui %sign3A_22 : i1 to i32
    %sign3A_24 = arith.subi %sign3A_20, %sign3A_23 : i32
    %ne3A = vector.broadcast %sign3A_24 : i32 to vector<16x128xi32>
    %ne3A_25 = arith.cmpi ne, %sign3A_17, %ne3A : vector<16x128xi32>
    %rem3A = vector.broadcast %jit3A : i32 to vector<16x128xi32>
    %rem3A_26 = arith.remsi %iota3A_8, %rem3A : vector<16x128xi32>
    %ne3A_27 = arith.constant 0 : i32
    %ne3A_28 = vector.broadcast %ne3A_27 : i32 to vector<16x128xi32>
    %ne3A_29 = arith.cmpi ne, %rem3A_26, %ne3A_28 : vector<16x128xi32>
    %and3A = arith.andi %ne3A_25, %ne3A_29 : vector<16x128xi1>
    %sub3A = arith.constant 1 : i32
    %sub3A_30 = vector.broadcast %sub3A : i32 to vector<16x128xi32>
    %sub3A_31 = arith.subi %div3A_9, %sub3A_30 : vector<16x128xi32>
    %select_n3A = arith.select %and3A, %sub3A_31, %div3A_9 : vector<16x128xi1>, vector<16x128xi32>
    %eq3A = arith.cmpi eq, %select_n3A, %iota3A : vector<16x128xi32>
    %jit3A_32 = arith.constant 1.000000e+00 : f32
    %jit3A_33 = arith.constant 0.000000e+00 : f32
    %broadcast_in_dim3A = vector.broadcast %jit3A_32 : f32 to vector<16x128xf32>
    %broadcast_in_dim3A_34 = vector.broadcast %jit3A_33 : f32 to vector<16x128xf32>
    %select_n3A_35 = arith.select %eq3A, %broadcast_in_dim3A, %broadcast_in_dim3A_34 : vector<16x128xi1>, vector<16x128xf32>
    %dot_general3A_36 = arith.constant dense<0.000000e+00> : vector<2000x128xf32>
    %dot_general3A_37 = tpu.matmul %exp3A, %select_n3A_35, %dot_general3A_36 {dimension_numbers = #tpu.dot_dimension_numbers<[1], [0], [0], [1], [0, 0, 1, 1], [], []>, transpose_lhs_hint = false} : vector<2000x16xf32>, vector<16x128xf32>, vector<2000x128xf32> -> vector<2000x128xf32>
    %swap3A = arith.constant 0 : index
    %swap3A_38 = arith.constant 0 : index
    %swap3A_39 = vector.load %arg3[%swap3A, %swap3A_38] : memref<2000x128xf32, #tpu.memory_space<vmem>>, vector<2000x128xf32>
    tpu.vector_store %arg3[%swap3A, %swap3A_38], %dot_general3A_37 {strides = array<i32>} : memref<2000x128xf32, #tpu.memory_space<vmem>>, vector<2000x128xf32>,
    return
  }
  func.func @transform_0(%arg0: i32) -> (i32, i32) {
    %c0_i32 = arith.constant 0 : i32
    %c0_i32_0 = arith.constant 0 : i32
    return %arg0, %c0_i32 : i32, i32
  }
  func.func @transform_1(%arg0: i32) -> (i32, i32) {
    %c0_i32 = arith.constant 0 : i32
    %c0_i32_0 = arith.constant 0 : i32
    %c0_i32_1 = arith.constant 0 : i32
    return %c0_i32, %c0_i32_0 : i32, i32
  }
  func.func @transform_2(%arg0: i32) -> (i32, i32) {
    %c0_i32 = arith.constant 0 : i32
    %c0_i32_0 = arith.constant 0 : i32
    return %arg0, %c0_i32 : i32, i32
  }
}

module attributes {stable_mosaic.version = 14 : i64} {
  func.func @_edge_out_body(%arg0: i32, %arg1: memref<1000x128xf32, #tpu.memory_space<vmem>>, %arg2: memref<1000x128xf32, #tpu.memory_space<vmem>>, %arg3: memref<1000x128xf32, #tpu.memory_space<vmem>>, %arg4: memref<128x128xf32, #tpu.memory_space<vmem>>, %arg5: memref<1x128xf32, #tpu.memory_space<vmem>>, %arg6: memref<1x128xf32, #tpu.memory_space<vmem>>, %arg7: memref<1x128xf32, #tpu.memory_space<vmem>>, %arg8: memref<1000x128xf32, #tpu.memory_space<vmem>>) attributes {dimension_semantics = [#tpu.dimension_semantics<arbitrary>], iteration_bounds = array<i64: 320>, scalar_prefetch = 0 : i64, scratch_operands = 0 : i64, tpu.core_type = #tpu.core_type<tc>, window_params = [{transform_indices = @transform_0, window_bounds = array<i64: 1000, 128>}, {transform_indices = @transform_1, window_bounds = array<i64: 1000, 128>}, {transform_indices = @transform_2, window_bounds = array<i64: 1000, 128>}, {pipeline_mode = #tpu.pipeline_mode<synchronous>, transform_indices = @transform_3, window_bounds = array<i64: 128, 128>}, {pipeline_mode = #tpu.pipeline_mode<synchronous>, transform_indices = @transform_4, window_bounds = array<i64: 1, 128>}, {pipeline_mode = #tpu.pipeline_mode<synchronous>, transform_indices = @transform_5, window_bounds = array<i64: 1, 128>}, {pipeline_mode = #tpu.pipeline_mode<synchronous>, transform_indices = @transform_6, window_bounds = array<i64: 1, 128>}, {transform_indices = @transform_7, window_bounds = array<i64: 1000, 128>}]} {
    %get3A = arith.constant 0 : index
    %get3A_0 = arith.constant 0 : index
    %get3A_1 = vector.load %arg3[%get3A, %get3A_0] : memref<1000x128xf32, #tpu.memory_space<vmem>>, vector<1000x128xf32>
    %add3A = arith.constant 1.000000e-16 : f32
    %add3A_2 = vector.broadcast %add3A : f32 to vector<1000x128xf32>
    %add3A_3 = arith.addf %get3A_1, %add3A_2 : vector<1000x128xf32>
    %div3A = arith.constant 1.000000e+00 : f32
    %div3A_4 = vector.broadcast %div3A : f32 to vector<1000x128xf32>
    %div3A_5 = arith.divf %div3A_4, %add3A_3 : vector<1000x128xf32>
    %get3A_6 = arith.constant 0 : index
    %get3A_7 = arith.constant 0 : index
    %get3A_8 = vector.load %arg2[%get3A_6, %get3A_7] : memref<1000x128xf32, #tpu.memory_space<vmem>>, vector<1000x128xf32>
    %mul3A = arith.mulf %get3A_8, %div3A_5 : vector<1000x128xf32>
    %get3A_9 = arith.constant 0 : index
    %get3A_10 = arith.constant 0 : index
    %get3A_11 = vector.load %arg4[%get3A_9, %get3A_10] : memref<128x128xf32, #tpu.memory_space<vmem>>, vector<128x128xf32>
    %dot_general3A = arith.constant dense<0.000000e+00> : vector<1000x128xf32>
    %dot_general3A_12 = tpu.matmul %mul3A, %get3A_11, %dot_general3A {dimension_numbers = #tpu.dot_dimension_numbers<[1], [1], [0], [0], [0, 0, 1, 0], [], []>, transpose_lhs_hint = false} : vector<1000x128xf32>, vector<128x128xf32>, vector<1000x128xf32> -> vector<1000x128xf32>
    %get3A_13 = arith.constant 0 : index
    %get3A_14 = arith.constant 0 : index
    %get3A_15 = vector.load %arg5[%get3A_13, %get3A_14] : memref<1x128xf32, #tpu.memory_space<vmem>>, vector<1x128xf32>
    %add3A_16 = vector.broadcast %get3A_15 : vector<1x128xf32> to vector<1000x128xf32>
    %add3A_17 = arith.addf %dot_general3A_12, %add3A_16 : vector<1000x128xf32>
    %get3A_18 = arith.constant 0 : index
    %get3A_19 = arith.constant 0 : index
    %get3A_20 = vector.load %arg1[%get3A_18, %get3A_19] : memref<1000x128xf32, #tpu.memory_space<vmem>>, vector<1000x128xf32>
    %add3A_21 = arith.addf %get3A_20, %add3A_17 : vector<1000x128xf32>
    %get3A_22 = arith.constant 0 : index
    %get3A_23 = arith.constant 0 : index
    %get3A_24 = vector.load %arg6[%get3A_22, %get3A_23] : memref<1x128xf32, #tpu.memory_space<vmem>>, vector<1x128xf32>
    %get3A_25 = arith.constant 0 : index
    %get3A_26 = arith.constant 0 : index
    %get3A_27 = vector.load %arg7[%get3A_25, %get3A_26] : memref<1x128xf32, #tpu.memory_space<vmem>>, vector<1x128xf32>
    %reduce_sum3A = arith.constant dense<0.000000e+00> : vector<1000xf32>
    %reduce_sum3A_28 = vector.multi_reduction <add>, %add3A_21, %reduce_sum3A [1] : vector<1000x128xf32> to vector<1000xf32>
    %broadcast_in_dim3A = vector.shape_cast %reduce_sum3A_28 : vector<1000xf32> to vector<1000x1xf32>
    %div3A_29 = arith.constant 1.280000e+02 : f32
    %div3A_30 = vector.broadcast %div3A_29 : f32 to vector<1000x1xf32>
    %div3A_31 = arith.divf %broadcast_in_dim3A, %div3A_30 : vector<1000x1xf32>
    %sub3A = vector.broadcast %div3A_31 : vector<1000x1xf32> to vector<1000x128xf32>
    %sub3A_32 = arith.subf %add3A_21, %sub3A : vector<1000x128xf32>
    %integer_pow3A = arith.mulf %sub3A_32, %sub3A_32 : vector<1000x128xf32>
    %reduce_sum3A_33 = arith.constant dense<0.000000e+00> : vector<1000xf32>
    %reduce_sum3A_34 = vector.multi_reduction <add>, %integer_pow3A, %reduce_sum3A_33 [1] : vector<1000x128xf32> to vector<1000xf32>
    %broadcast_in_dim3A_35 = vector.shape_cast %reduce_sum3A_34 : vector<1000xf32> to vector<1000x1xf32>
    %div3A_36 = arith.constant 1.280000e+02 : f32
    %div3A_37 = vector.broadcast %div3A_36 : f32 to vector<1000x1xf32>
    %div3A_38 = arith.divf %broadcast_in_dim3A_35, %div3A_37 : vector<1000x1xf32>
    %sub3A_39 = vector.broadcast %div3A_31 : vector<1000x1xf32> to vector<1000x128xf32>
    %sub3A_40 = arith.subf %add3A_21, %sub3A_39 : vector<1000x128xf32>
    %add3A_41 = arith.constant 9.99999974E-6 : f32
    %add3A_42 = vector.broadcast %add3A_41 : f32 to vector<1000x1xf32>
    %add3A_43 = arith.addf %div3A_38, %add3A_42 : vector<1000x1xf32>
    %sqrt3A = math.sqrt %add3A_43 : vector<1000x1xf32>
    %div3A_44 = vector.broadcast %sqrt3A : vector<1000x1xf32> to vector<1000x128xf32>
    %div3A_45 = arith.divf %sub3A_40, %div3A_44 : vector<1000x128xf32>
    %mul3A_46 = vector.broadcast %get3A_24 : vector<1x128xf32> to vector<1000x128xf32>
    %mul3A_47 = arith.mulf %div3A_45, %mul3A_46 : vector<1000x128xf32>
    %add3A_48 = vector.broadcast %get3A_27 : vector<1x128xf32> to vector<1000x128xf32>
    %add3A_49 = arith.addf %mul3A_47, %add3A_48 : vector<1000x128xf32>
    %swap3A = arith.constant 0 : index
    %swap3A_50 = arith.constant 0 : index
    %swap3A_51 = vector.load %arg8[%swap3A, %swap3A_50] : memref<1000x128xf32, #tpu.memory_space<vmem>>, vector<1000x128xf32>
    tpu.vector_store %arg8[%swap3A, %swap3A_50], %add3A_49 {strides = array<i32>} : memref<1000x128xf32, #tpu.memory_space<vmem>>, vector<1000x128xf32>,
    return
  }
  func.func @transform_0(%arg0: i32) -> (i32, i32) {
    %c0_i32 = arith.constant 0 : i32
    %c0_i32_0 = arith.constant 0 : i32
    return %arg0, %c0_i32 : i32, i32
  }
  func.func @transform_1(%arg0: i32) -> (i32, i32) {
    %c0_i32 = arith.constant 0 : i32
    %c0_i32_0 = arith.constant 0 : i32
    return %arg0, %c0_i32 : i32, i32
  }
  func.func @transform_2(%arg0: i32) -> (i32, i32) {
    %c0_i32 = arith.constant 0 : i32
    %c0_i32_0 = arith.constant 0 : i32
    return %arg0, %c0_i32 : i32, i32
  }
  func.func @transform_3(%arg0: i32) -> (i32, i32) {
    %c0_i32 = arith.constant 0 : i32
    %c0_i32_0 = arith.constant 0 : i32
    %c0_i32_1 = arith.constant 0 : i32
    return %c0_i32, %c0_i32_0 : i32, i32
  }
  func.func @transform_4(%arg0: i32) -> (i32, i32) {
    %c0_i32 = arith.constant 0 : i32
    %c0_i32_0 = arith.constant 0 : i32
    %c0_i32_1 = arith.constant 0 : i32
    return %c0_i32, %c0_i32_0 : i32, i32
  }
  func.func @transform_5(%arg0: i32) -> (i32, i32) {
    %c0_i32 = arith.constant 0 : i32
    %c0_i32_0 = arith.constant 0 : i32
    %c0_i32_1 = arith.constant 0 : i32
    return %c0_i32, %c0_i32_0 : i32, i32
  }
  func.func @transform_6(%arg0: i32) -> (i32, i32) {
    %c0_i32 = arith.constant 0 : i32
    %c0_i32_0 = arith.constant 0 : i32
    %c0_i32_1 = arith.constant 0 : i32
    return %c0_i32, %c0_i32_0 : i32, i32
  }
  func.func @transform_7(%arg0: i32) -> (i32, i32) {
    %c0_i32 = arith.constant 0 : i32
    %c0_i32_0 = arith.constant 0 : i32
    return %arg0, %c0_i32 : i32, i32
  }
}

module attributes {stable_mosaic.version = 14 : i64} {
  func.func @_ffn_body(%arg0: i32, %arg1: memref<1000x128xf32, #tpu.memory_space<vmem>>, %arg2: memref<256x128xf32, #tpu.memory_space<vmem>>, %arg3: memref<1x256xf32, #tpu.memory_space<vmem>>, %arg4: memref<128x256xf32, #tpu.memory_space<vmem>>, %arg5: memref<1x128xf32, #tpu.memory_space<vmem>>, %arg6: memref<1x128xf32, #tpu.memory_space<vmem>>, %arg7: memref<1x128xf32, #tpu.memory_space<vmem>>, %arg8: memref<1000x128xf32, #tpu.memory_space<vmem>>) attributes {dimension_semantics = [#tpu.dimension_semantics<arbitrary>], iteration_bounds = array<i64: 320>, scalar_prefetch = 0 : i64, scratch_operands = 0 : i64, tpu.core_type = #tpu.core_type<tc>, window_params = [{transform_indices = @transform_0, window_bounds = array<i64: 1000, 128>}, {pipeline_mode = #tpu.pipeline_mode<synchronous>, transform_indices = @transform_1, window_bounds = array<i64: 256, 128>}, {pipeline_mode = #tpu.pipeline_mode<synchronous>, transform_indices = @transform_2, window_bounds = array<i64: 1, 256>}, {pipeline_mode = #tpu.pipeline_mode<synchronous>, transform_indices = @transform_3, window_bounds = array<i64: 128, 256>}, {pipeline_mode = #tpu.pipeline_mode<synchronous>, transform_indices = @transform_4, window_bounds = array<i64: 1, 128>}, {pipeline_mode = #tpu.pipeline_mode<synchronous>, transform_indices = @transform_5, window_bounds = array<i64: 1, 128>}, {pipeline_mode = #tpu.pipeline_mode<synchronous>, transform_indices = @transform_6, window_bounds = array<i64: 1, 128>}, {transform_indices = @transform_7, window_bounds = array<i64: 1000, 128>}]} {
    %get3A = arith.constant 0 : index
    %get3A_0 = arith.constant 0 : index
    %get3A_1 = vector.load %arg1[%get3A, %get3A_0] : memref<1000x128xf32, #tpu.memory_space<vmem>>, vector<1000x128xf32>
    %get3A_2 = arith.constant 0 : index
    %get3A_3 = arith.constant 0 : index
    %get3A_4 = vector.load %arg2[%get3A_2, %get3A_3] : memref<256x128xf32, #tpu.memory_space<vmem>>, vector<256x128xf32>
    %dot_general3A = arith.constant dense<0.000000e+00> : vector<1000x256xf32>
    %dot_general3A_5 = tpu.matmul %get3A_1, %get3A_4, %dot_general3A {dimension_numbers = #tpu.dot_dimension_numbers<[1], [1], [0], [0], [0, 0, 1, 0], [], []>, transpose_lhs_hint = false} : vector<1000x128xf32>, vector<256x128xf32>, vector<1000x256xf32> -> vector<1000x256xf32>
    %get3A_6 = arith.constant 0 : index
    %get3A_7 = arith.constant 0 : index
    %get3A_8 = vector.load %arg3[%get3A_6, %get3A_7] : memref<1x256xf32, #tpu.memory_space<vmem>>, vector<1x256xf32>
    %add3A = vector.broadcast %get3A_8 : vector<1x256xf32> to vector<1000x256xf32>
    %add3A_9 = arith.addf %dot_general3A_5, %add3A : vector<1000x256xf32>
    %max3A = arith.constant 0.000000e+00 : f32
    %max3A_10 = vector.broadcast %max3A : f32 to vector<1000x256xf32>
    %max3A_11 = arith.maximumf %add3A_9, %max3A_10 : vector<1000x256xf32>
    %get3A_12 = arith.constant 0 : index
    %get3A_13 = arith.constant 0 : index
    %get3A_14 = vector.load %arg4[%get3A_12, %get3A_13] : memref<128x256xf32, #tpu.memory_space<vmem>>, vector<128x256xf32>
    %dot_general3A_15 = arith.constant dense<0.000000e+00> : vector<1000x128xf32>
    %dot_general3A_16 = tpu.matmul %max3A_11, %get3A_14, %dot_general3A_15 {dimension_numbers = #tpu.dot_dimension_numbers<[1], [1], [0], [0], [0, 0, 1, 0], [], []>, transpose_lhs_hint = false} : vector<1000x256xf32>, vector<128x256xf32>, vector<1000x128xf32> -> vector<1000x128xf32>
    %get3A_17 = arith.constant 0 : index
    %get3A_18 = arith.constant 0 : index
    %get3A_19 = vector.load %arg5[%get3A_17, %get3A_18] : memref<1x128xf32, #tpu.memory_space<vmem>>, vector<1x128xf32>
    %add3A_20 = vector.broadcast %get3A_19 : vector<1x128xf32> to vector<1000x128xf32>
    %add3A_21 = arith.addf %dot_general3A_16, %add3A_20 : vector<1000x128xf32>
    %add3A_22 = arith.addf %get3A_1, %add3A_21 : vector<1000x128xf32>
    %get3A_23 = arith.constant 0 : index
    %get3A_24 = arith.constant 0 : index
    %get3A_25 = vector.load %arg6[%get3A_23, %get3A_24] : memref<1x128xf32, #tpu.memory_space<vmem>>, vector<1x128xf32>
    %get3A_26 = arith.constant 0 : index
    %get3A_27 = arith.constant 0 : index
    %get3A_28 = vector.load %arg7[%get3A_26, %get3A_27] : memref<1x128xf32, #tpu.memory_space<vmem>>, vector<1x128xf32>
    %reduce_sum3A = arith.constant dense<0.000000e+00> : vector<1000xf32>
    %reduce_sum3A_29 = vector.multi_reduction <add>, %add3A_22, %reduce_sum3A [1] : vector<1000x128xf32> to vector<1000xf32>
    %broadcast_in_dim3A = vector.shape_cast %reduce_sum3A_29 : vector<1000xf32> to vector<1000x1xf32>
    %div3A = arith.constant 1.280000e+02 : f32
    %div3A_30 = vector.broadcast %div3A : f32 to vector<1000x1xf32>
    %div3A_31 = arith.divf %broadcast_in_dim3A, %div3A_30 : vector<1000x1xf32>
    %sub3A = vector.broadcast %div3A_31 : vector<1000x1xf32> to vector<1000x128xf32>
    %sub3A_32 = arith.subf %add3A_22, %sub3A : vector<1000x128xf32>
    %integer_pow3A = arith.mulf %sub3A_32, %sub3A_32 : vector<1000x128xf32>
    %reduce_sum3A_33 = arith.constant dense<0.000000e+00> : vector<1000xf32>
    %reduce_sum3A_34 = vector.multi_reduction <add>, %integer_pow3A, %reduce_sum3A_33 [1] : vector<1000x128xf32> to vector<1000xf32>
    %broadcast_in_dim3A_35 = vector.shape_cast %reduce_sum3A_34 : vector<1000xf32> to vector<1000x1xf32>
    %div3A_36 = arith.constant 1.280000e+02 : f32
    %div3A_37 = vector.broadcast %div3A_36 : f32 to vector<1000x1xf32>
    %div3A_38 = arith.divf %broadcast_in_dim3A_35, %div3A_37 : vector<1000x1xf32>
    %sub3A_39 = vector.broadcast %div3A_31 : vector<1000x1xf32> to vector<1000x128xf32>
    %sub3A_40 = arith.subf %add3A_22, %sub3A_39 : vector<1000x128xf32>
    %add3A_41 = arith.constant 9.99999974E-6 : f32
    %add3A_42 = vector.broadcast %add3A_41 : f32 to vector<1000x1xf32>
    %add3A_43 = arith.addf %div3A_38, %add3A_42 : vector<1000x1xf32>
    %sqrt3A = math.sqrt %add3A_43 : vector<1000x1xf32>
    %div3A_44 = vector.broadcast %sqrt3A : vector<1000x1xf32> to vector<1000x128xf32>
    %div3A_45 = arith.divf %sub3A_40, %div3A_44 : vector<1000x128xf32>
    %mul3A = vector.broadcast %get3A_25 : vector<1x128xf32> to vector<1000x128xf32>
    %mul3A_46 = arith.mulf %div3A_45, %mul3A : vector<1000x128xf32>
    %add3A_47 = vector.broadcast %get3A_28 : vector<1x128xf32> to vector<1000x128xf32>
    %add3A_48 = arith.addf %mul3A_46, %add3A_47 : vector<1000x128xf32>
    %swap3A = arith.constant 0 : index
    %swap3A_49 = arith.constant 0 : index
    %swap3A_50 = vector.load %arg8[%swap3A, %swap3A_49] : memref<1000x128xf32, #tpu.memory_space<vmem>>, vector<1000x128xf32>
    tpu.vector_store %arg8[%swap3A, %swap3A_49], %add3A_48 {strides = array<i32>} : memref<1000x128xf32, #tpu.memory_space<vmem>>, vector<1000x128xf32>,
    return
  }
  func.func @transform_0(%arg0: i32) -> (i32, i32) {
    %c0_i32 = arith.constant 0 : i32
    %c0_i32_0 = arith.constant 0 : i32
    return %arg0, %c0_i32 : i32, i32
  }
  func.func @transform_1(%arg0: i32) -> (i32, i32) {
    %c0_i32 = arith.constant 0 : i32
    %c0_i32_0 = arith.constant 0 : i32
    %c0_i32_1 = arith.constant 0 : i32
    return %c0_i32, %c0_i32_0 : i32, i32
  }
  func.func @transform_2(%arg0: i32) -> (i32, i32) {
    %c0_i32 = arith.constant 0 : i32
    %c0_i32_0 = arith.constant 0 : i32
    %c0_i32_1 = arith.constant 0 : i32
    return %c0_i32, %c0_i32_0 : i32, i32
  }
  func.func @transform_3(%arg0: i32) -> (i32, i32) {
    %c0_i32 = arith.constant 0 : i32
    %c0_i32_0 = arith.constant 0 : i32
    %c0_i32_1 = arith.constant 0 : i32
    return %c0_i32, %c0_i32_0 : i32, i32
  }
  func.func @transform_4(%arg0: i32) -> (i32, i32) {
    %c0_i32 = arith.constant 0 : i32
    %c0_i32_0 = arith.constant 0 : i32
    %c0_i32_1 = arith.constant 0 : i32
    return %c0_i32, %c0_i32_0 : i32, i32
  }
  func.func @transform_5(%arg0: i32) -> (i32, i32) {
    %c0_i32 = arith.constant 0 : i32
    %c0_i32_0 = arith.constant 0 : i32
    %c0_i32_1 = arith.constant 0 : i32
    return %c0_i32, %c0_i32_0 : i32, i32
  }
  func.func @transform_6(%arg0: i32) -> (i32, i32) {
    %c0_i32 = arith.constant 0 : i32
    %c0_i32_0 = arith.constant 0 : i32
    %c0_i32_1 = arith.constant 0 : i32
    return %c0_i32, %c0_i32_0 : i32, i32
  }
  func.func @transform_7(%arg0: i32) -> (i32, i32) {
    %c0_i32 = arith.constant 0 : i32
    %c0_i32_0 = arith.constant 0 : i32
    return %arg0, %c0_i32 : i32, i32
  }
}

module attributes {stable_mosaic.version = 14 : i64} {
  func.func @_node_body(%arg0: i32, %arg1: memref<1000x128xf32, #tpu.memory_space<vmem>>, %arg2: memref<1000x128xf32, #tpu.memory_space<vmem>>, %arg3: memref<1000x128xf32, #tpu.memory_space<vmem>>, %arg4: memref<128x128xf32, #tpu.memory_space<vmem>>, %arg5: memref<1x128xf32, #tpu.memory_space<vmem>>, %arg6: memref<1x128xf32, #tpu.memory_space<vmem>>, %arg7: memref<1x128xf32, #tpu.memory_space<vmem>>, %arg8: memref<1000x128xf32, #tpu.memory_space<vmem>>) attributes {dimension_semantics = [#tpu.dimension_semantics<arbitrary>], iteration_bounds = array<i64: 10>, scalar_prefetch = 0 : i64, scratch_operands = 0 : i64, tpu.core_type = #tpu.core_type<tc>, window_params = [{transform_indices = @transform_0, window_bounds = array<i64: 1000, 128>}, {transform_indices = @transform_1, window_bounds = array<i64: 1000, 128>}, {transform_indices = @transform_2, window_bounds = array<i64: 1000, 128>}, {pipeline_mode = #tpu.pipeline_mode<synchronous>, transform_indices = @transform_3, window_bounds = array<i64: 128, 128>}, {pipeline_mode = #tpu.pipeline_mode<synchronous>, transform_indices = @transform_4, window_bounds = array<i64: 1, 128>}, {pipeline_mode = #tpu.pipeline_mode<synchronous>, transform_indices = @transform_5, window_bounds = array<i64: 1, 128>}, {pipeline_mode = #tpu.pipeline_mode<synchronous>, transform_indices = @transform_6, window_bounds = array<i64: 1, 128>}, {transform_indices = @transform_7, window_bounds = array<i64: 1000, 128>}]} {
    %get3A = arith.constant 0 : index
    %get3A_0 = arith.constant 0 : index
    %get3A_1 = vector.load %arg2[%get3A, %get3A_0] : memref<1000x128xf32, #tpu.memory_space<vmem>>, vector<1000x128xf32>
    %get3A_2 = arith.constant 0 : index
    %get3A_3 = arith.constant 0 : index
    %get3A_4 = vector.load %arg3[%get3A_2, %get3A_3] : memref<1000x128xf32, #tpu.memory_space<vmem>>, vector<1000x128xf32>
    %add3A = arith.addf %get3A_1, %get3A_4 : vector<1000x128xf32>
    %get3A_5 = arith.constant 0 : index
    %get3A_6 = arith.constant 0 : index
    %get3A_7 = vector.load %arg4[%get3A_5, %get3A_6] : memref<128x128xf32, #tpu.memory_space<vmem>>, vector<128x128xf32>
    %dot_general3A = arith.constant dense<0.000000e+00> : vector<1000x128xf32>
    %dot_general3A_8 = tpu.matmul %add3A, %get3A_7, %dot_general3A {dimension_numbers = #tpu.dot_dimension_numbers<[1], [1], [0], [0], [0, 0, 1, 0], [], []>, transpose_lhs_hint = false} : vector<1000x128xf32>, vector<128x128xf32>, vector<1000x128xf32> -> vector<1000x128xf32>
    %get3A_9 = arith.constant 0 : index
    %get3A_10 = arith.constant 0 : index
    %get3A_11 = vector.load %arg5[%get3A_9, %get3A_10] : memref<1x128xf32, #tpu.memory_space<vmem>>, vector<1x128xf32>
    %add3A_12 = vector.broadcast %get3A_11 : vector<1x128xf32> to vector<1000x128xf32>
    %add3A_13 = arith.addf %dot_general3A_8, %add3A_12 : vector<1000x128xf32>
    %get3A_14 = arith.constant 0 : index
    %get3A_15 = arith.constant 0 : index
    %get3A_16 = vector.load %arg1[%get3A_14, %get3A_15] : memref<1000x128xf32, #tpu.memory_space<vmem>>, vector<1000x128xf32>
    %add3A_17 = arith.addf %get3A_16, %add3A_13 : vector<1000x128xf32>
    %get3A_18 = arith.constant 0 : index
    %get3A_19 = arith.constant 0 : index
    %get3A_20 = vector.load %arg6[%get3A_18, %get3A_19] : memref<1x128xf32, #tpu.memory_space<vmem>>, vector<1x128xf32>
    %get3A_21 = arith.constant 0 : index
    %get3A_22 = arith.constant 0 : index
    %get3A_23 = vector.load %arg7[%get3A_21, %get3A_22] : memref<1x128xf32, #tpu.memory_space<vmem>>, vector<1x128xf32>
    %reduce_sum3A = arith.constant dense<0.000000e+00> : vector<1000xf32>
    %reduce_sum3A_24 = vector.multi_reduction <add>, %add3A_17, %reduce_sum3A [1] : vector<1000x128xf32> to vector<1000xf32>
    %broadcast_in_dim3A = vector.shape_cast %reduce_sum3A_24 : vector<1000xf32> to vector<1000x1xf32>
    %div3A = arith.constant 1.280000e+02 : f32
    %div3A_25 = vector.broadcast %div3A : f32 to vector<1000x1xf32>
    %div3A_26 = arith.divf %broadcast_in_dim3A, %div3A_25 : vector<1000x1xf32>
    %sub3A = vector.broadcast %div3A_26 : vector<1000x1xf32> to vector<1000x128xf32>
    %sub3A_27 = arith.subf %add3A_17, %sub3A : vector<1000x128xf32>
    %integer_pow3A = arith.mulf %sub3A_27, %sub3A_27 : vector<1000x128xf32>
    %reduce_sum3A_28 = arith.constant dense<0.000000e+00> : vector<1000xf32>
    %reduce_sum3A_29 = vector.multi_reduction <add>, %integer_pow3A, %reduce_sum3A_28 [1] : vector<1000x128xf32> to vector<1000xf32>
    %broadcast_in_dim3A_30 = vector.shape_cast %reduce_sum3A_29 : vector<1000xf32> to vector<1000x1xf32>
    %div3A_31 = arith.constant 1.280000e+02 : f32
    %div3A_32 = vector.broadcast %div3A_31 : f32 to vector<1000x1xf32>
    %div3A_33 = arith.divf %broadcast_in_dim3A_30, %div3A_32 : vector<1000x1xf32>
    %sub3A_34 = vector.broadcast %div3A_26 : vector<1000x1xf32> to vector<1000x128xf32>
    %sub3A_35 = arith.subf %add3A_17, %sub3A_34 : vector<1000x128xf32>
    %add3A_36 = arith.constant 9.99999974E-6 : f32
    %add3A_37 = vector.broadcast %add3A_36 : f32 to vector<1000x1xf32>
    %add3A_38 = arith.addf %div3A_33, %add3A_37 : vector<1000x1xf32>
    %sqrt3A = math.sqrt %add3A_38 : vector<1000x1xf32>
    %div3A_39 = vector.broadcast %sqrt3A : vector<1000x1xf32> to vector<1000x128xf32>
    %div3A_40 = arith.divf %sub3A_35, %div3A_39 : vector<1000x128xf32>
    %mul3A = vector.broadcast %get3A_20 : vector<1x128xf32> to vector<1000x128xf32>
    %mul3A_41 = arith.mulf %div3A_40, %mul3A : vector<1000x128xf32>
    %add3A_42 = vector.broadcast %get3A_23 : vector<1x128xf32> to vector<1000x128xf32>
    %add3A_43 = arith.addf %mul3A_41, %add3A_42 : vector<1000x128xf32>
    %swap3A = arith.constant 0 : index
    %swap3A_44 = arith.constant 0 : index
    %swap3A_45 = vector.load %arg8[%swap3A, %swap3A_44] : memref<1000x128xf32, #tpu.memory_space<vmem>>, vector<1000x128xf32>
    tpu.vector_store %arg8[%swap3A, %swap3A_44], %add3A_43 {strides = array<i32>} : memref<1000x128xf32, #tpu.memory_space<vmem>>, vector<1000x128xf32>,
    return
  }
  func.func @transform_0(%arg0: i32) -> (i32, i32) {
    %c0_i32 = arith.constant 0 : i32
    %c0_i32_0 = arith.constant 0 : i32
    return %arg0, %c0_i32 : i32, i32
  }
  func.func @transform_1(%arg0: i32) -> (i32, i32) {
    %c0_i32 = arith.constant 0 : i32
    %c0_i32_0 = arith.constant 0 : i32
    return %arg0, %c0_i32 : i32, i32
  }
  func.func @transform_2(%arg0: i32) -> (i32, i32) {
    %c0_i32 = arith.constant 0 : i32
    %c0_i32_0 = arith.constant 0 : i32
    return %arg0, %c0_i32 : i32, i32
  }
  func.func @transform_3(%arg0: i32) -> (i32, i32) {
    %c0_i32 = arith.constant 0 : i32
    %c0_i32_0 = arith.constant 0 : i32
    %c0_i32_1 = arith.constant 0 : i32
    return %c0_i32, %c0_i32_0 : i32, i32
  }
  func.func @transform_4(%arg0: i32) -> (i32, i32) {
    %c0_i32 = arith.constant 0 : i32
    %c0_i32_0 = arith.constant 0 : i32
    %c0_i32_1 = arith.constant 0 : i32
    return %c0_i32, %c0_i32_0 : i32, i32
  }
  func.func @transform_5(%arg0: i32) -> (i32, i32) {
    %c0_i32 = arith.constant 0 : i32
    %c0_i32_0 = arith.constant 0 : i32
    %c0_i32_1 = arith.constant 0 : i32
    return %c0_i32, %c0_i32_0 : i32, i32
  }
  func.func @transform_6(%arg0: i32) -> (i32, i32) {
    %c0_i32 = arith.constant 0 : i32
    %c0_i32_0 = arith.constant 0 : i32
    %c0_i32_1 = arith.constant 0 : i32
    return %c0_i32, %c0_i32_0 : i32, i32
  }
  func.func @transform_7(%arg0: i32) -> (i32, i32) {
    %c0_i32 = arith.constant 0 : i32
    %c0_i32_0 = arith.constant 0 : i32
    return %arg0, %c0_i32 : i32, i32
  }
}

</mosaic_0001>

<sc_bundles>
// kernel: kernel.10.cloned.1.call-start
scs
__scs_entry_jumppad:
0x0: {  	(pc) =	sbr.rel $0x88, $3  }
0x1: {  	(tag) =	ssettag $0x0;
	lr =	simm.s32 $0x1  }
0x2: {  	[smem:$0x3F88] =	sst lr;
	_ =	strace $0xD0000000  }
0x3: {  	_ = 	snop  }
0x4: {  	_ = 	snop  }
0x5: {  	_ = 	snop  }
0x6: {  	_ = 	snop  }
0x7: {  	_ = 	snop  }
__scs_overlays_trampoline_lowered:
0x8: {  	[smem:$0x3F97] =	sst s0  }
0x9: {  	[smem:$0x3F98] =	sst s1  }
0xa: {  	[smem:$0x3F99] =	sst s2  }
0xb: {  	[smem:$0x3F9A] =	sst s3  }
0xc: {  	[smem:$0x3F9B] =	sst s4  }
0xd: {  	[smem:$0x3F9C] =	sst s5  }
0xe: {  	[smem:$0x3F9D] =	sst s6  }
0xf: {  	[smem:$0x3F9E] =	sst s7  }
0x10: {  	[smem:$0x3F9F] =	sst s8  }
0x11: {  	[smem:$0x3FA0] =	sst s9;
	s0 =	simm.s32 @!p0 $0x0  }
0x12: {  	s1 =	sld [smem:$0x3F86];
	s0 =	simm.s32 @p0 $0x1  }
0x13: {  	[smem:$0x3FA1] =	sst s0;
	s0 =	simm.s32 @!p1 $0x0  }
0x14: {  	s2 =	sld [smem:$0x3F85];
	s0 =	simm.s32 @p1 $0x1  }
0x15: {  	[smem:$0x3FA2] =	sst s0;
	s0 =	simm.s32 @!p2 $0x0  }
0x16: {  	s3 =	sld [smem:$0x3FDB];
	s0 =	simm.s32 @p2 $0x1  }
0x17: {  	s4 =	simm.s32 $0x1BF5;
	[smem:$0x3FA4] =	sst s0  }
0x18: {  	s0 =	sld [smem:$0x3F87];
	_ =	swait.ge [sflag:s4], $0x0  }
0x19: {  	s7 =	sld [smem:$0x3F88]  }
0x1a: {  	s8 =	sadd.s32 $0xFFFFE003, lr  }
0x1b: {  	s9 =	sadd.s32 $0xFFFFFEF7, lr;
	s5 =	simm.s32 $0xFFFFFFFF;
	p2 =	slt.u32 s8, $0xFFFFF086  }
0x1c: {  	p1 =	slt.u32 s9, $0xF7A;
	s5 =	simm.s32 @!p2 $0x0  }
0x1d: {  	s5 =	simm.s32 @p1 $0x1;
	p0 =	seq.s32 s7, s2  }
0x1e: {  	s7 =	smul.u32 @!p0 $0xF7A, s2;
	p2 =	seq.s32 @!p0 s5, $0x0  }
0x1f: {  	s9 =	smul.u32 $0xF7A, s1;
	s8 =	simm.s32 @!p0 $0x1BF5;
	p2 =	por !p2, p0  }
0x20: {  	[sflag:s8] =	ssyncset.s32 @!p0 $0xFFFFF086;
	s6 =	sadd.s32 @!p0 s3, s7;
	s7 =	simm.s32 @!p0 $0x108  }
0x21: {  	s3 =	sadd.s32 s3, s9;
	s6 =	sadd.s32 @!p0 $0x88, s6;
	s7 =	simm.s32 @p2 $0x1082  }
0x22: {  	[simem:s7], [sflag:s8] =	dma.local @!p0 [hbm:s6], $0xF7A  }
0x23: {  	s9 =	sor.u32 $0xD0000000, s2;
	s6 =	simm.s32 $0x108;
	_ =	swait.ge @!p0 [sflag:s8], $0x0  }
0x24: {  	s3 =	sadd.s32 $0x88, s3;
	s6 =	simm.s32 @!p1 $0x1082;
	[sflag:s4] =	ssyncset.s32 $0xFFFFF086  }
0x25: {  	[simem:s6], [sflag:s4] =	dma.local [hbm:s3], $0xF7A  }
0x26: {  	[smem:$0x3F88] =	sst s1;
	(tag) =	ssettag s2;
	_ =	strace s9  }
0x27: {  	s1 =	sld [smem:$0x3F98]  }
0x28: {  	s2 =	sld [smem:$0x3F99]  }
0x29: {  	s4 =	sld [smem:$0x3F9B]  }
0x2a: {  	p0 =	seq.s32 s5, $0x0;
	s5 =	sld [smem:$0x3F9C]  }
0x2b: {  	s6 =	sld [smem:$0x3F9D]  }
0x2c: {  	s7 =	sld [smem:$0x3F9E]  }
0x2d: {  	s3 =	simm.s32 $0x108;
	s8 =	sld [smem:$0x3F9F]  }
0x2e: {  	s3 =	simm.s32 @!p0 $0x1082;
	s9 =	sld [smem:$0x3FA0]  }
0x2f: {  	lr =	sadd.s32 s0, s3;
	s0 =	sld [smem:$0x3F97]  }
0x30: {  	s3 =	sld [smem:$0x3F9A]  }
0x31: {  	[smem:$0x3FA3] =	sst s10  }
0x32: {  	s10 =	sld [smem:$0x3FA1];
	_ =	sdelay $0x3  }
0x33: {  	p0 =	seq.s32 s10, $0x1;
	s10 =	sld [smem:$0x3FA3];
	_ =	sdelay $0x3  }
0x34: {  	[smem:$0x3FA3] =	sst s10  }
0x35: {  	s10 =	sld [smem:$0x3FA2];
	_ =	sdelay $0x3  }
0x36: {  	p1 =	seq.s32 s10, $0x1;
	s10 =	sld [smem:$0x3FA3];
	_ =	sdelay $0x3  }
0x37: {  	[smem:$0x3FA3] =	sst s10  }
0x38: {  	s10 =	sld [smem:$0x3FA4]  }
0x39: {  	_ = 	snop;
	(pc) =	sbr.ind lr, $3  }
0x3a: {  	_ = 	snop  }
0x3b: {  	_ = 	snop  }
0x3c: {  	p2 =	seq.s32 s10, $0x1;
	s10 =	sld [smem:$0x3FA3]  }
0x3d: {  	_ =	shalt  }
0x3e: {  	_ =	shalt  }
0x3f: {  	_ =	shalt  }
0x40: {  	_ =	shalt  }
0x41: {  	_ =	shalt  }
0x42: {  	_ =	shalt  }
0x43: {  	_ =	shalt  }
0x44: {  	_ =	shalt  }
0x45: {  	_ =	shalt  }
0x46: {  	_ =	shalt  }
0x47: {  	_ =	shalt  }
0x48: {  	_ =	shalt  }
0x49: {  	_ =	shalt  }
0x4a: {  	_ =	shalt  }
0x4b: {  	_ =	shalt  }
0x4c: {  	_ =	shalt  }
0x4d: {  	_ =	shalt  }
0x4e: {  	_ =	shalt  }
0x4f: {  	_ =	shalt  }
0x50: {  	_ =	shalt  }
0x51: {  	_ =	shalt  }
0x52: {  	_ =	shalt  }
0x53: {  	_ =	shalt  }
0x54: {  	_ =	shalt  }
0x55: {  	_ =	shalt  }
0x56: {  	_ =	shalt  }
0x57: {  	_ =	shalt  }
0x58: {  	_ =	shalt  }
0x59: {  	_ =	shalt  }
0x5a: {  	_ =	shalt  }
0x5b: {  	_ =	shalt  }
0x5c: {  	_ =	shalt  }
0x5d: {  	_ =	shalt  }
0x5e: {  	_ =	shalt  }
0x5f: {  	_ =	shalt  }
0x60: {  	_ =	shalt  }
0x61: {  	_ =	shalt  }
0x62: {  	_ =	shalt  }
0x63: {  	_ =	shalt  }
0x64: {  	_ =	shalt  }
0x65: {  	_ =	shalt  }
0x66: {  	_ =	shalt  }
0x67: {  	_ =	shalt  }
0x68: {  	_ =	shalt  }
0x69: {  	_ =	shalt  }
0x6a: {  	_ =	shalt  }
0x6b: {  	_ =	shalt  }
0x6c: {  	_ =	shalt  }
0x6d: {  	_ =	shalt  }
0x6e: {  	_ =	shalt  }
0x6f: {  	_ =	shalt  }
0x70: {  	_ =	shalt  }
0x71: {  	_ =	shalt  }
0x72: {  	_ =	shalt  }
0x73: {  	_ =	shalt  }
0x74: {  	_ =	shalt  }
0x75: {  	_ =	shalt  }
0x76: {  	_ =	shalt  }
0x77: {  	_ =	shalt  }
0x78: {  	_ =	shalt  }
0x79: {  	_ =	shalt  }
0x7a: {  	_ =	shalt  }
0x7b: {  	_ =	shalt  }
0x7c: {  	_ =	shalt  }
0x7d: {  	_ =	shalt  }
0x7e: {  	_ =	shalt  }
0x7f: {  	_ =	shalt  }
0x80: {  	_ =	shalt  }
0x81: {  	_ =	shalt  }
0x82: {  	_ =	shalt  }
0x83: {  	_ =	shalt  }
0x84: {  	_ =	shalt  }
0x85: {  	_ =	shalt  }
0x86: {  	_ =	shalt  }
0x87: {  	_ =	shalt  }
.Lfunc_end0:
.L_simem_size_0:
called_computation_lowered:
.L_overlay_start_0:
0x88: {  	s2 =	sld [smem:$0x3FD9]  }
0x89: {  	s3 =	sld [smem:$0x3FFE];
	_ =	sdelay $0x1  }
0x8a: {  	s1 =	srdreg.scid  }
0x8b: {  	s0 =	sand.u32 $0x1, s1  }
0x8c: {  	s14 =	sshll.u32 s0, $0xA;
	s2 =	sadd.s32 s3, s2  }
0x8d: {  	s2 =	sadd.s32 s2, s14  }
0x8e: {  	[smem:$0x3FAF] =	sst s2  }
0x8f: {  	_ = 	snop  }
0x90: {  	s2 =	sld [smem:$0x3FD0];
	_ =	sdelay $0x2  }
0x91: {  	s15 =	simm.s32 $0xA;
	s4 =	simm.s32 $0x10  }
0x92: {  	[smem:s4], [sflag:s15] =	dma.local [hbm:s2], $0x1  }
0x93: {  	_ =	swait.eq [sflag:s15], $0x1  }
0x94: {  	[sflag:s15] =	ssyncset.done $0x0  }
0x95: {  	s16 =	sld [smem:$0x10];
	[sflag:s15] =	ssyncadd.s32 $0xFFFFFFFF  }
0x96: {  	s17 =	sld [smem:$0x11];
	(tm) =	ssettm $0x1  }
0x97: {  	s18 =	sld [smem:$0x3FFB];
	_ =	sdelay $0x3  }
0x98: {  	_ =	strace s18  }
0x99: {  	s4 =	sld [smem:$0x3FFC];
	_ =	sdelay $0x3  }
0x9a: {  	_ =	strace s4  }
0x9b: {  	s4 =	sld [smem:$0x3FFD];
	_ =	sdelay $0x3  }
0x9c: {  	_ =	strace s4  }
0x9d: {  	_ =	strace $0x8FFFFFFF  }
0x9e: {  	s19 =	sld [smem:$0x3FDB];
	_ =	sdelay $0x1  }
0x9f: {  	s5 =	simm.s32 $_scs_section_size  }
0xa0: {  	s6 =	simm.s32 $_size__tile_overlayer_lowered;
	s7 =	simm.s32 $_tile_overlayer_lowered  }
0xa1: {  	s22 =	simm.s32 $0x1BFF;
	s21 =	sshll.u32 s7, $0x1;
	s4 =	sadd.s32 s5, s19  }
0xa2: {  	s8 =	simm.s32 $0x0;
	s20 =	sshll.u32 s6, $0x1;
	s6 =	sadd.s32 s21, s4  }
0xa3: {  	[timem:s8], [sflag:s22] =	dma.local [hbm:s6], s20  }
0xa4: {  	_ =	swait.ge [sflag:s22], s20  }
0xa5: {  	s5 =	ssub.s32 $0x0, s20;
	[sflag:s22] =	ssyncset.done $0x0  }
0xa6: {  	[sflag:s22] =	ssyncadd.s32 s5;
	_ =	sdelay $0x1  }
0xa7: {  	s23 =	simm.s32 $0x1B8B  }
0xa8: {  	_ =	swait.ge [sflag:s23], $0x1  }
0xa9: {  	[sflag:s23] =	ssyncset.done $0x0  }
0xaa: {  	s25 =	simm.s32 $0x1B8E;
	s24 =	sld [smem:$0x3FFE];
	[sflag:s23] =	ssyncadd.s32 $0xFFFFFFFF  }
0xab: {  	s26 =	simm.s32 $execute0_lowered;
	[smem:$0x3FD2] =	sst s25  }
0xac: {  	s6 =	sshll.u32 s26, $0x1;
	_ =	strace $0x80000046;
	[dreg:$0x1] =	wrdreg $0xFFFFFFFF  }
0xad: {  	s28 =	simm.s32 $_size_execute0_lowered;
	s4 =	sadd.s32 s4, s6;
	[dreg:$0x0] =	wrdreg $0x0  }
0xae: {  	s6 =	sshll.u32 s28, $0x1;
	[dreg:$0x2] =	wrdreg s4  }
0xaf: {  	[dreg:$0x3] =	wrdreg s6  }
0xb0: {  	[dreg:$0x4] =	wrdreg $0xC0  }
0xb1: {  	_ =	task [dreg:s8], $0x5FFFF  }
0xb2: {  	[dreg:$0x1] =	wrdreg $0xFFFFFFFF  }
0xb3: {  	[dreg:$0x0] =	wrdreg $0x60  }
0xb4: {  	[dreg:$0x2] =	wrdreg s24  }
0xb5: {  	[dreg:$0x3] =	wrdreg s16  }
0xb6: {  	[dreg:$0x4] =	wrdreg s17  }
0xb7: {  	[dreg:$0x5] =	wrdreg $0x9  }
0xb8: {  	_ =	task.clear_ibuf [dreg:s8], $0x6FFFF;
	_ =	strace $0x90000046  }
0xb9: {  	s29 =	simm.s32 $0x9;
	_ =	strace $0x80000048  }
0xba: {  	_ =	swait.ge [sflag:s29], $0x1  }
0xbb: {  	[sflag:s29] =	ssyncadd.s32 $0xFFFFFFFF  }
0xbc: {  	_ =	strace $0x90000048  }
0xbd: {  	_ =	sfence  }
0xbe: {  	s30 =	sld [smem:$0x0];
	_ =	sdelay $0x2  }
0xbf: {  	s31 =	sshll.u32 s1, $0xD;
	s1 =	sshrl.u32 s1, $0x2  }
0xc0: {  	s3 =	sand.u32 $0x4000, s31;
	s1 =	sadd.s32 s1, s30  }
0xc1: {  	s0 =	sor.u32 s3, s0;
	s1 =	sshll.u32 s1, $0x11  }
0xc2: {  	s0 =	sor.u32 s1, s0  }
0xc3: {  	s0 =	sadd.s32 $0x8F2B, s0  }
0xc4: {  	[sflag:s0] =	ssyncadd.remote.s32 $0x1  }
0xc5: {  	_ =	sfence.sel $0xFFFF  }
0xc6: {  	[dreg:$0x0] =	wrdreg $0xFFFFFFFF;
	(pc) =	sbr.abs _section_cstart, $3  }
0xc7: {  	[dreg:$0x1] =	wrdreg $0xFFFFFFFF  }
0xc8: {  	_ =	task.clear_ibuf [dreg:s8], $0x2FFFF;
	_ =	strace $0x9FFFFFFF  }
0xc9: {  	(tm) =	ssettm $0x7FFFFFFF  }
tec
execute0_lowered:
.L_overlay_start_1:
0x0: {  	(tag) =	ssettag $0x1  }
0x1: {  	s7 =	rddreg [dreg:$0x0]  }
0x2: {  	s1 =	rddreg [dreg:$0x1]  }
0x3: {  	s2 =	rddreg [dreg:$0x2]  }
0x4: {  	s0 =	rddreg [dreg:$0x3]  }
0x5: {  	s4 =	simm.s32 $0x0;
	s5 =	srdreg.scid;
	s3 =	stileid.u32  }
0x6: {  	s12 =	simm.s32 $0xC8;
	s13 =	simm.s32 $0x200;
	s14 =	simm.s32 $0x6600  }
0x7: {  	s15 =	simm.s32 $0x1;
	s16 =	simm.s32 $0x2;
	s17 =	simm.s32 $0x0  }
0x8: {  	[smem:$0x7FF] =	sst s4;
	s8 =	sand.u32 $0x1, s5;
	s5 =	sadd.s32 $0x17600, s7  }
0x9: {  	s10 =	sshll.u32 s3, $0x1;
	s6 =	sadd.s32 $0x3C00, s7;
	s9 =	ssub.s32 $0x2, s8  }
0xa: {  	s7 =	sadd.s32 $0x9DB600, s7;
	_ =	strace $0x80000047;
	s11 =	sshrl.u32 s9, $0x1  }
0xb: {  	s8 =	sor.u32 s8, s10;
	s10 =	simm.s32 $0x3;
	s9 =	ssub.s32 s9, s11  }
0xc: {  	s8 =	smul.u32 $0x4E20, s8;
	s11 =	simm.s32 $0x100;
	s9 =	smax.u32 s9, $0x1  }
.LBB2_1:
0xd: {  	s18 =	simm.s32 $0x0  }
.LBB2_2:
0xe: {  	s19 =	smul.u32 $0xC8, s18;
	_ =	sdelay $0x1  }
0xf: {  	s19 =	sadd.s32 s8, s19  }
0x10: {  	s20 =	sshrl.u32 s19, $0x3  }
0x11: {  	s22 =	simm.s32 $0x0;
	s21 =	sadd.s32 s6, s20  }
0x12: {  	[tilespmem:s22], [sflag:$0x3] =	stream.linear.gather [hbm4b:s21+s22], $0xC8, $0x38;
	[tilespmem:$0xCA00] =	vst v63  }
0x13: {  	_ =	swait.ge [sflag:s10], $0xC8  }
0x14: {  	[sflag:s10] =	ssyncset.done $0x0  }
0x15: {  	s20 =	sadd.s32 s2, s20;
	[sflag:s10] =	ssyncadd.s32 $0xFFFFFF38  }
0x16: {  	[tilespmem:s11], [sflag:$0x3] =	stream.linear.gather [hbm4b:s20+s22], $0xC8, $0x38;
	[tilespmem:$0xCA00] =	vst v63  }
0x17: {  	_ =	swait.ge [sflag:s10], $0xC8  }
0x18: {  	[sflag:s10] =	ssyncset.done $0x0  }
0x19: {  	[sflag:s10] =	ssyncadd.s32 $0xFFFFFF38  }
0x1a: {  	[tilespmem:s13], [sflag:$0x1] =	stream.indirect.gather [hbm4b:s5+s12], $0x80, s22, s12, $0xb8;
	[tilespmem:$0xCA00] =	vst v63  }
0x1b: {  	_ = 	snop  }
0x1c: {  	[tilespmem:s14], [sflag:$0x2] =	stream.indirect.gather [hbm4b:s1+s12], $0x80, s11, s12, $0xb8;
	[tilespmem:$0xCA00] =	vst v63  }
0x1d: {  	_ =	swait.ge [sflag:s15], $0x6400  }
0x1e: {  	[sflag:s15] =	ssyncset.done $0x0  }
0x1f: {  	[sflag:s15] =	ssyncadd.s32 $0xFFFF9C00  }
0x20: {  	_ =	swait.ge [sflag:s16], $0x6400  }
0x21: {  	[sflag:s16] =	ssyncset.done $0x0  }
0x22: {  	s20 =	simm.s32 $0x0;
	[sflag:s16] =	ssyncadd.s32 $0xFFFF9C00  }
0x23: {  	v7 =	vld [tilespmem:s20+$0x6600]  }
0x24: {  	v11 =	vld [tilespmem:s20+$0x6610]  }
0x25: {  	v5 =	vld [tilespmem:s20+$0x6620]  }
0x26: {  	v4 =	vld [tilespmem:s20+$0x6630]  }
0x27: {  	v3 =	vld [tilespmem:s20+$0x6640]  }
0x28: {  	v2 =	vld [tilespmem:s20+$0x6650]  }
0x29: {  	v1 =	vld [tilespmem:s20+$0x6660]  }
0x2a: {  	v0 =	vld [tilespmem:s20+$0x6670]  }
0x2b: {  	v12 =	vld [tilespmem:s20+$0x200]  }
0x2c: {  	v13 =	vld [tilespmem:s20+$0x210]  }
0x2d: {  	v10 =	vld [tilespmem:s20+$0x220]  }
0x2e: {  	v9 =	vld [tilespmem:s20+$0x230]  }
0x2f: {  	v8 =	vld [tilespmem:s20+$0x240]  }
0x30: {  	v6 =	vld [tilespmem:s20+$0x250];
	v12 =	vadd.f32 v7, v12  }
0x31: {  	s21 =	simm.s32 $0x200;
	v11 =	vadd.f32 v11, v13;
	v7 =	vld [tilespmem:s20+$0x260]  }
.LBB2_3:
0x32: {  	s22 =	sshra.s32 s21, $0x2;
	p0 =	sne.s32 s21, $0x18E00;
	[tilespmem:s20+$0x200] =	vst v12;
	v5 =	vadd.f32 v5, v10;
	v10 =	vld [tilespmem:s20+$0x270]  }
0x33: {  	v12 =	vld [tilespmem:s22+$0x6600];
	[tilespmem:s20+$0x210] =	vst v11;
	v4 =	vadd.f32 v4, v9  }
0x34: {  	v11 =	vld [tilespmem:s22+$0x6610];
	[tilespmem:s20+$0x220] =	vst v5;
	v3 =	vadd.f32 v3, v8  }
0x35: {  	v5 =	vld [tilespmem:s22+$0x6620];
	[tilespmem:s20+$0x230] =	vst v4;
	v2 =	vadd.f32 v2, v6  }
0x36: {  	v4 =	vld [tilespmem:s22+$0x6630];
	[tilespmem:s20+$0x240] =	vst v3;
	v1 =	vadd.f32 v1, v7  }
0x37: {  	v3 =	vld [tilespmem:s22+$0x6640];
	[tilespmem:s20+$0x250] =	vst v2;
	v0 =	vadd.f32 v0, v10  }
0x38: {  	v2 =	vld [tilespmem:s22+$0x6650];
	[tilespmem:s20+$0x260] =	vst v1  }
0x39: {  	v1 =	vld [tilespmem:s22+$0x6660];
	[tilespmem:s20+$0x270] =	vst v0;
	s20 =	smov.u32 s22  }
0x3a: {  	v0 =	vld [tilespmem:s20+$0x6670]  }
0x3b: {  	v6 =	vld [tilespmem:s20+$0x200]  }
0x3c: {  	v7 =	vld [tilespmem:s20+$0x210]  }
.Ltmp0:
0x3d: {  	v10 =	vld [tilespmem:s20+$0x220];
	(pc) =	sbr.rel @p0 .LBB2_3-.Ltmp0, $4  }
0x3e: {  	v9 =	vld [tilespmem:s20+$0x230]  }
0x3f: {  	v8 =	vld [tilespmem:s20+$0x240]  }
0x40: {  	v12 =	vadd.f32 v12, v6;
	v6 =	vld [tilespmem:s20+$0x250]  }
0x41: {  	s21 =	sadd.s32 $0x200, s21;
	v11 =	vadd.f32 v11, v7;
	v7 =	vld [tilespmem:s20+$0x260]  }
0x42: {  	[tilespmem:s20+$0x200] =	vst v12;
	v5 =	vadd.f32 v5, v10;
	v63 =	vld [tilespmem:s20+$0x270]  }
0x43: {  	[tilespmem:s20+$0x210] =	vst v11;
	v4 =	vadd.f32 v4, v9  }
0x44: {  	[tilespmem:s20+$0x220] =	vst v5;
	v3 =	vadd.f32 v3, v8  }
0x45: {  	[tilespmem:s20+$0x230] =	vst v4;
	v2 =	vadd.f32 v2, v6  }
0x46: {  	[tilespmem:s20+$0x240] =	vst v3;
	v1 =	vadd.f32 v1, v7  }
0x47: {  	s18 =	sadd.s32 $0x1, s18;
	[tilespmem:s20+$0x250] =	vst v2;
	v0 =	vadd.f32 v0, v63  }
0x48: {  	s19 =	sshll.u32 s19, $0x4;
	p0 =	sne.s32 s18, $0x64;
	[tilespmem:s20+$0x260] =	vst v1  }
.Ltmp1:
0x49: {  	s19 =	sadd.s32 s7, s19;
	[tilespmem:s20+$0x270] =	vst v0;
	(pc) =	sbr.rel @p0 .LBB2_2-.Ltmp1, $4  }
0x4a: {  	[hbm4b:s19+s4] =	stream.linear.scatter [tilespmem:s13], [sflag:$0x3], $0x6400, $0x38;
	[tilespmem:$0xCA00] =	vst v63  }
0x4b: {  	_ =	swait.ge [sflag:s10], $0x6400  }
0x4c: {  	[sflag:s10] =	ssyncset.done $0x0  }
0x4d: {  	[sflag:s10] =	ssyncadd.s32 $0xFFFF9C00  }
0x4e: {  	s17 =	sadd.s32 $0x1, s17  }
0x4f: {  	p0 =	sne.s32 s17, s9  }
.Ltmp2:
0x50: {  	_ = 	snop;
	(pc) =	sbr.rel @p0 .LBB2_1-.Ltmp2, $1  }
0x51: {  	_ =	sdelay $0x3  }
0x52: {  	_ =	sfence.sel $0x180000  }
0x53: {  	[bflag:$0x0] =	sbarrier.arrive $0xFFFF  }
0x54: {  	p0 =	sne.s32 s3, $0x0;
	_ =	strace $0x90000047  }
0x55: {  	s0 =	sadd.s32 @!p0 $0x100000, s0;
	[bflag:$0x2] =	sbarrier.arrive $0xFFFF  }
0x56: {  	[sflag:s0] =	ssyncadd.tile.s32 @!p0 $0x1;
	_ =	shalt  }
.Lfunc_end2:
_tile_overlayer_lowered:
.L_overlay_start_2:
0x57: {  	(tag) =	ssettag $0x2  }
0x58: {  	s0 =	rddreg [dreg:$0x0];
	s2 =	stileid.u32  }
0x59: {  	s1 =	rddreg [dreg:$0x1];
	p0 =	sne.s32 s2, $0x0  }
0x5a: {  	s3 =	rddreg [dreg:$0x2];
	[bflag:$0x3] =	sbarrier.arrive $0xFFFF;
	s2 =	simm.s32 @!p0 $0x1C03  }
0x5b: {  	[timem:s3], [sflag:s2] =	dma.local @!p0 [hbm:s0], s1  }
0x5c: {  	s0 =	simm.s32 @!p0 $0x3  }
0x5d: {  	_ =	swait.ge @!p0 [sflag:s0], s1  }
0x5e: {  	s1 =	ssub.s32 @!p0 $0x0, s1;
	[sflag:s0] =	ssyncset.done @!p0 $0x0  }
0x5f: {  	[sflag:s0] =	ssyncadd.s32 @!p0 s1  }
0x60: {  	[bflag:$0x3] =	sbarrier.arrive $0xFFFF  }
0x61: {  	_ =	shalt  }

// kernel: kernel.13.cloned.1.call-start
scs
__scs_entry_jumppad:
0x0: {  	(pc) =	sbr.rel $0x88, $3  }
0x1: {  	(tag) =	ssettag $0x0;
	lr =	simm.s32 $0x1  }
0x2: {  	[smem:$0x3F88] =	sst lr;
	_ =	strace $0xD0000000  }
0x3: {  	_ = 	snop  }
0x4: {  	_ = 	snop  }
0x5: {  	_ = 	snop  }
0x6: {  	_ = 	snop  }
0x7: {  	_ = 	snop  }
__scs_overlays_trampoline_lowered:
0x8: {  	[smem:$0x3F97] =	sst s0  }
0x9: {  	[smem:$0x3F98] =	sst s1  }
0xa: {  	[smem:$0x3F99] =	sst s2  }
0xb: {  	[smem:$0x3F9A] =	sst s3  }
0xc: {  	[smem:$0x3F9B] =	sst s4  }
0xd: {  	[smem:$0x3F9C] =	sst s5  }
0xe: {  	[smem:$0x3F9D] =	sst s6  }
0xf: {  	[smem:$0x3F9E] =	sst s7  }
0x10: {  	[smem:$0x3F9F] =	sst s8  }
0x11: {  	[smem:$0x3FA0] =	sst s9;
	s0 =	simm.s32 @!p0 $0x0  }
0x12: {  	s1 =	sld [smem:$0x3F86];
	s0 =	simm.s32 @p0 $0x1  }
0x13: {  	[smem:$0x3FA1] =	sst s0;
	s0 =	simm.s32 @!p1 $0x0  }
0x14: {  	s2 =	sld [smem:$0x3F85];
	s0 =	simm.s32 @p1 $0x1  }
0x15: {  	[smem:$0x3FA2] =	sst s0;
	s0 =	simm.s32 @!p2 $0x0  }
0x16: {  	s3 =	sld [smem:$0x3FDB];
	s0 =	simm.s32 @p2 $0x1  }
0x17: {  	s4 =	simm.s32 $0x1BF5;
	[smem:$0x3FA4] =	sst s0  }
0x18: {  	s0 =	sld [smem:$0x3F87];
	_ =	swait.ge [sflag:s4], $0x0  }
0x19: {  	s7 =	sld [smem:$0x3F88]  }
0x1a: {  	s8 =	sadd.s32 $0xFFFFE003, lr  }
0x1b: {  	s9 =	sadd.s32 $0xFFFFFEF7, lr;
	s5 =	simm.s32 $0xFFFFFFFF;
	p2 =	slt.u32 s8, $0xFFFFF086  }
0x1c: {  	p1 =	slt.u32 s9, $0xF7A;
	s5 =	simm.s32 @!p2 $0x0  }
0x1d: {  	s5 =	simm.s32 @p1 $0x1;
	p0 =	seq.s32 s7, s2  }
0x1e: {  	s7 =	smul.u32 @!p0 $0xF7A, s2;
	p2 =	seq.s32 @!p0 s5, $0x0  }
0x1f: {  	s9 =	smul.u32 $0xF7A, s1;
	s8 =	simm.s32 @!p0 $0x1BF5;
	p2 =	por !p2, p0  }
0x20: {  	[sflag:s8] =	ssyncset.s32 @!p0 $0xFFFFF086;
	s6 =	sadd.s32 @!p0 s3, s7;
	s7 =	simm.s32 @!p0 $0x108  }
0x21: {  	s3 =	sadd.s32 s3, s9;
	s6 =	sadd.s32 @!p0 $0x88, s6;
	s7 =	simm.s32 @p2 $0x1082  }
0x22: {  	[simem:s7], [sflag:s8] =	dma.local @!p0 [hbm:s6], $0xF7A  }
0x23: {  	s9 =	sor.u32 $0xD0000000, s2;
	s6 =	simm.s32 $0x108;
	_ =	swait.ge @!p0 [sflag:s8], $0x0  }
0x24: {  	s3 =	sadd.s32 $0x88, s3;
	s6 =	simm.s32 @!p1 $0x1082;
	[sflag:s4] =	ssyncset.s32 $0xFFFFF086  }
0x25: {  	[simem:s6], [sflag:s4] =	dma.local [hbm:s3], $0xF7A  }
0x26: {  	[smem:$0x3F88] =	sst s1;
	(tag) =	ssettag s2;
	_ =	strace s9  }
0x27: {  	s1 =	sld [smem:$0x3F98]  }
0x28: {  	s2 =	sld [smem:$0x3F99]  }
0x29: {  	s4 =	sld [smem:$0x3F9B]  }
0x2a: {  	p0 =	seq.s32 s5, $0x0;
	s5 =	sld [smem:$0x3F9C]  }
0x2b: {  	s6 =	sld [smem:$0x3F9D]  }
0x2c: {  	s7 =	sld [smem:$0x3F9E]  }
0x2d: {  	s3 =	simm.s32 $0x108;
	s8 =	sld [smem:$0x3F9F]  }
0x2e: {  	s3 =	simm.s32 @!p0 $0x1082;
	s9 =	sld [smem:$0x3FA0]  }
0x2f: {  	lr =	sadd.s32 s0, s3;
	s0 =	sld [smem:$0x3F97]  }
0x30: {  	s3 =	sld [smem:$0x3F9A]  }
0x31: {  	[smem:$0x3FA3] =	sst s10  }
0x32: {  	s10 =	sld [smem:$0x3FA1];
	_ =	sdelay $0x3  }
0x33: {  	p0 =	seq.s32 s10, $0x1;
	s10 =	sld [smem:$0x3FA3];
	_ =	sdelay $0x3  }
0x34: {  	[smem:$0x3FA3] =	sst s10  }
0x35: {  	s10 =	sld [smem:$0x3FA2];
	_ =	sdelay $0x3  }
0x36: {  	p1 =	seq.s32 s10, $0x1;
	s10 =	sld [smem:$0x3FA3];
	_ =	sdelay $0x3  }
0x37: {  	[smem:$0x3FA3] =	sst s10  }
0x38: {  	s10 =	sld [smem:$0x3FA4]  }
0x39: {  	_ = 	snop;
	(pc) =	sbr.ind lr, $3  }
0x3a: {  	_ = 	snop  }
0x3b: {  	_ = 	snop  }
0x3c: {  	p2 =	seq.s32 s10, $0x1;
	s10 =	sld [smem:$0x3FA3]  }
0x3d: {  	_ =	shalt  }
0x3e: {  	_ =	shalt  }
0x3f: {  	_ =	shalt  }
0x40: {  	_ =	shalt  }
0x41: {  	_ =	shalt  }
0x42: {  	_ =	shalt  }
0x43: {  	_ =	shalt  }
0x44: {  	_ =	shalt  }
0x45: {  	_ =	shalt  }
0x46: {  	_ =	shalt  }
0x47: {  	_ =	shalt  }
0x48: {  	_ =	shalt  }
0x49: {  	_ =	shalt  }
0x4a: {  	_ =	shalt  }
0x4b: {  	_ =	shalt  }
0x4c: {  	_ =	shalt  }
0x4d: {  	_ =	shalt  }
0x4e: {  	_ =	shalt  }
0x4f: {  	_ =	shalt  }
0x50: {  	_ =	shalt  }
0x51: {  	_ =	shalt  }
0x52: {  	_ =	shalt  }
0x53: {  	_ =	shalt  }
0x54: {  	_ =	shalt  }
0x55: {  	_ =	shalt  }
0x56: {  	_ =	shalt  }
0x57: {  	_ =	shalt  }
0x58: {  	_ =	shalt  }
0x59: {  	_ =	shalt  }
0x5a: {  	_ =	shalt  }
0x5b: {  	_ =	shalt  }
0x5c: {  	_ =	shalt  }
0x5d: {  	_ =	shalt  }
0x5e: {  	_ =	shalt  }
0x5f: {  	_ =	shalt  }
0x60: {  	_ =	shalt  }
0x61: {  	_ =	shalt  }
0x62: {  	_ =	shalt  }
0x63: {  	_ =	shalt  }
0x64: {  	_ =	shalt  }
0x65: {  	_ =	shalt  }
0x66: {  	_ =	shalt  }
0x67: {  	_ =	shalt  }
0x68: {  	_ =	shalt  }
0x69: {  	_ =	shalt  }
0x6a: {  	_ =	shalt  }
0x6b: {  	_ =	shalt  }
0x6c: {  	_ =	shalt  }
0x6d: {  	_ =	shalt  }
0x6e: {  	_ =	shalt  }
0x6f: {  	_ =	shalt  }
0x70: {  	_ =	shalt  }
0x71: {  	_ =	shalt  }
0x72: {  	_ =	shalt  }
0x73: {  	_ =	shalt  }
0x74: {  	_ =	shalt  }
0x75: {  	_ =	shalt  }
0x76: {  	_ =	shalt  }
0x77: {  	_ =	shalt  }
0x78: {  	_ =	shalt  }
0x79: {  	_ =	shalt  }
0x7a: {  	_ =	shalt  }
0x7b: {  	_ =	shalt  }
0x7c: {  	_ =	shalt  }
0x7d: {  	_ =	shalt  }
0x7e: {  	_ =	shalt  }
0x7f: {  	_ =	shalt  }
0x80: {  	_ =	shalt  }
0x81: {  	_ =	shalt  }
0x82: {  	_ =	shalt  }
0x83: {  	_ =	shalt  }
0x84: {  	_ =	shalt  }
0x85: {  	_ =	shalt  }
0x86: {  	_ =	shalt  }
0x87: {  	_ =	shalt  }
.Lfunc_end0:
.L_simem_size_0:
called_computation.1_lowered:
.L_overlay_start_0:
0x88: {  	s2 =	sld [smem:$0x3FD9]  }
0x89: {  	s3 =	sld [smem:$0x3FFE];
	_ =	sdelay $0x1  }
0x8a: {  	s1 =	srdreg.scid  }
0x8b: {  	s0 =	sand.u32 $0x1, s1  }
0x8c: {  	s14 =	sshll.u32 s0, $0xA;
	s2 =	sadd.s32 s3, s2  }
0x8d: {  	s2 =	sadd.s32 s2, s14  }
0x8e: {  	[smem:$0x3FAF] =	sst s2  }
0x8f: {  	_ = 	snop  }
0x90: {  	s2 =	sld [smem:$0x3FD0];
	_ =	sdelay $0x2  }
0x91: {  	s15 =	simm.s32 $0xA;
	s4 =	simm.s32 $0x10  }
0x92: {  	[smem:s4], [sflag:s15] =	dma.local [hbm:s2], $0x1  }
0x93: {  	_ =	swait.eq [sflag:s15], $0x1  }
0x94: {  	[sflag:s15] =	ssyncset.done $0x0  }
0x95: {  	s16 =	sld [smem:$0x10];
	[sflag:s15] =	ssyncadd.s32 $0xFFFFFFFF  }
0x96: {  	s17 =	sld [smem:$0x11];
	(tm) =	ssettm $0x1  }
0x97: {  	s18 =	sld [smem:$0x3FFB];
	_ =	sdelay $0x3  }
0x98: {  	_ =	strace s18  }
0x99: {  	s4 =	sld [smem:$0x3FFC];
	_ =	sdelay $0x3  }
0x9a: {  	_ =	strace s4  }
0x9b: {  	s4 =	sld [smem:$0x3FFD];
	_ =	sdelay $0x3  }
0x9c: {  	_ =	strace s4  }
0x9d: {  	_ =	strace $0x8FFFFFFF  }
0x9e: {  	s19 =	sld [smem:$0x3FDB];
	_ =	sdelay $0x1  }
0x9f: {  	s5 =	simm.s32 $_scs_section_size  }
0xa0: {  	s6 =	simm.s32 $_size__tile_overlayer_lowered;
	s7 =	simm.s32 $_tile_overlayer_lowered  }
0xa1: {  	s22 =	simm.s32 $0x1BFF;
	s21 =	sshll.u32 s7, $0x1;
	s4 =	sadd.s32 s5, s19  }
0xa2: {  	s8 =	simm.s32 $0x0;
	s20 =	sshll.u32 s6, $0x1;
	s6 =	sadd.s32 s21, s4  }
0xa3: {  	[timem:s8], [sflag:s22] =	dma.local [hbm:s6], s20  }
0xa4: {  	_ =	swait.ge [sflag:s22], s20  }
0xa5: {  	s5 =	ssub.s32 $0x0, s20;
	[sflag:s22] =	ssyncset.done $0x0  }
0xa6: {  	[sflag:s22] =	ssyncadd.s32 s5;
	_ =	sdelay $0x1  }
0xa7: {  	s23 =	simm.s32 $0x1B8B  }
0xa8: {  	_ =	swait.ge [sflag:s23], $0x1  }
0xa9: {  	[sflag:s23] =	ssyncset.done $0x0  }
0xaa: {  	s25 =	simm.s32 $0x1B8E;
	s24 =	sld [smem:$0x3FFE];
	[sflag:s23] =	ssyncadd.s32 $0xFFFFFFFF  }
0xab: {  	s26 =	simm.s32 $execute0_lowered;
	[smem:$0x3FD2] =	sst s25  }
0xac: {  	s6 =	sshll.u32 s26, $0x1;
	_ =	strace $0x80000049;
	[dreg:$0x1] =	wrdreg $0xFFFFFFFF  }
0xad: {  	s28 =	simm.s32 $_size_execute0_lowered;
	s4 =	sadd.s32 s4, s6;
	[dreg:$0x0] =	wrdreg $0x0  }
0xae: {  	s6 =	sshll.u32 s28, $0x1;
	[dreg:$0x2] =	wrdreg s4  }
0xaf: {  	[dreg:$0x3] =	wrdreg s6  }
0xb0: {  	[dreg:$0x4] =	wrdreg $0xC0  }
0xb1: {  	_ =	task [dreg:s8], $0x5FFFF  }
0xb2: {  	[dreg:$0x1] =	wrdreg $0xFFFFFFFF  }
0xb3: {  	[dreg:$0x0] =	wrdreg $0x60  }
0xb4: {  	[dreg:$0x2] =	wrdreg s24  }
0xb5: {  	[dreg:$0x3] =	wrdreg s17  }
0xb6: {  	[dreg:$0x4] =	wrdreg s16  }
0xb7: {  	[dreg:$0x5] =	wrdreg $0x0  }
0xb8: {  	[dreg:$0x6] =	wrdreg $0x64000  }
0xb9: {  	[dreg:$0x7] =	wrdreg $0x9  }
0xba: {  	_ =	task.clear_ibuf [dreg:s8], $0x8FFFF;
	_ =	strace $0x90000049  }
0xbb: {  	s29 =	simm.s32 $0x9;
	_ =	strace $0x8000004B  }
0xbc: {  	_ =	swait.ge [sflag:s29], $0x1  }
0xbd: {  	[sflag:s29] =	ssyncadd.s32 $0xFFFFFFFF  }
0xbe: {  	_ =	strace $0x9000004B  }
0xbf: {  	_ =	sfence  }
0xc0: {  	s30 =	sld [smem:$0x0];
	_ =	sdelay $0x2  }
0xc1: {  	s31 =	sshll.u32 s1, $0xD;
	s1 =	sshrl.u32 s1, $0x2  }
0xc2: {  	s3 =	sand.u32 $0x4000, s31;
	s1 =	sadd.s32 s1, s30  }
0xc3: {  	s0 =	sor.u32 s3, s0;
	s1 =	sshll.u32 s1, $0x11  }
0xc4: {  	s0 =	sor.u32 s1, s0  }
0xc5: {  	s0 =	sadd.s32 $0x8F2B, s0  }
0xc6: {  	[sflag:s0] =	ssyncadd.remote.s32 $0x1  }
0xc7: {  	_ =	sfence.sel $0xFFFF  }
0xc8: {  	[dreg:$0x0] =	wrdreg $0xFFFFFFFF;
	(pc) =	sbr.abs _section_cstart, $3  }
0xc9: {  	[dreg:$0x1] =	wrdreg $0xFFFFFFFF  }
0xca: {  	_ =	task.clear_ibuf [dreg:s8], $0x2FFFF;
	_ =	strace $0x9FFFFFFF  }
0xcb: {  	(tm) =	ssettm $0x7FFFFFFF  }
tec
execute0_lowered:
.L_overlay_start_1:
0x0: {  	(tag) =	ssettag $0x1  }
0x1: {  	s0 =	rddreg [dreg:$0x0]  }
0x2: {  	s1 =	rddreg [dreg:$0x1]  }
0x3: {  	s3 =	rddreg [dreg:$0x3]  }
0x4: {  	s4 =	rddreg [dreg:$0x4];
	s12 =	simm.s32 $0x0  }
0x5: {  	s2 =	srdreg.scid;
	s8 =	stileid.u32;
	s28 =	simm.s32 $0xD500  }
0x6: {  	s29 =	simm.s32 $0xE100;
	s30 =	simm.s32 $0xED00;
	s31 =	simm.s32 $0x1  }
0x7: {  	s11 =	simm.s32 $0x12900;
	s13 =	simm.s32 $0x11100;
	[smem:$0x7FF] =	sst s12  }
0x8: {  	s7 =	sadd.s32 $0x4F9600, s0;
	s2 =	sand.u32 $0x1, s2;
	s9 =	sadd.s32 $0x1D63600, s0  }
0x9: {  	s10 =	sadd.s32 $0x3C00, s0;
	s6 =	smul.u32 $0x6400, s8;
	s0 =	sadd.s32 $0x17600, s0  }
0xa: {  	s18 =	smul.u32 $0xC8, s8;
	_ =	strace $0x8000004A;
	[dreg:$0x7] =	wrdreg s2  }
0xb: {  	s16 =	simm.s32 $0x13100;
	s2 =	ssub.s32 $0x2, s2;
	[dreg:$0x8] =	wrdreg s0  }
0xc: {  	s5 =	sshrl.u32 s2, $0x1;
	[dreg:$0x9] =	wrdreg s18;
	s19 =	sadd.s32 s6, s3  }
0xd: {  	s20 =	sadd.s32 $0x2000, s6;
	s21 =	sadd.s32 s6, s4;
	[dreg:$0xa] =	wrdreg s19  }
0xe: {  	s23 =	sadd.s32 $0x4000, s6;
	[dreg:$0xb] =	wrdreg s21;
	s22 =	sadd.s32 s20, s3  }
0xf: {  	s17 =	ssub.s32 s2, s5;
	s2 =	sadd.s32 s20, s4;
	[dreg:$0xc] =	wrdreg s22  }
0x10: {  	s15 =	smul.u32 $0x9C40, s8;
	s24 =	sadd.s32 s23, s3;
	[dreg:$0xd] =	wrdreg s2  }
0x11: {  	s25 =	sadd.s32 $0x6000, s6;
	s5 =	sadd.s32 s23, s4;
	[dreg:$0xe] =	wrdreg s24  }
0x12: {  	s8 =	simm.s32 $0x10900;
	s26 =	sadd.s32 s25, s3;
	[dreg:$0xf] =	wrdreg s5  }
0x13: {  	s23 =	simm.s32 $0xF900;
	[dreg:$0x10] =	wrdreg s26;
	s2 =	sadd.s32 s25, s4  }
0x14: {  	s0 =	smax.u32 s17, $0x1;
	s24 =	simm.s32 $0x3;
	s25 =	simm.s32 $0xC800  }
0x15: {  	v0 =	vimm.f32 $0.0e+00;
	v1 =	vimm.s32 $0x9C400;
	v2 =	vlaneseq.u32;
	s26 =	simm.s32 $0xCE80;
	s22 =	simm.s32 $0x11900;
	[dreg:$0x11] =	wrdreg s2  }
0x16: {  	v3 =	vimm.s32 $0x0;
	vm0 =	vmmov $0xffff;
	v4 =	vor.u32 $0x500, v2;
	s5 =	simm.s32 $0x2;
	[dreg:$0x12] =	wrdreg s0;
	s0 =	simm.s32 $0x40  }
.LBB2_1:
0x17: {  	[dreg:$0x6] =	wrdreg s12;
	s2 =	simm.s32 $0x0;
	s12 =	simm.s32 $0x200  }
.LBB2_2:
0x18: {  	p0 =	sne.s32 s12, $0x7E00;
	[tilespmem:s2+$0xF970] =	vst v0  }
0x19: {  	[tilespmem:s2+$0xF900] =	vst v0  }
0x1a: {  	[tilespmem:s2+$0xF910] =	vst v0  }
.Ltmp0:
0x1b: {  	[tilespmem:s2+$0xF920] =	vst v0;
	(pc) =	sbr.rel @p0 .LBB2_2-.Ltmp0, $4  }
0x1c: {  	[tilespmem:s2+$0xF930] =	vst v0  }
0x1d: {  	[tilespmem:s2+$0xF940] =	vst v0  }
0x1e: {  	[tilespmem:s2+$0xF950] =	vst v0  }
0x1f: {  	[tilespmem:s2+$0xF960] =	vst v0;
	s2 =	sshra.s32 s12, $0x2;
	s12 =	sadd.s32 $0x200, s12  }
0x20: {  	[tilespmem:s2+$0xF970] =	vst v0  }
0x21: {  	[tilespmem:s2+$0xF900] =	vst v0  }
0x22: {  	[tilespmem:s2+$0xF910] =	vst v0  }
0x23: {  	[tilespmem:s2+$0xF920] =	vst v0  }
0x24: {  	[tilespmem:s2+$0xF930] =	vst v0  }
0x25: {  	[tilespmem:s2+$0xF940] =	vst v0  }
0x26: {  	[tilespmem:s2+$0xF950] =	vst v0  }
0x27: {  	[tilespmem:s2+$0xF960] =	vst v0;
	s6 =	rddreg [dreg:$0xa]  }
0x28: {  	[spmem:s6] =	stream.linear.scatter [tilespmem:s23], [sflag:$0x3], $0x2000, $0x38;
	[tilespmem:$0x13900] =	vst v63  }
0x29: {  	_ =	swait.ge [sflag:s24], $0x2000  }
0x2a: {  	[sflag:s24] =	ssyncset.done $0x0  }
0x2b: {  	s12 =	rddreg [dreg:$0xb];
	[sflag:s24] =	ssyncadd.s32 $0xFFFFE000  }
0x2c: {  	[spmem:s12] =	stream.linear.scatter [tilespmem:s23], [sflag:$0x3], $0x2000, $0x38;
	[tilespmem:$0x13900] =	vst v63  }
0x2d: {  	_ =	swait.ge [sflag:s24], $0x2000  }
0x2e: {  	[sflag:s24] =	ssyncset.done $0x0  }
0x2f: {  	s14 =	rddreg [dreg:$0xc];
	[sflag:s24] =	ssyncadd.s32 $0xFFFFE000  }
0x30: {  	[spmem:s14] =	stream.linear.scatter [tilespmem:s23], [sflag:$0x3], $0x2000, $0x38;
	[tilespmem:$0x13900] =	vst v63  }
0x31: {  	_ =	swait.ge [sflag:s24], $0x2000  }
0x32: {  	[sflag:s24] =	ssyncset.done $0x0  }
0x33: {  	s17 =	rddreg [dreg:$0xd];
	[sflag:s24] =	ssyncadd.s32 $0xFFFFE000  }
0x34: {  	[spmem:s17] =	stream.linear.scatter [tilespmem:s23], [sflag:$0x3], $0x2000, $0x38;
	[tilespmem:$0x13900] =	vst v63  }
0x35: {  	_ =	swait.ge [sflag:s24], $0x2000  }
0x36: {  	[sflag:s24] =	ssyncset.done $0x0  }
0x37: {  	s18 =	rddreg [dreg:$0xe];
	[sflag:s24] =	ssyncadd.s32 $0xFFFFE000  }
0x38: {  	[spmem:s18] =	stream.linear.scatter [tilespmem:s23], [sflag:$0x3], $0x2000, $0x38;
	[tilespmem:$0x13900] =	vst v63  }
0x39: {  	_ =	swait.ge [sflag:s24], $0x2000  }
0x3a: {  	[sflag:s24] =	ssyncset.done $0x0  }
0x3b: {  	s19 =	rddreg [dreg:$0xf];
	[sflag:s24] =	ssyncadd.s32 $0xFFFFE000  }
0x3c: {  	[spmem:s19] =	stream.linear.scatter [tilespmem:s23], [sflag:$0x3], $0x2000, $0x38;
	[tilespmem:$0x13900] =	vst v63  }
0x3d: {  	_ =	swait.ge [sflag:s24], $0x2000  }
0x3e: {  	[sflag:s24] =	ssyncset.done $0x0  }
0x3f: {  	s20 =	rddreg [dreg:$0x10];
	[sflag:s24] =	ssyncadd.s32 $0xFFFFE000  }
0x40: {  	[spmem:s20] =	stream.linear.scatter [tilespmem:s23], [sflag:$0x3], $0x400, $0x38;
	[tilespmem:$0x13900] =	vst v63  }
0x41: {  	_ =	swait.ge [sflag:s24], $0x400  }
0x42: {  	[sflag:s24] =	ssyncset.done $0x0  }
0x43: {  	s21 =	rddreg [dreg:$0x11];
	[sflag:s24] =	ssyncadd.s32 $0xFFFFFC00  }
0x44: {  	[spmem:s21] =	stream.linear.scatter [tilespmem:s23], [sflag:$0x3], $0x400, $0x38;
	[tilespmem:$0x13900] =	vst v63  }
0x45: {  	_ =	swait.ge [sflag:s24], $0x400  }
0x46: {  	[sflag:s24] =	ssyncset.done $0x0  }
0x47: {  	[sflag:s24] =	ssyncadd.s32 $0xFFFFFC00  }
0x48: {  	s6 =	simm.s32 $0x0;
	[bflag:$0x0] =	sbarrier.arrive $0xFFFF  }
.LBB2_4:
0x49: {  	s2 =	simm.s32 $0x0;
	s12 =	simm.s32 $0x200  }
.LBB2_5:
0x4a: {  	p0 =	seq.s32 s12, $0x2800;
	[tilespmem:s2+$0xED30] =	vst v3  }
0x4b: {  	[tilespmem:s2+$0xD500] =	vst v1  }
0x4c: {  	[tilespmem:s2+$0xE100] =	vst v3  }
0x4d: {  	[tilespmem:s2+$0xED00] =	vst v3  }
0x4e: {  	[tilespmem:s2+$0xD510] =	vst v1  }
0x4f: {  	[tilespmem:s2+$0xE110] =	vst v3  }
0x50: {  	[tilespmem:s2+$0xED10] =	vst v3  }
.Ltmp1:
0x51: {  	[tilespmem:s2+$0xD520] =	vst v1;
	(pc) =	sbr.rel @!p0 .LBB2_5-.Ltmp1, $4  }
0x52: {  	[tilespmem:s2+$0xE120] =	vst v3  }
0x53: {  	[tilespmem:s2+$0xED20] =	vst v3  }
0x54: {  	[tilespmem:s2+$0xD530] =	vst v1  }
0x55: {  	[tilespmem:s2+$0xE130] =	vst v3;
	s2 =	sshra.s32 s12, $0x2;
	s12 =	sadd.s32 $0x200, s12  }
0x56: {  	[tilespmem:s2+$0xED30] =	vst v3  }
0x57: {  	[tilespmem:s2+$0xD500] =	vst v1  }
0x58: {  	[tilespmem:s2+$0xE100] =	vst v3  }
0x59: {  	[tilespmem:s2+$0xED00] =	vst v3  }
0x5a: {  	[tilespmem:s2+$0xD510] =	vst v1  }
0x5b: {  	[tilespmem:s2+$0xE110] =	vst v3  }
0x5c: {  	[tilespmem:s2+$0xED10] =	vst v3  }
0x5d: {  	[tilespmem:s2+$0xD520] =	vst v1  }
0x5e: {  	[tilespmem:s2+$0xE120] =	vst v3  }
0x5f: {  	[tilespmem:s2+$0xED20] =	vst v3  }
0x60: {  	[tilespmem:s2+$0xD530] =	vst v1;
	s20 =	sshll.u32 s6, $0x1;
	s21 =	rddreg [dreg:$0x7]  }
0x61: {  	[tilespmem:s2+$0xE130] =	vst v3;
	s2 =	sor.u32 s21, s20  }
0x62: {  	[dreg:$0x13] =	wrdreg s6;
	s6 =	smul.u32 $0xC80, s2  }
0x63: {  	_ = 	snop  }
0x64: {  	s19 =	simm.s32 $0x0;
	s20 =	smov.u32 s15;
	s2 =	sadd.s32 $0xC80, s6  }
0x65: {  	s21 =	simm.s32 $0x0;
	[dreg:$0x14] =	wrdreg s6;
	v5 =	vmov s6;
	v6 =	vmov s2;
	s2 =	simm.s32 $0x0  }
.LBB2_7:
0x66: {  	s6 =	smul.u32 $0x640, s21;
	_ =	sdelay $0x1  }
0x67: {  	s6 =	sadd.s32 s15, s6  }
0x68: {  	s6 =	sshrl.u32 s6, $0x3  }
0x69: {  	s12 =	sadd.s32 s10, s6  }
0x6a: {  	[tilespmem:s25], [sflag:$0x3] =	stream.linear.gather [hbm4b:s12+s19], $0x640, $0x38;
	[tilespmem:$0x13900] =	vst v63  }
0x6b: {  	_ =	swait.ge [sflag:s24], $0x640  }
0x6c: {  	[sflag:s24] =	ssyncset.done $0x0  }
0x6d: {  	s6 =	sadd.s32 s1, s6;
	[sflag:s24] =	ssyncadd.s32 $0xFFFFF9C0  }
0x6e: {  	[tilespmem:s26], [sflag:$0x3] =	stream.linear.gather [hbm4b:s6+s19], $0x640, $0x38;
	[tilespmem:$0x13900] =	vst v63  }
0x6f: {  	_ =	swait.ge [sflag:s24], $0x640  }
0x70: {  	[sflag:s24] =	ssyncset.done $0x0  }
0x71: {  	s17 =	simm.s32 $0x0;
	[sflag:s24] =	ssyncadd.s32 $0xFFFFF9C0  }
0x72: {  	v8 =	vld [tilespmem:s17+$0xCE80];
	_ =	sdelay $0x4  }
0x73: {  	vm1 =	vge.s32 v8, v5;
	vm2 =	vlt.s32 v8, v6  }
0x74: {  	vm1 =	vmand vm1, vm2  }
0x75: {  	v7 =	vsel vm1, $0x3F800000, v0  }
0x76: {  	(xrf2) =	vadd.scan.msk.f32 $0xffff, v7;
	_ =	sdelay $0x7  }
0x77: {  	p0 =	slt.s32 s2, $0x4F0  }
0x78: {  	s2 =	simm.s32 @!p0 $0x4F0  }
0x79: {  	v7 =	vmov s2;
	v9, _, _ =	vpop (xrf2)  }
0x7a: {  	v7 =	vadd.s32 $0xFFFFFFFF, v7;
	v10 =	vtrunc.f32 v9  }
0x7b: {  	v7 =	vbroadcast v7, $0x0;
	(v2sf) =	vpush v9, $0xF;
	v9 =	vcvt.f32.s32 v10;
	_ =	sdelay $0x1  }
0x7c: {  	v7 =	vadd.s32 v9, v7  }
0x7d: {  	v7 =	vsel vm1, v7, v4  }
0x7e: {  	v9 =	vshra.s32 v7, $0x1F;
	v10 =	vand.u32 $0x3F, v7  }
0x7f: {  	vm1 =	vlt.s32 v7, $0x1;
	v9 =	vshrl.u32 v9, $0x1A;
	vm2 =	vne.s32 v10, $0x0  }
0x80: {  	v9 =	vadd.s32 v9, v7;
	vm1 =	vmand vm1, vm2  }
0x81: {  	v9 =	vshra.s32 v9, $0x6;
	v10 =	vsel vm1, $0xFFFFFFFF, v3  }
0x82: {  	v9 =	vadd.s32 v10, v9  }
0x83: {  	v10 =	vshll.u32 v9, $0x6  }
0x84: {  	v7 =	vsub.s32 v7, v10  }
0x85: {  	v9 =	vshll.u32 v9, $0x7;
	v10 =	vand.u32 $0xFFFFFF80, v7  }
0x86: {  	v7 =	vand.u32 $0x7F, v7;
	v9 =	vadd.s32 v9, v10  }
0x87: {  	v7 =	vor.u32 v7, v9  }
0x88: {  	v9 =	vld [tilespmem:s17+$0xC800]  }
0x89: {  	s18 =	spop (v2sf)  }
0x8a: {  	s6 =	scvt.f32.s32 s18  }
0x8b: {  	v10 =	vor.u32 s20, v2  }
0x8c: {  	s12 =	smov.u32 s20;
	s14 =	sadd.s32 s6, s2;
	[tilespmem:v7+s28+$0x0] =	vst.idx.msk $0xffff, v10  }
0x8d: {  	v8 =	vsub.s32 v8, v5;
	s17 =	simm.s32 $0x80;
	s18 =	simm.s32 $0x40;
	p1 =	slt.s32 s14, $0x4F0;
	[tilespmem:v7+s29+$0x0] =	vst.idx.msk $0xffff, v9  }
.LBB2_8:
0x8e: {  	s2 =	sshra.s32 s18, $0x2  }
0x8f: {  	[tilespmem:v7+s30+$0x0] =	vst.idx.msk $0xffff, v8;
	s12 =	sadd.s32 $0x10, s12;
	s18 =	smov.u32 s17;
	s6 =	sadd.s32 $0x40, s17  }
0x90: {  	p0 =	sne.s32 s17, $0x18C0;
	v8 =	vld [tilespmem:s2+$0xCE80];
	_ =	sdelay $0x4  }
0x91: {  	vm1 =	vge.s32 v8, v5;
	vm2 =	vlt.s32 v8, v6  }
0x92: {  	vm1 =	vmand vm1, vm2  }
0x93: {  	v7 =	vsel vm1, $0x3F800000, v0  }
0x94: {  	(xrf2) =	vadd.scan.msk.f32 $0xffff, v7;
	_ =	sdelay $0x8  }
0x95: {  	s14 =	simm.s32 @!p1 $0x4F0  }
0x96: {  	v7 =	vmov s14;
	v9, _, _ =	vpop (xrf2)  }
0x97: {  	v7 =	vadd.s32 $0xFFFFFFFF, v7;
	v10 =	vtrunc.f32 v9;
	(v2sf) =	vpush v9, $0xF  }
0x98: {  	v7 =	vbroadcast v7, $0x0;
	v9 =	vcvt.f32.s32 v10;
	_ =	sdelay $0x1  }
0x99: {  	v7 =	vadd.s32 v9, v7  }
0x9a: {  	v7 =	vsel vm1, v7, v4  }
0x9b: {  	v9 =	vshra.s32 v7, $0x1F;
	v10 =	vand.u32 $0x3F, v7  }
0x9c: {  	vm1 =	vlt.s32 v7, $0x1;
	v9 =	vshrl.u32 v9, $0x1A;
	vm2 =	vne.s32 v10, $0x0  }
0x9d: {  	v9 =	vadd.s32 v9, v7;
	vm1 =	vmand vm1, vm2  }
0x9e: {  	v9 =	vshra.s32 v9, $0x6;
	v10 =	vsel vm1, $0xFFFFFFFF, v3  }
0x9f: {  	v9 =	vadd.s32 v10, v9  }
0xa0: {  	v10 =	vshll.u32 v9, $0x6  }
0xa1: {  	v7 =	vsub.s32 v7, v10  }
0xa2: {  	v9 =	vshll.u32 v9, $0x7;
	v10 =	vand.u32 $0xFFFFFF80, v7  }
0xa3: {  	v7 =	vand.u32 $0x7F, v7;
	v9 =	vadd.s32 v9, v10  }
0xa4: {  	v7 =	vor.u32 v7, v9  }
0xa5: {  	v9 =	vld [tilespmem:s2+$0xC800];
	s2 =	spop (v2sf)  }
.Ltmp2:
0xa6: {  	s2 =	scvt.f32.s32 s2;
	(pc) =	sbr.rel @p0 .LBB2_8-.Ltmp2, $4  }
0xa7: {  	_ = 	snop  }
0xa8: {  	v10 =	vor.u32 s12, v2;
	s14 =	sadd.s32 s2, s14  }
0xa9: {  	p1 =	slt.s32 s14, $0x4F0;
	[tilespmem:v7+s28+$0x0] =	vst.idx.msk $0xffff, v10  }
0xaa: {  	s17 =	smov.u32 s6;
	v8 =	vsub.s32 v8, v5;
	[tilespmem:v7+s29+$0x0] =	vst.idx.msk $0xffff, v9  }
0xab: {  	_ =	sdelay $0x3  }
0xac: {  	s2 =	sshra.s32 s18, $0x2;
	[tilespmem:v7+s30+$0x0] =	vst.idx.msk $0xffff, v8  }
0xad: {  	v7 =	vld [tilespmem:s2+$0xCE80];
	_ =	sdelay $0x4  }
0xae: {  	vm1 =	vge.s32 v7, v5;
	vm2 =	vlt.s32 v7, v6  }
0xaf: {  	vm1 =	vmand vm1, vm2  }
0xb0: {  	v8 =	vsel vm1, $0x3F800000, v0  }
0xb1: {  	(xrf2) =	vadd.scan.msk.f32 $0xffff, v8;
	_ =	sdelay $0x8  }
0xb2: {  	s14 =	simm.s32 @!p1 $0x4F0  }
0xb3: {  	v8 =	vmov s14;
	v9, _, _ =	vpop (xrf2)  }
0xb4: {  	v8 =	vadd.s32 $0xFFFFFFFF, v8;
	v10 =	vtrunc.f32 v9  }
0xb5: {  	v8 =	vbroadcast v8, $0x0;
	v10 =	vcvt.f32.s32 v10;
	_ =	sdelay $0x1  }
0xb6: {  	(v2sf) =	vpush v9, $0xF;
	v8 =	vadd.s32 v10, v8  }
0xb7: {  	v8 =	vsel vm1, v8, v4  }
0xb8: {  	v59 =	vshra.s32 v8, $0x1F;
	v60 =	vand.u32 $0x3F, v8  }
0xb9: {  	vm1 =	vlt.s32 v8, $0x1;
	v9 =	vshrl.u32 v59, $0x1A;
	vm2 =	vne.s32 v60, $0x0  }
0xba: {  	v9 =	vadd.s32 v9, v8;
	vm1 =	vmand vm1, vm2  }
0xbb: {  	v9 =	vshra.s32 v9, $0x6;
	v61 =	vsel vm1, $0xFFFFFFFF, v3  }
0xbc: {  	v9 =	vadd.s32 v61, v9  }
0xbd: {  	v10 =	vshll.u32 v9, $0x6  }
0xbe: {  	v8 =	vsub.s32 v8, v10  }
0xbf: {  	v9 =	vshll.u32 v9, $0x7;
	v10 =	vand.u32 $0xFFFFFF80, v8  }
0xc0: {  	v8 =	vand.u32 $0x7F, v8;
	v9 =	vadd.s32 v9, v10  }
0xc1: {  	v8 =	vor.u32 v8, v9  }
0xc2: {  	s21 =	sadd.s32 $0x1, s21;
	v62 =	vld [tilespmem:s2+$0xC800]  }
0xc3: {  	p0 =	sne.s32 s21, $0x19  }
.Ltmp3:
0xc4: {  	s17 =	sadd.s32 $0x10, s12;
	(pc) =	sbr.rel @p0 .LBB2_7-.Ltmp3, $4  }
0xc5: {  	v63 =	vor.u32 s17, v2;
	s6 =	spop (v2sf)  }
0xc6: {  	s18 =	scvt.f32.s32 s6;
	[tilespmem:v8+s28+$0x0] =	vst.idx.msk $0xffff, v63  }
0xc7: {  	v7 =	vsub.s32 v7, v5;
	[tilespmem:v8+s29+$0x0] =	vst.idx.msk $0xffff, v62  }
0xc8: {  	s20 =	sadd.s32 $0x640, s20;
	s2 =	sadd.s32 s18, s14;
	[tilespmem:v8+s30+$0x0] =	vst.idx.msk $0xffff, v7  }
0xc9: {  	s2 =	sadd.s32 $0x3F, s2  }
0xca: {  	s6 =	sand.u32 $0x3F, s2  }
0xcb: {  	s12 =	sshra.s32 s2, $0x1F;
	p0 =	slt.s32 s2, $0x1;
	p1 =	sne.s32 s6, $0x0  }
0xcc: {  	s21 =	sshrl.u32 s12, $0x1A;
	p0 =	por !p0, !p1  }
0xcd: {  	s6 =	simm.s32 $0x1;
	s2 =	sadd.s32 s21, s2;
	p0 =	por !p0, !p0  }
0xce: {  	s2 =	sshra.s32 s2, $0x6;
	s6 =	simm.s32 @!p0 $0x0  }
0xcf: {  	s12 =	ssub.s32 s2, s6  }
0xd0: {  	p0 =	sgt.s32 s12, $0x0  }
.Ltmp4:
0xd1: {  	_ = 	snop;
	(pc) =	sbr.rel @!p0 .LBB2_14-.Ltmp4, $2  }
0xd2: {  	_ =	sdelay $0x2  }
0xd3: {  	s19 =	simm.s32 $0x0;
	s17 =	simm.s32 $0x10100;
	s20 =	simm.s32 $0x12100  }
.LBB2_11:
0xd4: {  	s14 =	sshll.u32 s19, $0x7  }
0xd5: {  	s2 =	sadd.s32 $0xE100, s14  }
0xd6: {  	[tilespmem:s23], [sflag:$0x1] =	stream.indirect.gather [hbm4b:s7+s0], $0x80, s2, s0, $0xb8;
	[tilespmem:$0x13900] =	vst v63  }
0xd7: {  	s21 =	sadd.s32 $0xD500, s14  }
0xd8: {  	[tilespmem:s22], [sflag:$0x2] =	stream.indirect.gather [hbm4b:s9+s0], $0x80, s21, s0, $0xb8;
	[tilespmem:$0x13900] =	vst v63  }
0xd9: {  	_ =	swait.ge [sflag:s31], $0x2000  }
0xda: {  	[sflag:s31] =	ssyncset.done $0x0  }
0xdb: {  	[sflag:s31] =	ssyncadd.s32 $0xFFFFE000  }
0xdc: {  	_ =	swait.ge [sflag:s5], $0x2000  }
0xdd: {  	[sflag:s5] =	ssyncset.done $0x0  }
0xde: {  	s18 =	simm.s32 $0x0;
	[sflag:s5] =	ssyncadd.s32 $0xFFFFE000  }
0xdf: {  	v12 =	vld [tilespmem:s18+$0x11900]  }
0xe0: {  	v16 =	vld [tilespmem:s18+$0x11910]  }
0xe1: {  	v10 =	vld [tilespmem:s18+$0x11920]  }
0xe2: {  	v9 =	vld [tilespmem:s18+$0x11930]  }
0xe3: {  	v8 =	vld [tilespmem:s18+$0x11940]  }
0xe4: {  	v7 =	vld [tilespmem:s18+$0x11950]  }
0xe5: {  	v6 =	vld [tilespmem:s18+$0x11960]  }
0xe6: {  	v5 =	vld [tilespmem:s18+$0x11970]  }
0xe7: {  	v17 =	vld [tilespmem:s18+$0xF900]  }
0xe8: {  	v18 =	vld [tilespmem:s18+$0xF910]  }
0xe9: {  	v15 =	vld [tilespmem:s18+$0xF920]  }
0xea: {  	v14 =	vld [tilespmem:s18+$0xF930]  }
0xeb: {  	v13 =	vld [tilespmem:s18+$0xF940]  }
0xec: {  	v11 =	vld [tilespmem:s18+$0xF950];
	v17 =	vmul.f32 v12, v17  }
0xed: {  	s2 =	simm.s32 $0x200;
	v16 =	vmul.f32 v16, v18;
	v12 =	vld [tilespmem:s18+$0xF960]  }
.LBB2_12:
0xee: {  	s6 =	sshra.s32 s2, $0x2;
	p0 =	seq.s32 s2, $0x7E00;
	[tilespmem:s18+$0xF900] =	vst v17;
	v10 =	vmul.f32 v10, v15;
	v15 =	vld [tilespmem:s18+$0xF970]  }
0xef: {  	v17 =	vld [tilespmem:s6+$0x11900];
	[tilespmem:s18+$0xF910] =	vst v16;
	v9 =	vmul.f32 v9, v14  }
0xf0: {  	v16 =	vld [tilespmem:s6+$0x11910];
	[tilespmem:s18+$0xF920] =	vst v10;
	v8 =	vmul.f32 v8, v13  }
0xf1: {  	v10 =	vld [tilespmem:s6+$0x11920];
	[tilespmem:s18+$0xF930] =	vst v9;
	v7 =	vmul.f32 v7, v11  }
0xf2: {  	v9 =	vld [tilespmem:s6+$0x11930];
	[tilespmem:s18+$0xF940] =	vst v8;
	v6 =	vmul.f32 v6, v12  }
0xf3: {  	v8 =	vld [tilespmem:s6+$0x11940];
	[tilespmem:s18+$0xF950] =	vst v7;
	v5 =	vmul.f32 v5, v15  }
0xf4: {  	v7 =	vld [tilespmem:s6+$0x11950];
	[tilespmem:s18+$0xF960] =	vst v6  }
0xf5: {  	v6 =	vld [tilespmem:s6+$0x11960];
	[tilespmem:s18+$0xF970] =	vst v5;
	s18 =	smov.u32 s6  }
0xf6: {  	v5 =	vld [tilespmem:s18+$0x11970]  }
0xf7: {  	v11 =	vld [tilespmem:s18+$0xF900]  }
0xf8: {  	v12 =	vld [tilespmem:s18+$0xF910]  }
.Ltmp5:
0xf9: {  	v15 =	vld [tilespmem:s18+$0xF920];
	(pc) =	sbr.rel @!p0 .LBB2_12-.Ltmp5, $4  }
0xfa: {  	v14 =	vld [tilespmem:s18+$0xF930]  }
0xfb: {  	v13 =	vld [tilespmem:s18+$0xF940]  }
0xfc: {  	v17 =	vmul.f32 v17, v11;
	v11 =	vld [tilespmem:s18+$0xF950]  }
0xfd: {  	s2 =	sadd.s32 $0x200, s2;
	v16 =	vmul.f32 v16, v12;
	v12 =	vld [tilespmem:s18+$0xF960]  }
0xfe: {  	[tilespmem:s18+$0xF900] =	vst v17;
	v10 =	vmul.f32 v10, v15;
	v63 =	vld [tilespmem:s18+$0xF970]  }
0xff: {  	[tilespmem:s18+$0xF910] =	vst v16;
	v9 =	vmul.f32 v9, v14  }
0x100: {  	[tilespmem:s18+$0xF920] =	vst v10;
	v8 =	vmul.f32 v8, v13  }
0x101: {  	[tilespmem:s18+$0xF930] =	vst v9;
	v7 =	vmul.f32 v7, v11  }
0x102: {  	[tilespmem:s18+$0xF940] =	vst v8;
	v6 =	vmul.f32 v6, v12  }
0x103: {  	[tilespmem:s18+$0xF950] =	vst v7;
	v5 =	vmul.f32 v5, v63  }
0x104: {  	[tilespmem:s18+$0xF960] =	vst v6  }
0x105: {  	[tilespmem:s18+$0xF970] =	vst v5  }
0x106: {  	v5 =	vld [tilespmem:s14+$0xED00];
	_ =	sdelay $0x7  }
0x107: {  	[spmem:s3] =	stream.indirect_vreg.scatter.add.f32 [tilespmem:s23], [sflag:$0x3], $0x80, v5, vm0, $0xb8;
	[tilespmem:$0x13900] =	vst v63  }
0x108: {  	_ =	swait.ge [sflag:s24], $0x800  }
0x109: {  	[sflag:s24] =	ssyncset.done $0x0  }
0x10a: {  	[sflag:s24] =	ssyncadd.s32 $0xFFFFF800  }
0x10b: {  	[spmem:s4] =	stream.indirect_vreg.scatter.add.f32 [tilespmem:s22], [sflag:$0x3], $0x80, v5, vm0, $0xb8;
	[tilespmem:$0x13900] =	vst v63  }
0x10c: {  	_ =	swait.ge [sflag:s24], $0x800  }
0x10d: {  	[sflag:s24] =	ssyncset.done $0x0  }
0x10e: {  	[sflag:s24] =	ssyncadd.s32 $0xFFFFF800  }
0x10f: {  	v5 =	vld [tilespmem:s14+$0xED10];
	_ =	sdelay $0x7  }
0x110: {  	[spmem:s3] =	stream.indirect_vreg.scatter.add.f32 [tilespmem:s17], [sflag:$0x3], $0x80, v5, vm0, $0xb8;
	[tilespmem:$0x13900] =	vst v63  }
0x111: {  	_ =	swait.ge [sflag:s24], $0x800  }
0x112: {  	[sflag:s24] =	ssyncset.done $0x0  }
0x113: {  	[sflag:s24] =	ssyncadd.s32 $0xFFFFF800  }
0x114: {  	[spmem:s4] =	stream.indirect_vreg.scatter.add.f32 [tilespmem:s20], [sflag:$0x3], $0x80, v5, vm0, $0xb8;
	[tilespmem:$0x13900] =	vst v63  }
0x115: {  	_ =	swait.ge [sflag:s24], $0x800  }
0x116: {  	[sflag:s24] =	ssyncset.done $0x0  }
0x117: {  	[sflag:s24] =	ssyncadd.s32 $0xFFFFF800  }
0x118: {  	v5 =	vld [tilespmem:s14+$0xED20];
	_ =	sdelay $0x7  }
0x119: {  	[spmem:s3] =	stream.indirect_vreg.scatter.add.f32 [tilespmem:s8], [sflag:$0x3], $0x80, v5, vm0, $0xb8;
	[tilespmem:$0x13900] =	vst v63  }
0x11a: {  	_ =	swait.ge [sflag:s24], $0x800  }
0x11b: {  	[sflag:s24] =	ssyncset.done $0x0  }
0x11c: {  	[sflag:s24] =	ssyncadd.s32 $0xFFFFF800  }
0x11d: {  	[spmem:s4] =	stream.indirect_vreg.scatter.add.f32 [tilespmem:s11], [sflag:$0x3], $0x80, v5, vm0, $0xb8;
	[tilespmem:$0x13900] =	vst v63  }
0x11e: {  	_ =	swait.ge [sflag:s24], $0x800  }
0x11f: {  	[sflag:s24] =	ssyncset.done $0x0  }
0x120: {  	[sflag:s24] =	ssyncadd.s32 $0xFFFFF800  }
0x121: {  	v5 =	vld [tilespmem:s14+$0xED30];
	_ =	sdelay $0x7  }
0x122: {  	[spmem:s3] =	stream.indirect_vreg.scatter.add.f32 [tilespmem:s13], [sflag:$0x3], $0x80, v5, vm0, $0xb8;
	[tilespmem:$0x13900] =	vst v63  }
0x123: {  	s19 =	sadd.s32 $0x1, s19;
	_ =	swait.ge [sflag:s24], $0x800  }
0x124: {  	p0 =	seq.s32 s19, s12;
	[sflag:s24] =	ssyncset.done $0x0  }
.Ltmp6:
0x125: {  	[sflag:s24] =	ssyncadd.s32 $0xFFFFF800;
	(pc) =	sbr.rel @!p0 .LBB2_11-.Ltmp6, $4  }
0x126: {  	[spmem:s4] =	stream.indirect_vreg.scatter.add.f32 [tilespmem:s16], [sflag:$0x3], $0x80, v5, vm0, $0xb8;
	[tilespmem:$0x13900] =	vst v63  }
0x127: {  	_ =	swait.ge [sflag:s24], $0x800  }
0x128: {  	[sflag:s24] =	ssyncset.done $0x0  }
0x129: {  	[sflag:s24] =	ssyncadd.s32 $0xFFFFF800  }
.LBB2_14:
0x12a: {  	s2 =	simm.s32 $0x0;
	s12 =	simm.s32 $0x200  }
.LBB2_15:
0x12b: {  	p0 =	sne.s32 s12, $0x7E00;
	[tilespmem:s2+$0xF970] =	vst v0  }
0x12c: {  	[tilespmem:s2+$0xF900] =	vst v0  }
0x12d: {  	[tilespmem:s2+$0xF910] =	vst v0  }
.Ltmp7:
0x12e: {  	[tilespmem:s2+$0xF920] =	vst v0;
	(pc) =	sbr.rel @p0 .LBB2_15-.Ltmp7, $4  }
0x12f: {  	[tilespmem:s2+$0xF930] =	vst v0  }
0x130: {  	[tilespmem:s2+$0xF940] =	vst v0  }
0x131: {  	[tilespmem:s2+$0xF950] =	vst v0  }
0x132: {  	[tilespmem:s2+$0xF960] =	vst v0;
	s2 =	sshra.s32 s12, $0x2;
	s12 =	sadd.s32 $0x200, s12  }
0x133: {  	[tilespmem:s2+$0xF970] =	vst v0  }
0x134: {  	[tilespmem:s2+$0xF900] =	vst v0  }
0x135: {  	[tilespmem:s2+$0xF910] =	vst v0  }
0x136: {  	[tilespmem:s2+$0xF920] =	vst v0  }
0x137: {  	[tilespmem:s2+$0xF930] =	vst v0  }
0x138: {  	[tilespmem:s2+$0xF940] =	vst v0  }
0x139: {  	[tilespmem:s2+$0xF950] =	vst v0  }
0x13a: {  	[tilespmem:s2+$0xF960] =	vst v0;
	s17 =	rddreg [dreg:$0x9]  }
0x13b: {  	s6 =	rddreg [dreg:$0x14];
	[bflag:$0x0] =	sbarrier.arrive $0xFFFF  }
0x13c: {  	s18 =	stileid.u32;
	s2 =	sadd.s32 s17, s6;
	s12 =	rddreg [dreg:$0x2]  }
0x13d: {  	s6 =	sshll.u32 s18, $0x6;
	s2 =	sshll.u32 s2, $0x4;
	s17 =	rddreg [dreg:$0xa]  }
0x13e: {  	s6 =	sor.u32 $0x1C03, s6;
	s12 =	sadd.s32 s12, s2;
	s14 =	sshrl.u32 s17, $0x3  }
0x13f: {  	[hbm:s12], [sflag:s6] =	dma.local [spmem:s14], $0xC80  }
0x140: {  	_ =	swait.ge [sflag:s24], $0xC80  }
0x141: {  	s19 =	rddreg [dreg:$0x8]  }
0x142: {  	[sflag:s24] =	ssyncset.done $0x0;
	s20 =	rddreg [dreg:$0xb]  }
0x143: {  	[sflag:s24] =	ssyncadd.s32 $0xFFFFF380;
	s2 =	sadd.s32 s19, s2;
	s21 =	sshrl.u32 s20, $0x3  }
0x144: {  	[hbm:s2], [sflag:s6] =	dma.local [spmem:s21], $0xC80  }
0x145: {  	_ =	swait.ge [sflag:s24], $0xC80  }
0x146: {  	[sflag:s24] =	ssyncset.done $0x0  }
0x147: {  	[sflag:s24] =	ssyncadd.s32 $0xFFFFF380  }
0x148: {  	[spmem:s17] =	stream.linear.scatter [tilespmem:s23], [sflag:$0x3], $0x2000, $0x38;
	[tilespmem:$0x13900] =	vst v63  }
0x149: {  	_ =	swait.ge [sflag:s24], $0x2000  }
0x14a: {  	[sflag:s24] =	ssyncset.done $0x0  }
0x14b: {  	[sflag:s24] =	ssyncadd.s32 $0xFFFFE000  }
0x14c: {  	[spmem:s20] =	stream.linear.scatter [tilespmem:s23], [sflag:$0x3], $0x2000, $0x38;
	[tilespmem:$0x13900] =	vst v63  }
0x14d: {  	_ =	swait.ge [sflag:s24], $0x2000  }
0x14e: {  	[sflag:s24] =	ssyncset.done $0x0  }
0x14f: {  	s12 =	rddreg [dreg:$0xc];
	[sflag:s24] =	ssyncadd.s32 $0xFFFFE000  }
0x150: {  	[spmem:s12] =	stream.linear.scatter [tilespmem:s23], [sflag:$0x3], $0x2000, $0x38;
	[tilespmem:$0x13900] =	vst v63  }
0x151: {  	_ =	swait.ge [sflag:s24], $0x2000  }
0x152: {  	[sflag:s24] =	ssyncset.done $0x0  }
0x153: {  	s14 =	rddreg [dreg:$0xd];
	[sflag:s24] =	ssyncadd.s32 $0xFFFFE000  }
0x154: {  	[spmem:s14] =	stream.linear.scatter [tilespmem:s23], [sflag:$0x3], $0x2000, $0x38;
	[tilespmem:$0x13900] =	vst v63  }
0x155: {  	_ =	swait.ge [sflag:s24], $0x2000  }
0x156: {  	[sflag:s24] =	ssyncset.done $0x0  }
0x157: {  	s17 =	rddreg [dreg:$0xe];
	[sflag:s24] =	ssyncadd.s32 $0xFFFFE000  }
0x158: {  	[spmem:s17] =	stream.linear.scatter [tilespmem:s23], [sflag:$0x3], $0x2000, $0x38;
	[tilespmem:$0x13900] =	vst v63  }
0x159: {  	_ =	swait.ge [sflag:s24], $0x2000  }
0x15a: {  	[sflag:s24] =	ssyncset.done $0x0  }
0x15b: {  	s18 =	rddreg [dreg:$0xf];
	[sflag:s24] =	ssyncadd.s32 $0xFFFFE000  }
0x15c: {  	[spmem:s18] =	stream.linear.scatter [tilespmem:s23], [sflag:$0x3], $0x2000, $0x38;
	[tilespmem:$0x13900] =	vst v63  }
0x15d: {  	_ =	swait.ge [sflag:s24], $0x2000  }
0x15e: {  	[sflag:s24] =	ssyncset.done $0x0  }
0x15f: {  	s19 =	rddreg [dreg:$0x10];
	[sflag:s24] =	ssyncadd.s32 $0xFFFFE000  }
0x160: {  	[spmem:s19] =	stream.linear.scatter [tilespmem:s23], [sflag:$0x3], $0x400, $0x38;
	[tilespmem:$0x13900] =	vst v63  }
0x161: {  	_ =	swait.ge [sflag:s24], $0x400  }
0x162: {  	[sflag:s24] =	ssyncset.done $0x0  }
0x163: {  	s20 =	rddreg [dreg:$0x11];
	[sflag:s24] =	ssyncadd.s32 $0xFFFFFC00  }
0x164: {  	[spmem:s20] =	stream.linear.scatter [tilespmem:s23], [sflag:$0x3], $0x400, $0x38;
	[tilespmem:$0x13900] =	vst v63  }
0x165: {  	_ =	swait.ge [sflag:s24], $0x400  }
0x166: {  	s21 =	rddreg [dreg:$0x13]  }
0x167: {  	s6 =	sadd.s32 $0x1, s21  }
0x168: {  	p0 =	sne.s32 s6, $0x32  }
.Ltmp8:
0x169: {  	_ = 	snop;
	(pc) =	sbr.rel @p0 .LBB2_4-.Ltmp8, $3  }
0x16a: {  	[sflag:s24] =	ssyncset.done $0x0  }
0x16b: {  	[sflag:s24] =	ssyncadd.s32 $0xFFFFFC00  }
0x16c: {  	[bflag:$0x0] =	sbarrier.arrive $0xFFFF;
	_ =	sdelay $0x1  }
0x16d: {  	s12 =	rddreg [dreg:$0x6]  }
0x16e: {  	s2 =	rddreg [dreg:$0x12];
	s12 =	sadd.s32 $0x1, s12  }
0x16f: {  	p0 =	sne.s32 s12, s2  }
.Ltmp9:
0x170: {  	_ = 	snop;
	(pc) =	sbr.rel @p0 .LBB2_1-.Ltmp9, $1  }
0x171: {  	_ =	sdelay $0x3  }
0x172: {  	_ =	sfence.sel $0x180000  }
0x173: {  	[bflag:$0x0] =	sbarrier.arrive $0xFFFF  }
0x174: {  	_ =	strace $0x9000004A  }
0x175: {  	s0 =	stileid.u32;
	[bflag:$0x2] =	sbarrier.arrive $0xFFFF  }
0x176: {  	p0 =	sne.s32 s0, $0x0;
	s0 =	rddreg [dreg:$0x5]  }
0x177: {  	s0 =	sadd.s32 @!p0 $0x100000, s0  }
0x178: {  	[sflag:s0] =	ssyncadd.tile.s32 @!p0 $0x1;
	_ =	shalt  }
.Lfunc_end2:
_tile_overlayer_lowered:
.L_overlay_start_2:
0x179: {  	(tag) =	ssettag $0x2  }
0x17a: {  	s0 =	rddreg [dreg:$0x0];
	s2 =	stileid.u32  }
0x17b: {  	s1 =	rddreg [dreg:$0x1];
	p0 =	sne.s32 s2, $0x0  }
0x17c: {  	s3 =	rddreg [dreg:$0x2];
	[bflag:$0x3] =	sbarrier.arrive $0xFFFF;
	s2 =	simm.s32 @!p0 $0x1C03  }
0x17d: {  	[timem:s3], [sflag:s2] =	dma.local @!p0 [hbm:s0], s1  }
0x17e: {  	s0 =	simm.s32 @!p0 $0x3  }
0x17f: {  	_ =	swait.ge @!p0 [sflag:s0], s1  }
0x180: {  	s1 =	ssub.s32 @!p0 $0x0, s1;
	[sflag:s0] =	ssyncset.done @!p0 $0x0  }
0x181: {  	[sflag:s0] =	ssyncadd.s32 @!p0 s1  }
0x182: {  	[bflag:$0x3] =	sbarrier.arrive $0xFFFF  }
0x183: {  	_ =	shalt  }

// kernel: kernel.16.cloned.1.call-start
scs
__scs_entry_jumppad:
0x0: {  	(pc) =	sbr.rel $0x88, $3  }
0x1: {  	(tag) =	ssettag $0x0;
	lr =	simm.s32 $0x1  }
0x2: {  	[smem:$0x3F88] =	sst lr;
	_ =	strace $0xD0000000  }
0x3: {  	_ = 	snop  }
0x4: {  	_ = 	snop  }
0x5: {  	_ = 	snop  }
0x6: {  	_ = 	snop  }
0x7: {  	_ = 	snop  }
__scs_overlays_trampoline_lowered:
0x8: {  	[smem:$0x3F97] =	sst s0  }
0x9: {  	[smem:$0x3F98] =	sst s1  }
0xa: {  	[smem:$0x3F99] =	sst s2  }
0xb: {  	[smem:$0x3F9A] =	sst s3  }
0xc: {  	[smem:$0x3F9B] =	sst s4  }
0xd: {  	[smem:$0x3F9C] =	sst s5  }
0xe: {  	[smem:$0x3F9D] =	sst s6  }
0xf: {  	[smem:$0x3F9E] =	sst s7  }
0x10: {  	[smem:$0x3F9F] =	sst s8  }
0x11: {  	[smem:$0x3FA0] =	sst s9;
	s0 =	simm.s32 @!p0 $0x0  }
0x12: {  	s1 =	sld [smem:$0x3F86];
	s0 =	simm.s32 @p0 $0x1  }
0x13: {  	[smem:$0x3FA1] =	sst s0;
	s0 =	simm.s32 @!p1 $0x0  }
0x14: {  	s2 =	sld [smem:$0x3F85];
	s0 =	simm.s32 @p1 $0x1  }
0x15: {  	[smem:$0x3FA2] =	sst s0;
	s0 =	simm.s32 @!p2 $0x0  }
0x16: {  	s3 =	sld [smem:$0x3FDB];
	s0 =	simm.s32 @p2 $0x1  }
0x17: {  	s4 =	simm.s32 $0x1BF5;
	[smem:$0x3FA4] =	sst s0  }
0x18: {  	s0 =	sld [smem:$0x3F87];
	_ =	swait.ge [sflag:s4], $0x0  }
0x19: {  	s7 =	sld [smem:$0x3F88]  }
0x1a: {  	s8 =	sadd.s32 $0xFFFFE003, lr  }
0x1b: {  	s9 =	sadd.s32 $0xFFFFFEF7, lr;
	s5 =	simm.s32 $0xFFFFFFFF;
	p2 =	slt.u32 s8, $0xFFFFF086  }
0x1c: {  	p1 =	slt.u32 s9, $0xF7A;
	s5 =	simm.s32 @!p2 $0x0  }
0x1d: {  	s5 =	simm.s32 @p1 $0x1;
	p0 =	seq.s32 s7, s2  }
0x1e: {  	s7 =	smul.u32 @!p0 $0xF7A, s2;
	p2 =	seq.s32 @!p0 s5, $0x0  }
0x1f: {  	s9 =	smul.u32 $0xF7A, s1;
	s8 =	simm.s32 @!p0 $0x1BF5;
	p2 =	por !p2, p0  }
0x20: {  	[sflag:s8] =	ssyncset.s32 @!p0 $0xFFFFF086;
	s6 =	sadd.s32 @!p0 s3, s7;
	s7 =	simm.s32 @!p0 $0x108  }
0x21: {  	s3 =	sadd.s32 s3, s9;
	s6 =	sadd.s32 @!p0 $0x88, s6;
	s7 =	simm.s32 @p2 $0x1082  }
0x22: {  	[simem:s7], [sflag:s8] =	dma.local @!p0 [hbm:s6], $0xF7A  }
0x23: {  	s9 =	sor.u32 $0xD0000000, s2;
	s6 =	simm.s32 $0x108;
	_ =	swait.ge @!p0 [sflag:s8], $0x0  }
0x24: {  	s3 =	sadd.s32 $0x88, s3;
	s6 =	simm.s32 @!p1 $0x1082;
	[sflag:s4] =	ssyncset.s32 $0xFFFFF086  }
0x25: {  	[simem:s6], [sflag:s4] =	dma.local [hbm:s3], $0xF7A  }
0x26: {  	[smem:$0x3F88] =	sst s1;
	(tag) =	ssettag s2;
	_ =	strace s9  }
0x27: {  	s1 =	sld [smem:$0x3F98]  }
0x28: {  	s2 =	sld [smem:$0x3F99]  }
0x29: {  	s4 =	sld [smem:$0x3F9B]  }
0x2a: {  	p0 =	seq.s32 s5, $0x0;
	s5 =	sld [smem:$0x3F9C]  }
0x2b: {  	s6 =	sld [smem:$0x3F9D]  }
0x2c: {  	s7 =	sld [smem:$0x3F9E]  }
0x2d: {  	s3 =	simm.s32 $0x108;
	s8 =	sld [smem:$0x3F9F]  }
0x2e: {  	s3 =	simm.s32 @!p0 $0x1082;
	s9 =	sld [smem:$0x3FA0]  }
0x2f: {  	lr =	sadd.s32 s0, s3;
	s0 =	sld [smem:$0x3F97]  }
0x30: {  	s3 =	sld [smem:$0x3F9A]  }
0x31: {  	[smem:$0x3FA3] =	sst s10  }
0x32: {  	s10 =	sld [smem:$0x3FA1];
	_ =	sdelay $0x3  }
0x33: {  	p0 =	seq.s32 s10, $0x1;
	s10 =	sld [smem:$0x3FA3];
	_ =	sdelay $0x3  }
0x34: {  	[smem:$0x3FA3] =	sst s10  }
0x35: {  	s10 =	sld [smem:$0x3FA2];
	_ =	sdelay $0x3  }
0x36: {  	p1 =	seq.s32 s10, $0x1;
	s10 =	sld [smem:$0x3FA3];
	_ =	sdelay $0x3  }
0x37: {  	[smem:$0x3FA3] =	sst s10  }
0x38: {  	s10 =	sld [smem:$0x3FA4]  }
0x39: {  	_ = 	snop;
	(pc) =	sbr.ind lr, $3  }
0x3a: {  	_ = 	snop  }
0x3b: {  	_ = 	snop  }
0x3c: {  	p2 =	seq.s32 s10, $0x1;
	s10 =	sld [smem:$0x3FA3]  }
0x3d: {  	_ =	shalt  }
0x3e: {  	_ =	shalt  }
0x3f: {  	_ =	shalt  }
0x40: {  	_ =	shalt  }
0x41: {  	_ =	shalt  }
0x42: {  	_ =	shalt  }
0x43: {  	_ =	shalt  }
0x44: {  	_ =	shalt  }
0x45: {  	_ =	shalt  }
0x46: {  	_ =	shalt  }
0x47: {  	_ =	shalt  }
0x48: {  	_ =	shalt  }
0x49: {  	_ =	shalt  }
0x4a: {  	_ =	shalt  }
0x4b: {  	_ =	shalt  }
0x4c: {  	_ =	shalt  }
0x4d: {  	_ =	shalt  }
0x4e: {  	_ =	shalt  }
0x4f: {  	_ =	shalt  }
0x50: {  	_ =	shalt  }
0x51: {  	_ =	shalt  }
0x52: {  	_ =	shalt  }
0x53: {  	_ =	shalt  }
0x54: {  	_ =	shalt  }
0x55: {  	_ =	shalt  }
0x56: {  	_ =	shalt  }
0x57: {  	_ =	shalt  }
0x58: {  	_ =	shalt  }
0x59: {  	_ =	shalt  }
0x5a: {  	_ =	shalt  }
0x5b: {  	_ =	shalt  }
0x5c: {  	_ =	shalt  }
0x5d: {  	_ =	shalt  }
0x5e: {  	_ =	shalt  }
0x5f: {  	_ =	shalt  }
0x60: {  	_ =	shalt  }
0x61: {  	_ =	shalt  }
0x62: {  	_ =	shalt  }
0x63: {  	_ =	shalt  }
0x64: {  	_ =	shalt  }
0x65: {  	_ =	shalt  }
0x66: {  	_ =	shalt  }
0x67: {  	_ =	shalt  }
0x68: {  	_ =	shalt  }
0x69: {  	_ =	shalt  }
0x6a: {  	_ =	shalt  }
0x6b: {  	_ =	shalt  }
0x6c: {  	_ =	shalt  }
0x6d: {  	_ =	shalt  }
0x6e: {  	_ =	shalt  }
0x6f: {  	_ =	shalt  }
0x70: {  	_ =	shalt  }
0x71: {  	_ =	shalt  }
0x72: {  	_ =	shalt  }
0x73: {  	_ =	shalt  }
0x74: {  	_ =	shalt  }
0x75: {  	_ =	shalt  }
0x76: {  	_ =	shalt  }
0x77: {  	_ =	shalt  }
0x78: {  	_ =	shalt  }
0x79: {  	_ =	shalt  }
0x7a: {  	_ =	shalt  }
0x7b: {  	_ =	shalt  }
0x7c: {  	_ =	shalt  }
0x7d: {  	_ =	shalt  }
0x7e: {  	_ =	shalt  }
0x7f: {  	_ =	shalt  }
0x80: {  	_ =	shalt  }
0x81: {  	_ =	shalt  }
0x82: {  	_ =	shalt  }
0x83: {  	_ =	shalt  }
0x84: {  	_ =	shalt  }
0x85: {  	_ =	shalt  }
0x86: {  	_ =	shalt  }
0x87: {  	_ =	shalt  }
.Lfunc_end0:
.L_simem_size_0:
called_computation.2_lowered:
.L_overlay_start_0:
0x88: {  	s2 =	sld [smem:$0x3FD9]  }
0x89: {  	s3 =	sld [smem:$0x3FFE];
	_ =	sdelay $0x1  }
0x8a: {  	s1 =	srdreg.scid  }
0x8b: {  	s0 =	sand.u32 $0x1, s1  }
0x8c: {  	s16 =	sshll.u32 s0, $0xA;
	s2 =	sadd.s32 s3, s2  }
0x8d: {  	s2 =	sadd.s32 s2, s16  }
0x8e: {  	[smem:$0x3FAF] =	sst s2  }
0x8f: {  	_ = 	snop  }
0x90: {  	(tm) =	ssettm $0x1  }
0x91: {  	s17 =	sld [smem:$0x3FFB];
	_ =	sdelay $0x3  }
0x92: {  	_ =	strace s17  }
0x93: {  	s2 =	sld [smem:$0x3FFC];
	_ =	sdelay $0x3  }
0x94: {  	_ =	strace s2  }
0x95: {  	s2 =	sld [smem:$0x3FFD];
	_ =	sdelay $0x3  }
0x96: {  	_ =	strace s2  }
0x97: {  	_ =	strace $0x8FFFFFFF  }
0x98: {  	s18 =	sld [smem:$0x3FDB];
	_ =	sdelay $0x1  }
0x99: {  	s19 =	simm.s32 $_scs_section_size  }
0x9a: {  	s4 =	simm.s32 $_size__tile_overlayer_lowered;
	s5 =	simm.s32 $_tile_overlayer_lowered  }
0x9b: {  	s22 =	simm.s32 $0x1BFF;
	s21 =	sshll.u32 s5, $0x1;
	s2 =	sadd.s32 s19, s18  }
0x9c: {  	s6 =	simm.s32 $0x0;
	s20 =	sshll.u32 s4, $0x1;
	s4 =	sadd.s32 s21, s2  }
0x9d: {  	[timem:s6], [sflag:s22] =	dma.local [hbm:s4], s20  }
0x9e: {  	_ =	swait.ge [sflag:s22], s20  }
0x9f: {  	s3 =	ssub.s32 $0x0, s20;
	[sflag:s22] =	ssyncset.done $0x0  }
0xa0: {  	[sflag:s22] =	ssyncadd.s32 s3;
	_ =	sdelay $0x1  }
0xa1: {  	s23 =	simm.s32 $0x1B8B  }
0xa2: {  	_ =	swait.ge [sflag:s23], $0x1  }
0xa3: {  	[sflag:s23] =	ssyncset.done $0x0  }
0xa4: {  	s25 =	simm.s32 $0x1B8E;
	s24 =	sld [smem:$0x3FFE];
	[sflag:s23] =	ssyncadd.s32 $0xFFFFFFFF  }
0xa5: {  	s26 =	simm.s32 $execute0_lowered;
	[smem:$0x3FD2] =	sst s25  }
0xa6: {  	s4 =	sshll.u32 s26, $0x1;
	_ =	strace $0x8000004C;
	[dreg:$0x1] =	wrdreg $0xFFFFFFFF  }
0xa7: {  	s28 =	simm.s32 $_size_execute0_lowered;
	s2 =	sadd.s32 s2, s4;
	[dreg:$0x0] =	wrdreg $0x0  }
0xa8: {  	s4 =	sshll.u32 s28, $0x1;
	[dreg:$0x2] =	wrdreg s2  }
0xa9: {  	[dreg:$0x3] =	wrdreg s4  }
0xaa: {  	[dreg:$0x4] =	wrdreg $0xC0  }
0xab: {  	_ =	task [dreg:s6], $0x5FFFF  }
0xac: {  	[dreg:$0x1] =	wrdreg $0xFFFFFFFF  }
0xad: {  	[dreg:$0x0] =	wrdreg $0x60  }
0xae: {  	[dreg:$0x2] =	wrdreg s24  }
0xaf: {  	[dreg:$0x3] =	wrdreg $0x0  }
0xb0: {  	[dreg:$0x4] =	wrdreg $0x9  }
0xb1: {  	_ =	task.clear_ibuf [dreg:s6], $0x5FFFF;
	_ =	strace $0x9000004C  }
0xb2: {  	s29 =	simm.s32 $0x9;
	_ =	strace $0x8000004E  }
0xb3: {  	_ =	swait.ge [sflag:s29], $0x1  }
0xb4: {  	[sflag:s29] =	ssyncadd.s32 $0xFFFFFFFF  }
0xb5: {  	_ =	strace $0x9000004E  }
0xb6: {  	_ =	sfence  }
0xb7: {  	s30 =	sld [smem:$0x0];
	_ =	sdelay $0x2  }
0xb8: {  	s31 =	sshll.u32 s1, $0xD;
	s1 =	sshrl.u32 s1, $0x2  }
0xb9: {  	s3 =	sand.u32 $0x4000, s31;
	s1 =	sadd.s32 s1, s30  }
0xba: {  	s0 =	sor.u32 s3, s0;
	s1 =	sshll.u32 s1, $0x11  }
0xbb: {  	s0 =	sor.u32 s1, s0  }
0xbc: {  	s0 =	sadd.s32 $0x8F2B, s0  }
0xbd: {  	[sflag:s0] =	ssyncadd.remote.s32 $0x1  }
0xbe: {  	_ =	sfence.sel $0xFFFF  }
0xbf: {  	[dreg:$0x0] =	wrdreg $0xFFFFFFFF;
	(pc) =	sbr.abs _section_cstart, $3  }
0xc0: {  	[dreg:$0x1] =	wrdreg $0xFFFFFFFF  }
0xc1: {  	_ =	task.clear_ibuf [dreg:s6], $0x2FFFF;
	_ =	strace $0x9FFFFFFF  }
0xc2: {  	(tm) =	ssettm $0x7FFFFFFF  }
0xc3: {  	_ =	shalt  }
tec
execute0_lowered:
.L_overlay_start_1:
0x0: {  	(tag) =	ssettag $0x1  }
0x1: {  	s0 =	srdreg.scid;
	s5 =	rddreg [dreg:$0x0]  }
0x2: {  	s2 =	rddreg [dreg:$0x1];
	s4 =	sand.u32 $0x1, s0  }
0x3: {  	s1 =	rddreg [dreg:$0x2];
	s3 =	simm.s32 $0x0;
	s6 =	smul.u32 $0x271000, s4  }
0x4: {  	s14 =	simm.s32 $0x1;
	s0 =	stileid.u32;
	s7 =	smul.u32 $0x27100, s4  }
0x5: {  	s15 =	simm.s32 $0x16080;
	s16 =	simm.s32 $0x14080;
	s8 =	smul.u32 $0x2710, s0  }
0x6: {  	s17 =	simm.s32 $0x14880;
	s18 =	simm.s32 $0x15080;
	s9 =	smul.u32 $0x138800, s4  }
0x7: {  	s19 =	simm.s32 $0x15880;
	[smem:$0x7FF] =	sst s3;
	s10 =	smul.u32 $0x1F400, s0  }
0x8: {  	s22 =	simm.s32 $0x0;
	_ =	strace $0x8000004D;
	s25 =	smul.u32 $0x7D000, s0  }
0x9: {  	s4 =	ssub.s32 $0x2, s4;
	s13 =	smul.u32 $0x27100, s0;
	p0 =	sgt.u32 s0, $0x9  }
0xa: {  	s29 =	sshrl.u32 s4, $0x1;
	s20 =	sshll.u32 @!p0 s0, $0x6;
	s11 =	sadd.s32 s6, s5  }
0xb: {  	s23 =	sadd.s32 s8, s7;
	s24 =	sadd.s32 s10, s9;
	s30 =	sshrl.u32 s25, $0x2  }
0xc: {  	s31 =	ssub.s32 s4, s29;
	s20 =	sor.u32 @!p0 $0x1C01, s20;
	s6 =	sshrl.u32 s23, $0x3  }
0xd: {  	s26 =	sshrl.u32 s24, $0x3;
	s4 =	sadd.s32 s30, s2;
	s11 =	sadd.s32 s13, s11  }
0xe: {  	s10 =	smax.u32 s31, $0x1;
	s13 =	simm.s32 $0x13880;
	s12 =	sadd.s32 s6, s5  }
0xf: {  	s28 =	sadd.s32 s26, s5;
	s5 =	sadd.s32 $0x6400, s4;
	s6 =	sadd.s32 $0xC800, s4  }
0x10: {  	s7 =	sadd.s32 $0x12C00, s4;
	s8 =	sadd.s32 $0x19000, s4;
	s11 =	sadd.s32 $0x4F9600, s11  }
0x11: {  	v0 =	vimm.f32 $0.0e+00;
	vm0 =	vmmov $0xffff;
	s21 =	sshrl.u32 @!p0 s4, $0x3;
	s9 =	sadd.s32 $0x3C00, s28;
	s12 =	sadd.s32 $0x9DB600, s12  }
.LBB2_1:
0x12: {  	s23 =	simm.s32 $0x0;
	s24 =	simm.s32 $0x200  }
.LBB2_2:
0x13: {  	p1 =	sne.s32 s24, $0x18E00;
	[tilespmem:s23+$0x16170] =	vst v0  }
0x14: {  	[tilespmem:s23+$0x16100] =	vst v0  }
0x15: {  	[tilespmem:s23+$0x16110] =	vst v0  }
.Ltmp0:
0x16: {  	[tilespmem:s23+$0x16120] =	vst v0;
	(pc) =	sbr.rel @p1 .LBB2_2-.Ltmp0, $4  }
0x17: {  	[tilespmem:s23+$0x16130] =	vst v0  }
0x18: {  	[tilespmem:s23+$0x16140] =	vst v0  }
0x19: {  	[tilespmem:s23+$0x16150] =	vst v0  }
0x1a: {  	[tilespmem:s23+$0x16160] =	vst v0;
	s23 =	sshra.s32 s24, $0x2;
	s24 =	sadd.s32 $0x200, s24  }
0x1b: {  	[tilespmem:s23+$0x16170] =	vst v0  }
0x1c: {  	[tilespmem:s23+$0x16100] =	vst v0  }
0x1d: {  	[tilespmem:s23+$0x16110] =	vst v0  }
0x1e: {  	[tilespmem:s23+$0x16120] =	vst v0  }
0x1f: {  	[tilespmem:s23+$0x16130] =	vst v0  }
0x20: {  	[tilespmem:s23+$0x16140] =	vst v0  }
0x21: {  	[tilespmem:s23+$0x16150] =	vst v0  }
0x22: {  	[tilespmem:s23+$0x16160] =	vst v0;
	s23 =	simm.s32 @!p0 $0x16100;
	s24 =	simm.s32 @!p0 $0x1  }
0x23: {  	[spmem:s4] =	stream.linear.scatter @!p0 [tilespmem:s23], [sflag:$0x1], $0x6400, $0x38;
	[tilespmem:$0x1C500] =	vst v63  }
0x24: {  	_ =	swait.ge @!p0 [sflag:s24], $0x6400  }
0x25: {  	[sflag:s24] =	ssyncset.done @!p0 $0x0  }
0x26: {  	[sflag:s24] =	ssyncadd.s32 @!p0 $0xFFFF9C00  }
0x27: {  	[spmem:s5] =	stream.linear.scatter @!p0 [tilespmem:s23], [sflag:$0x1], $0x6400, $0x38;
	[tilespmem:$0x1C500] =	vst v63  }
0x28: {  	_ =	swait.ge @!p0 [sflag:s24], $0x6400  }
0x29: {  	[sflag:s24] =	ssyncset.done @!p0 $0x0  }
0x2a: {  	[sflag:s24] =	ssyncadd.s32 @!p0 $0xFFFF9C00  }
0x2b: {  	[spmem:s6] =	stream.linear.scatter @!p0 [tilespmem:s23], [sflag:$0x1], $0x6400, $0x38;
	[tilespmem:$0x1C500] =	vst v63  }
0x2c: {  	_ =	swait.ge @!p0 [sflag:s24], $0x6400  }
0x2d: {  	[sflag:s24] =	ssyncset.done @!p0 $0x0  }
0x2e: {  	[sflag:s24] =	ssyncadd.s32 @!p0 $0xFFFF9C00  }
0x2f: {  	[spmem:s7] =	stream.linear.scatter @!p0 [tilespmem:s23], [sflag:$0x1], $0x6400, $0x38;
	[tilespmem:$0x1C500] =	vst v63  }
0x30: {  	_ =	swait.ge @!p0 [sflag:s24], $0x6400  }
0x31: {  	[sflag:s24] =	ssyncset.done @!p0 $0x0  }
0x32: {  	[sflag:s24] =	ssyncadd.s32 @!p0 $0xFFFF9C00  }
0x33: {  	[spmem:s8] =	stream.linear.scatter @!p0 [tilespmem:s23], [sflag:$0x1], $0x6400, $0x38;
	[tilespmem:$0x1C500] =	vst v63  }
0x34: {  	_ =	swait.ge @!p0 [sflag:s24], $0x6400  }
0x35: {  	[sflag:s24] =	ssyncset.done @!p0 $0x0  }
0x36: {  	[sflag:s24] =	ssyncadd.s32 @!p0 $0xFFFF9C00  }
0x37: {  	s23 =	simm.s32 $0x0;
	s24 =	smov.u32 s11;
	[bflag:$0x0] =	sbarrier.arrive $0xFFFF  }
.LBB2_4:
0x38: {  	[tilespmem:s13], [sflag:$0x1] =	stream.linear.gather [hbm4b:s24+s3], $0x2800, $0x38;
	[tilespmem:$0x1C500] =	vst v63  }
0x39: {  	_ =	swait.ge [sflag:s14], $0x2800  }
0x3a: {  	[sflag:s14] =	ssyncset.done $0x0  }
0x3b: {  	s25 =	sadd.s32 s23, s12;
	[sflag:s14] =	ssyncadd.s32 $0xFFFFD800  }
0x3c: {  	[tilespmem:s15], [sflag:$0x1] =	stream.linear.gather [hbm4b:s25+s3], $0x50, $0x38;
	[tilespmem:$0x1C500] =	vst v63  }
0x3d: {  	_ =	swait.ge [sflag:s14], $0x50  }
0x3e: {  	[sflag:s14] =	ssyncset.done $0x0  }
0x3f: {  	[sflag:s14] =	ssyncadd.s32 $0xFFFFFFB0  }
0x40: {  	v1 =	vld [tilespmem:$0x16080];
	_ =	sdelay $0x7  }
0x41: {  	[spmem:s2] =	stream.indirect_vreg.scatter.add.f32 [tilespmem:s13], [sflag:$0x1], $0x80, v1, vm0, $0xb8;
	[tilespmem:$0x1C500] =	vst v63  }
0x42: {  	_ =	swait.ge [sflag:s14], $0x800  }
0x43: {  	[sflag:s14] =	ssyncset.done $0x0  }
0x44: {  	[sflag:s14] =	ssyncadd.s32 $0xFFFFF800  }
0x45: {  	v1 =	vld [tilespmem:$0x16090];
	_ =	sdelay $0x7  }
0x46: {  	[spmem:s2] =	stream.indirect_vreg.scatter.add.f32 [tilespmem:s16], [sflag:$0x1], $0x80, v1, vm0, $0xb8;
	[tilespmem:$0x1C500] =	vst v63  }
0x47: {  	_ =	swait.ge [sflag:s14], $0x800  }
0x48: {  	[sflag:s14] =	ssyncset.done $0x0  }
0x49: {  	[sflag:s14] =	ssyncadd.s32 $0xFFFFF800  }
0x4a: {  	v1 =	vld [tilespmem:$0x160A0];
	_ =	sdelay $0x7  }
0x4b: {  	[spmem:s2] =	stream.indirect_vreg.scatter.add.f32 [tilespmem:s17], [sflag:$0x1], $0x80, v1, vm0, $0xb8;
	[tilespmem:$0x1C500] =	vst v63  }
0x4c: {  	_ =	swait.ge [sflag:s14], $0x800  }
0x4d: {  	[sflag:s14] =	ssyncset.done $0x0  }
0x4e: {  	[sflag:s14] =	ssyncadd.s32 $0xFFFFF800  }
0x4f: {  	v1 =	vld [tilespmem:$0x160B0];
	_ =	sdelay $0x7  }
0x50: {  	[spmem:s2] =	stream.indirect_vreg.scatter.add.f32 [tilespmem:s18], [sflag:$0x1], $0x80, v1, vm0, $0xb8;
	[tilespmem:$0x1C500] =	vst v63  }
0x51: {  	_ =	swait.ge [sflag:s14], $0x800  }
0x52: {  	[sflag:s14] =	ssyncset.done $0x0  }
0x53: {  	[sflag:s14] =	ssyncadd.s32 $0xFFFFF800  }
0x54: {  	v1 =	vld [tilespmem:$0x160C0];
	_ =	sdelay $0x5  }
0x55: {  	p1 =	sne.s32 s23, $0x4D8  }
.Ltmp1:
0x56: {  	_ = 	snop;
	(pc) =	sbr.rel @p1 .LBB2_4-.Ltmp1, $4  }
0x57: {  	[spmem:s2] =	stream.indirect_vreg.scatter.add.f32 [tilespmem:s19], [sflag:$0x1], $0x80, v1, vm0, $0xb8;
	[tilespmem:$0x1C500] =	vst v63  }
0x58: {  	_ =	swait.ge [sflag:s14], $0x800  }
0x59: {  	[sflag:s14] =	ssyncset.done $0x0  }
0x5a: {  	s24 =	sadd.s32 $0x500, s24;
	s23 =	sadd.s32 $0xA, s23;
	[sflag:s14] =	ssyncadd.s32 $0xFFFFF800  }
0x5b: {  	s22 =	sadd.s32 $0x1, s22  }
0x5c: {  	p1 =	sne.s32 s22, s10  }
.Ltmp2:
0x5d: {  	[bflag:$0x0] =	sbarrier.arrive $0xFFFF;
	s23 =	simm.s32 @!p0 $0x1;
	(pc) =	sbr.rel @p1 .LBB2_1-.Ltmp2, $4  }
0x5e: {  	[hbm:s9], [sflag:s20] =	dma.local @!p0 [spmem:s21], $0x3E80  }
0x5f: {  	_ =	swait.ge @!p0 [sflag:s23], $0x3E80  }
0x60: {  	[sflag:s23] =	ssyncset.done @!p0 $0x0  }
0x61: {  	[sflag:s23] =	ssyncadd.s32 @!p0 $0xFFFFC180  }
0x62: {  	_ =	sfence.sel $0x180000  }
0x63: {  	[bflag:$0x0] =	sbarrier.arrive $0xFFFF  }
0x64: {  	p0 =	sne.s32 s0, $0x0;
	_ =	strace $0x9000004D  }
0x65: {  	s0 =	sadd.s32 @!p0 $0x100000, s1;
	[bflag:$0x2] =	sbarrier.arrive $0xFFFF  }
0x66: {  	[sflag:s0] =	ssyncadd.tile.s32 @!p0 $0x1;
	_ =	shalt  }
.Lfunc_end2:
_tile_overlayer_lowered:
.L_overlay_start_2:
0x67: {  	(tag) =	ssettag $0x2  }
0x68: {  	s0 =	rddreg [dreg:$0x0];
	s2 =	stileid.u32  }
0x69: {  	s1 =	rddreg [dreg:$0x1];
	p0 =	sne.s32 s2, $0x0  }
0x6a: {  	s3 =	rddreg [dreg:$0x2];
	[bflag:$0x3] =	sbarrier.arrive $0xFFFF;
	s2 =	simm.s32 @!p0 $0x1C01  }
0x6b: {  	[timem:s3], [sflag:s2] =	dma.local @!p0 [hbm:s0], s1  }
0x6c: {  	s0 =	simm.s32 @!p0 $0x1  }
0x6d: {  	_ =	swait.ge @!p0 [sflag:s0], s1  }
0x6e: {  	s1 =	ssub.s32 @!p0 $0x0, s1;
	[sflag:s0] =	ssyncset.done @!p0 $0x0  }
0x6f: {  	[sflag:s0] =	ssyncadd.s32 @!p0 s1  }
0x70: {  	[bflag:$0x3] =	sbarrier.arrive $0xFFFF  }
0x71: {  	_ =	shalt  }

</sc_bundles>
